<compile_context>
chip_gen: v7x
topology: tpu7x:2x2x1
jax: 0.10.2.dev20260603
libtpu: 0.0.44.dev20260713+nightly
codegen_flags: <defaults>
</compile_context>

<pallas_src>
import functools

import jax
import jax.numpy as jnp
from jax import lax
from jax.experimental import pallas as pl
from jax.experimental.pallas import tpu as pltpu
from jax.experimental.pallas import tpu_sc as plsc

PAD = 1
B_ROWS = 4
SEQ = 2048
EMB = 1024
TOKENS = B_ROWS * SEQ

NC = 2
NS = 16
NW = NC * NS
CHUNK = TOKENS // NW
CHUNKS_PER_ROW = SEQ // CHUNK
LANES = 16
NBUF = 2
BMAX = 48

BS = (48, 48, 48, 48, 48, 16)
OFFS = tuple(sum(BS[:i]) for i in range(len(BS)))
assert sum(BS) == CHUNK and all(o % 8 == 0 for o in OFFS)


def _sc_kernel(tok_hbm, w_hbm, out_hbm, tok_v, pos_v, shf_v, buf0, buf1,
               gsem0, gsem1, osem0, osem1):
  wid = lax.axis_index("s") * NC + lax.axis_index("c")
  row = wid // CHUNKS_PER_ROW
  chunk = wid % CHUNKS_PER_ROW
  t0 = chunk * CHUNK
  base = row * SEQ + t0

  pltpu.sync_copy(tok_hbm.at[pl.ds(row * SEQ, SEQ)], tok_v)

  shf_v[pl.ds(0, LANES)] = jnp.zeros((LANES,), jnp.int32)

  def cumsum16(x):
    for k in (1, 2, 4, 8):
      shf_v[pl.ds(LANES, LANES)] = x
      x = x + shf_v[pl.ds(LANES - k, LANES)]
    return x

  def mask16(v):
    return jnp.minimum(jnp.abs(v - PAD), 1)

  def count_body(jj, accs):
    a0, a1, a2, a3 = accs
    b = jj * (4 * LANES)
    a0 = a0 + mask16(tok_v[pl.ds(b, LANES)])
    a1 = a1 + mask16(tok_v[pl.ds(b + LANES, LANES)])
    a2 = a2 + mask16(tok_v[pl.ds(b + 2 * LANES, LANES)])
    a3 = a3 + mask16(tok_v[pl.ds(b + 3 * LANES, LANES)])
    return a0, a1, a2, a3

  zeros = jnp.zeros((LANES,), jnp.int32)
  a0, a1, a2, a3 = lax.fori_loop(0, t0 // (4 * LANES), count_body,
                                 (zeros, zeros, zeros, zeros))
  carry = cumsum16((a0 + a1) + (a2 + a3))[LANES - 1]

  bufs = (buf0, buf1)
  gsems = (gsem0, gsem1)
  osems = (osem0, osem1)
  NSUB = len(BS)

  def gather(i):
    b = i % NBUF
    return pltpu.async_copy(w_hbm.at[pos_v.at[pl.ds(OFFS[i], BS[i])]],
                            bufs[b].at[pl.ds(0, BS[i])], gsems[b])

  def put(i):
    b = i % NBUF
    return pltpu.async_copy(bufs[b].at[pl.ds(0, BS[i])],
                            out_hbm.at[pl.ds(base + OFFS[i], BS[i])],
                            osems[b])

  gh = [None] * NSUB
  oh = [None] * NSUB
  waited = set()
  g_done = 0
  for i in range(NSUB):
    need = (OFFS[i] + BS[i] + LANES - 1) // LANES
    while g_done < need:
      v = tok_v[pl.ds(t0 + g_done * LANES, LANES)]
      mi = mask16(v)
      cs = cumsum16(mi)
      pos_v[pl.ds(g_done * LANES, LANES)] = (carry + cs) * mi + 1
      carry = carry + cs[LANES - 1]
      g_done += 1
    if i >= NBUF:
      oh[i - NBUF].wait()
      waited.add(i - NBUF)
    gh[i] = gather(i)
    if i >= 1:
      gh[i - 1].wait()
      oh[i - 1] = put(i - 1)
  gh[NSUB - 1].wait()
  oh[NSUB - 1] = put(NSUB - 1)
  for i in range(NSUB):
    if i not in waited:
      oh[i].wait()


@jax.jit
def _lookup(tokens_flat, w):
  mesh = plsc.VectorSubcoreMesh(core_axis_name="c", subcore_axis_name="s")
  k = functools.partial(
      pl.kernel,
      mesh=mesh,
      out_type=jax.ShapeDtypeStruct((TOKENS, EMB), jnp.float32),
      scratch_types=[
          pltpu.VMEM((SEQ,), jnp.int32),
          pltpu.VMEM((CHUNK,), jnp.int32),
          pltpu.VMEM((2 * LANES,), jnp.int32),
          pltpu.VMEM((BMAX, EMB), jnp.float32),
          pltpu.VMEM((BMAX, EMB), jnp.float32),
          pltpu.SemaphoreType.DMA,
          pltpu.SemaphoreType.DMA,
          pltpu.SemaphoreType.DMA,
          pltpu.SemaphoreType.DMA,
      ],
  )(_sc_kernel)
  return k(tokens_flat, w)


def kernel(tokens, W):
  tokens_flat = tokens.astype(jnp.int32).reshape(TOKENS)
  out = _lookup(tokens_flat, W)
  return out.reshape(B_ROWS, SEQ, EMB)

# --- scband reference (transcript-rebuilt; emitter-appended) ---
"""Pipeline reference for scband-esmlearned-positional-embeddings-4904852652314 (READ-ONLY COPY).

The authoritative reference and input builder live on the scoring server;
editing this copy changes nothing except your own understanding.
"""

import jax, jax.numpy as jnp
import numpy as np

PADDING_IDX = 1
VOCAB_SIZE = 2048
EMBED_DIM = 1024


def setup_inputs(seed: int = 0) -> dict:
    key = jax.random.key(seed)
    k_tok, k_w = jax.random.split(key)
    tokens = jax.random.randint(k_tok, (4, 2048), 0, 33).astype(jnp.int64)
    # hk.Embed table: (vocab_size + padding_idx + 1, embed_dim)
    W = jax.random.normal(k_w, (VOCAB_SIZE + PADDING_IDX + 1, EMBED_DIM), dtype=jnp.float32) * 0.02
    return {"tokens": tokens, "W": W}


def reference(tokens, W):
    mask = tokens != PADDING_IDX
    positions = jnp.cumsum(mask, axis=1) * mask + PADDING_IDX
    return jnp.take(W, positions, axis=0)

if __name__ == "__main__":
    import jax
    _d = setup_inputs()
    print(jax.jit(kernel)(*tuple(_d.values())))

</pallas_src>

<mosaic_0001>
#map = affine_map<(d0, d1) -> (0)>
#map1 = affine_map<(d0, d1) -> (0, 0)>
module attributes {stable_mosaic.version = 14 : i64} {
  func.func @_sc_kernel(%arg0: i32, %arg1: i32, %arg2: memref<8192xi32, #tpu.memory_space<hbm>>, %arg3: memref<2050x1024xf32, #tpu.memory_space<hbm>>, %arg4: memref<8192x1024xf32, #tpu.memory_space<hbm>>, %arg5: memref<2048xi32, #tpu.memory_space<vmem>>, %arg6: memref<256xi32, #tpu.memory_space<vmem>>, %arg7: memref<32xi32, #tpu.memory_space<vmem>>, %arg8: memref<48x1024xf32, #tpu.memory_space<vmem>>, %arg9: memref<48x1024xf32, #tpu.memory_space<vmem>>, %arg10: memref<!tpu.dma_semaphore, #tpu.memory_space<semaphore_mem>>, %arg11: memref<!tpu.dma_semaphore, #tpu.memory_space<semaphore_mem>>, %arg12: memref<!tpu.dma_semaphore, #tpu.memory_space<semaphore_mem>>, %arg13: memref<!tpu.dma_semaphore, #tpu.memory_space<semaphore_mem>>) attributes {dimension_semantics = [#tpu.dimension_semantics<core_parallel>, #tpu.dimension_semantics<subcore_parallel>], iteration_bounds = array<i64: 2, 16>, scalar_prefetch = 0 : i64, scratch_operands = 9 : i64, tpu.core_type = #tpu.core_type<sc_vector_subcore>, window_params = [{transform_indices = #map}, {transform_indices = #map1}, {transform_indices = #map1}]} {
    %mul3A = arith.constant 2 : i32
    %mul3A_0 = arith.muli %arg1, %mul3A : i32
    %add3A = arith.addi %mul3A_0, %arg0 : i32
    %jit3A = arith.constant 8 : i32
    %div3A = arith.divsi %add3A, %jit3A : i32
    %sign3A = arith.constant 0 : i32
    %sign3A_1 = arith.cmpi sgt, %add3A, %sign3A : i32
    %sign3A_2 = arith.extui %sign3A_1 : i1 to i32
    %sign3A_3 = arith.constant 0 : i32
    %sign3A_4 = arith.cmpi slt, %add3A, %sign3A_3 : i32
    %sign3A_5 = arith.extui %sign3A_4 : i1 to i32
    %sign3A_6 = arith.subi %sign3A_2, %sign3A_5 : i32
    %sign3A_7 = arith.constant 0 : i32
    %sign3A_8 = arith.cmpi sgt, %jit3A, %sign3A_7 : i32
    %sign3A_9 = arith.extui %sign3A_8 : i1 to i32
    %sign3A_10 = arith.constant 0 : i32
    %sign3A_11 = arith.cmpi slt, %jit3A, %sign3A_10 : i32
    %sign3A_12 = arith.extui %sign3A_11 : i1 to i32
    %sign3A_13 = arith.subi %sign3A_9, %sign3A_12 : i32
    %ne3A = arith.cmpi ne, %sign3A_6, %sign3A_13 : i32
    %rem3A = arith.remsi %add3A, %jit3A : i32
    %ne3A_14 = arith.constant 0 : i32
    %ne3A_15 = arith.cmpi ne, %rem3A, %ne3A_14 : i32
    %and3A = arith.andi %ne3A, %ne3A_15 : i1
    %sub3A = arith.constant 1 : i32
    %sub3A_16 = arith.subi %div3A, %sub3A : i32
    %select_n3A = arith.select %and3A, %sub3A_16, %div3A : i32
    %jit3A_17 = arith.constant 8 : i32
    %eq3A = arith.constant 0 : i32
    %eq3A_18 = arith.cmpi eq, %jit3A_17, %eq3A : i32
    %jit3A_19 = arith.constant 1 : i32
    %select_n3A_20 = arith.select %eq3A_18, %jit3A_19, %jit3A_17 : i32
    %rem3A_21 = arith.remsi %add3A, %select_n3A_20 : i32
    %ne3A_22 = arith.constant 0 : i32
    %ne3A_23 = arith.cmpi ne, %rem3A_21, %ne3A_22 : i32
    %lt3A = arith.constant 0 : i32
    %lt3A_24 = arith.cmpi slt, %rem3A_21, %lt3A : i32
    %lt3A_25 = arith.constant 0 : i32
    %lt3A_26 = arith.cmpi slt, %select_n3A_20, %lt3A_25 : i32
    %ne3A_27 = arith.xori %lt3A_24, %lt3A_26 : i1
    %and3A_28 = arith.andi %ne3A_27, %ne3A_23 : i1
    %add3A_29 = arith.addi %rem3A_21, %select_n3A_20 : i32
    %select_n3A_30 = arith.select %and3A_28, %add3A_29, %rem3A_21 : i32
    %mul3A_31 = arith.constant 256 : i32
    %mul3A_32 = arith.muli %select_n3A_30, %mul3A_31 : i32
    %mul3A_33 = arith.constant 2048 : i32
    %mul3A_34 = arith.muli %select_n3A, %mul3A_33 : i32
    %add3A_35 = arith.addi %mul3A_34, %mul3A_32 : i32
    %mul3A_36 = arith.constant 2048 : i32
    %mul3A_37 = arith.muli %select_n3A, %mul3A_36 : i32
    "tpu.region"() ({
      %run_scoped3A = tpu.sem_alloc : memref<!tpu.dma_semaphore, #tpu.memory_space<semaphore_mem>>
      %dma_start3A_1248 = tpu.memref_slice %arg2[%mul3A_37] : memref<8192xi32, #tpu.memory_space<hbm>> -> memref<2048xi32, #tpu.memory_space<hbm>>
      %dma_start3A_1249 = tpu.memref_slice %arg2[%mul3A_37] : memref<8192xi32, #tpu.memory_space<hbm>> -> memref<2048xi32, #tpu.memory_space<hbm>>
      tpu.enqueue_dma source(%dma_start3A_1249 : memref<2048xi32, #tpu.memory_space<hbm>>) target(%arg5 : memref<2048xi32, #tpu.memory_space<vmem>>) target_semaphore(%run_scoped3A : memref<!tpu.dma_semaphore, #tpu.memory_space<semaphore_mem>>)
      %dma_wait3A_1250 = tpu.memref_slice %arg2[%mul3A_37] : memref<8192xi32, #tpu.memory_space<hbm>> -> memref<2048xi32, #tpu.memory_space<hbm>>
      %dma_wait3A_1251 = tpu.memref_slice %arg2[%mul3A_37] : memref<8192xi32, #tpu.memory_space<hbm>> -> memref<2048xi32, #tpu.memory_space<hbm>>
      tpu.wait_dma2 semaphore(%run_scoped3A : memref<!tpu.dma_semaphore, #tpu.memory_space<semaphore_mem>>) src(%dma_wait3A_1251 : memref<2048xi32, #tpu.memory_space<hbm>>) dst(%arg5 : memref<2048xi32, #tpu.memory_space<vmem>>)
      tpu.yield
    }) : () -> ()
    %broadcast_in_dim3A = arith.constant 0 : i32
    %broadcast_in_dim3A_38 = vector.broadcast %broadcast_in_dim3A : i32 to vector<16xi32>
    %swap3A = arith.constant 0 : index
    %swap3A_39 = tpu.vector_load %arg7[%swap3A] {strides = array<i32>} : memref<32xi32, #tpu.memory_space<vmem>>, vector<16xi32>,
    %swap3A_40 = vector.shape_cast %swap3A_39 : vector<16xi32> to vector<16xi32>
    %swap3A_41 = vector.shape_cast %broadcast_in_dim3A_38 : vector<16xi32> to vector<16xi32>
    tpu.vector_store %arg7[%swap3A], %swap3A_41 {strides = array<i32>} : memref<32xi32, #tpu.memory_space<vmem>>, vector<16xi32>,
    %broadcast_in_dim3A_42 = arith.constant 0 : i32
    %broadcast_in_dim3A_43 = vector.broadcast %broadcast_in_dim3A_42 : i32 to vector<16xi32>
    %jit3A_44 = arith.constant 64 : i32
    %div3A_45 = arith.divsi %mul3A_32, %jit3A_44 : i32
    %sign3A_46 = arith.constant 0 : i32
    %sign3A_47 = arith.cmpi sgt, %mul3A_32, %sign3A_46 : i32
    %sign3A_48 = arith.extui %sign3A_47 : i1 to i32
    %sign3A_49 = arith.constant 0 : i32
    %sign3A_50 = arith.cmpi slt, %mul3A_32, %sign3A_49 : i32
    %sign3A_51 = arith.extui %sign3A_50 : i1 to i32
    %sign3A_52 = arith.subi %sign3A_48, %sign3A_51 : i32
    %sign3A_53 = arith.constant 0 : i32
    %sign3A_54 = arith.cmpi sgt, %jit3A_44, %sign3A_53 : i32
    %sign3A_55 = arith.extui %sign3A_54 : i1 to i32
    %sign3A_56 = arith.constant 0 : i32
    %sign3A_57 = arith.cmpi slt, %jit3A_44, %sign3A_56 : i32
    %sign3A_58 = arith.extui %sign3A_57 : i1 to i32
    %sign3A_59 = arith.subi %sign3A_55, %sign3A_58 : i32
    %ne3A_60 = arith.cmpi ne, %sign3A_52, %sign3A_59 : i32
    %rem3A_61 = arith.remsi %mul3A_32, %jit3A_44 : i32
    %ne3A_62 = arith.constant 0 : i32
    %ne3A_63 = arith.cmpi ne, %rem3A_61, %ne3A_62 : i32
    %and3A_64 = arith.andi %ne3A_60, %ne3A_63 : i1
    %sub3A_65 = arith.constant 1 : i32
    %sub3A_66 = arith.subi %div3A_45, %sub3A_65 : i32
    %select_n3A_67 = arith.select %and3A_64, %sub3A_66, %div3A_45 : i32
    %while3A = arith.constant 0 : i32
    %while3A_68 = arith.subi %select_n3A_67, %while3A : i32
    %while3A_69 = arith.addi %while3A, %while3A_68 : i32
    %while3A_70 = arith.constant 1 : i32
    %while3A_71 = arith.divsi %while3A_68, %while3A_70 : i32
    %while3A_72 = arith.muli %while3A_71, %while3A_70 : i32
    %while3A_73 = arith.addi %while3A, %while3A_72 : i32
    %while3A_74 = arith.constant 1 : i32
    %while3A_75:4 = scf.for %while3A_1248 = %while3A to %while3A_73 step %while3A_74 iter_args(%while3A_1249 = %broadcast_in_dim3A_43, %while3A_1250 = %broadcast_in_dim3A_43, %while3A_1251 = %broadcast_in_dim3A_43, %while3A_1252 = %broadcast_in_dim3A_43) -> (vector<16xi32>, vector<16xi32>, vector<16xi32>, vector<16xi32>)  : i32 {
      %mul3A_1253 = arith.constant 64 : i32
      %mul3A_1254 = arith.muli %while3A_1248, %mul3A_1253 : i32
      %get3A_1255 = arith.index_cast %mul3A_1254 : i32 to index
      %get3A_1256 = tpu.vector_load %arg5[%get3A_1255] {strides = array<i32>} : memref<2048xi32, #tpu.memory_space<vmem>>, vector<16xi32>,
      %get3A_1257 = vector.shape_cast %get3A_1256 : vector<16xi32> to vector<16xi32>
      %sub3A_1258 = arith.constant 1 : i32
      %sub3A_1259 = vector.broadcast %sub3A_1258 : i32 to vector<16xi32>
      %sub3A_1260 = arith.subi %get3A_1257, %sub3A_1259 : vector<16xi32>
      %abs3A_1261 = math.absi %sub3A_1260 : vector<16xi32>
      %min3A_1262 = arith.constant 1 : i32
      %min3A_1263 = vector.broadcast %min3A_1262 : i32 to vector<16xi32>
      %min3A_1264 = arith.minsi %abs3A_1261, %min3A_1263 : vector<16xi32>
      %add3A_1265 = arith.addi %while3A_1249, %min3A_1264 : vector<16xi32>
      %add3A_1266 = arith.constant 16 : i32
      %add3A_1267 = arith.addi %mul3A_1254, %add3A_1266 : i32
      %get3A_1268 = arith.index_cast %add3A_1267 : i32 to index
      %get3A_1269 = tpu.vector_load %arg5[%get3A_1268] {strides = array<i32>} : memref<2048xi32, #tpu.memory_space<vmem>>, vector<16xi32>,
      %get3A_1270 = vector.shape_cast %get3A_1269 : vector<16xi32> to vector<16xi32>
      %sub3A_1271 = arith.constant 1 : i32
      %sub3A_1272 = vector.broadcast %sub3A_1271 : i32 to vector<16xi32>
      %sub3A_1273 = arith.subi %get3A_1270, %sub3A_1272 : vector<16xi32>
      %abs3A_1274 = math.absi %sub3A_1273 : vector<16xi32>
      %min3A_1275 = arith.constant 1 : i32
      %min3A_1276 = vector.broadcast %min3A_1275 : i32 to vector<16xi32>
      %min3A_1277 = arith.minsi %abs3A_1274, %min3A_1276 : vector<16xi32>
      %add3A_1278 = arith.addi %while3A_1250, %min3A_1277 : vector<16xi32>
      %add3A_1279 = arith.constant 32 : i32
      %add3A_1280 = arith.addi %mul3A_1254, %add3A_1279 : i32
      %get3A_1281 = arith.index_cast %add3A_1280 : i32 to index
      %get3A_1282 = tpu.vector_load %arg5[%get3A_1281] {strides = array<i32>} : memref<2048xi32, #tpu.memory_space<vmem>>, vector<16xi32>,
      %get3A_1283 = vector.shape_cast %get3A_1282 : vector<16xi32> to vector<16xi32>
      %sub3A_1284 = arith.constant 1 : i32
      %sub3A_1285 = vector.broadcast %sub3A_1284 : i32 to vector<16xi32>
      %sub3A_1286 = arith.subi %get3A_1283, %sub3A_1285 : vector<16xi32>
      %abs3A_1287 = math.absi %sub3A_1286 : vector<16xi32>
      %min3A_1288 = arith.constant 1 : i32
      %min3A_1289 = vector.broadcast %min3A_1288 : i32 to vector<16xi32>
      %min3A_1290 = arith.minsi %abs3A_1287, %min3A_1289 : vector<16xi32>
      %add3A_1291 = arith.addi %while3A_1251, %min3A_1290 : vector<16xi32>
      %add3A_1292 = arith.constant 48 : i32
      %add3A_1293 = arith.addi %mul3A_1254, %add3A_1292 : i32
      %get3A_1294 = arith.index_cast %add3A_1293 : i32 to index
      %get3A_1295 = tpu.vector_load %arg5[%get3A_1294] {strides = array<i32>} : memref<2048xi32, #tpu.memory_space<vmem>>, vector<16xi32>,
      %get3A_1296 = vector.shape_cast %get3A_1295 : vector<16xi32> to vector<16xi32>
      %sub3A_1297 = arith.constant 1 : i32
      %sub3A_1298 = vector.broadcast %sub3A_1297 : i32 to vector<16xi32>
      %sub3A_1299 = arith.subi %get3A_1296, %sub3A_1298 : vector<16xi32>
      %abs3A_1300 = math.absi %sub3A_1299 : vector<16xi32>
      %min3A_1301 = arith.constant 1 : i32
      %min3A_1302 = vector.broadcast %min3A_1301 : i32 to vector<16xi32>
      %min3A_1303 = arith.minsi %abs3A_1300, %min3A_1302 : vector<16xi32>
      %add3A_1304 = arith.addi %while3A_1252, %min3A_1303 : vector<16xi32>
      scf.yield %add3A_1265, %add3A_1278, %add3A_1291, %add3A_1304 : vector<16xi32>, vector<16xi32>, vector<16xi32>, vector<16xi32>
    }
    %while3A_76 = arith.constant 1 : i32
    %while3A_77:4 = scf.for %while3A_1248 = %while3A_73 to %while3A_69 step %while3A_76 iter_args(%while3A_1249 = %while3A_75#0, %while3A_1250 = %while3A_75#1, %while3A_1251 = %while3A_75#2, %while3A_1252 = %while3A_75#3) -> (vector<16xi32>, vector<16xi32>, vector<16xi32>, vector<16xi32>)  : i32 {
      %mul3A_1253 = arith.constant 64 : i32
      %mul3A_1254 = arith.muli %while3A_1248, %mul3A_1253 : i32
      %get3A_1255 = arith.index_cast %mul3A_1254 : i32 to index
      %get3A_1256 = tpu.vector_load %arg5[%get3A_1255] {strides = array<i32>} : memref<2048xi32, #tpu.memory_space<vmem>>, vector<16xi32>,
      %get3A_1257 = vector.shape_cast %get3A_1256 : vector<16xi32> to vector<16xi32>
      %sub3A_1258 = arith.constant 1 : i32
      %sub3A_1259 = vector.broadcast %sub3A_1258 : i32 to vector<16xi32>
      %sub3A_1260 = arith.subi %get3A_1257, %sub3A_1259 : vector<16xi32>
      %abs3A_1261 = math.absi %sub3A_1260 : vector<16xi32>
      %min3A_1262 = arith.constant 1 : i32
      %min3A_1263 = vector.broadcast %min3A_1262 : i32 to vector<16xi32>
      %min3A_1264 = arith.minsi %abs3A_1261, %min3A_1263 : vector<16xi32>
      %add3A_1265 = arith.addi %while3A_1249, %min3A_1264 : vector<16xi32>
      %add3A_1266 = arith.constant 16 : i32
      %add3A_1267 = arith.addi %mul3A_1254, %add3A_1266 : i32
      %get3A_1268 = arith.index_cast %add3A_1267 : i32 to index
      %get3A_1269 = tpu.vector_load %arg5[%get3A_1268] {strides = array<i32>} : memref<2048xi32, #tpu.memory_space<vmem>>, vector<16xi32>,
      %get3A_1270 = vector.shape_cast %get3A_1269 : vector<16xi32> to vector<16xi32>
      %sub3A_1271 = arith.constant 1 : i32
      %sub3A_1272 = vector.broadcast %sub3A_1271 : i32 to vector<16xi32>
      %sub3A_1273 = arith.subi %get3A_1270, %sub3A_1272 : vector<16xi32>
      %abs3A_1274 = math.absi %sub3A_1273 : vector<16xi32>
      %min3A_1275 = arith.constant 1 : i32
      %min3A_1276 = vector.broadcast %min3A_1275 : i32 to vector<16xi32>
      %min3A_1277 = arith.minsi %abs3A_1274, %min3A_1276 : vector<16xi32>
      %add3A_1278 = arith.addi %while3A_1250, %min3A_1277 : vector<16xi32>
      %add3A_1279 = arith.constant 32 : i32
      %add3A_1280 = arith.addi %mul3A_1254, %add3A_1279 : i32
      %get3A_1281 = arith.index_cast %add3A_1280 : i32 to index
      %get3A_1282 = tpu.vector_load %arg5[%get3A_1281] {strides = array<i32>} : memref<2048xi32, #tpu.memory_space<vmem>>, vector<16xi32>,
      %get3A_1283 = vector.shape_cast %get3A_1282 : vector<16xi32> to vector<16xi32>
      %sub3A_1284 = arith.constant 1 : i32
      %sub3A_1285 = vector.broadcast %sub3A_1284 : i32 to vector<16xi32>
      %sub3A_1286 = arith.subi %get3A_1283, %sub3A_1285 : vector<16xi32>
      %abs3A_1287 = math.absi %sub3A_1286 : vector<16xi32>
      %min3A_1288 = arith.constant 1 : i32
      %min3A_1289 = vector.broadcast %min3A_1288 : i32 to vector<16xi32>
      %min3A_1290 = arith.minsi %abs3A_1287, %min3A_1289 : vector<16xi32>
      %add3A_1291 = arith.addi %while3A_1251, %min3A_1290 : vector<16xi32>
      %add3A_1292 = arith.constant 48 : i32
      %add3A_1293 = arith.addi %mul3A_1254, %add3A_1292 : i32
      %get3A_1294 = arith.index_cast %add3A_1293 : i32 to index
      %get3A_1295 = tpu.vector_load %arg5[%get3A_1294] {strides = array<i32>} : memref<2048xi32, #tpu.memory_space<vmem>>, vector<16xi32>,
      %get3A_1296 = vector.shape_cast %get3A_1295 : vector<16xi32> to vector<16xi32>
      %sub3A_1297 = arith.constant 1 : i32
      %sub3A_1298 = vector.broadcast %sub3A_1297 : i32 to vector<16xi32>
      %sub3A_1299 = arith.subi %get3A_1296, %sub3A_1298 : vector<16xi32>
      %abs3A_1300 = math.absi %sub3A_1299 : vector<16xi32>
      %min3A_1301 = arith.constant 1 : i32
      %min3A_1302 = vector.broadcast %min3A_1301 : i32 to vector<16xi32>
      %min3A_1303 = arith.minsi %abs3A_1300, %min3A_1302 : vector<16xi32>
      %add3A_1304 = arith.addi %while3A_1252, %min3A_1303 : vector<16xi32>
      scf.yield %add3A_1265, %add3A_1278, %add3A_1291, %add3A_1304 : vector<16xi32>, vector<16xi32>, vector<16xi32>, vector<16xi32>
    }
    %add3A_78 = arith.addi %while3A_77#0, %while3A_77#1 : vector<16xi32>
    %add3A_79 = arith.addi %while3A_77#2, %while3A_77#3 : vector<16xi32>
    %add3A_80 = arith.addi %add3A_78, %add3A_79 : vector<16xi32>
    %swap3A_81 = arith.constant 16 : index
    %swap3A_82 = tpu.vector_load %arg7[%swap3A_81] {strides = array<i32>} : memref<32xi32, #tpu.memory_space<vmem>>, vector<16xi32>,
    %swap3A_83 = vector.shape_cast %swap3A_82 : vector<16xi32> to vector<16xi32>
    %swap3A_84 = vector.shape_cast %add3A_80 : vector<16xi32> to vector<16xi32>
    tpu.vector_store %arg7[%swap3A_81], %swap3A_84 {strides = array<i32>} : memref<32xi32, #tpu.memory_space<vmem>>, vector<16xi32>,
    %get3A = arith.constant 15 : index
    %get3A_85 = tpu.vector_load %arg7[%get3A] {strides = array<i32>} : memref<32xi32, #tpu.memory_space<vmem>>, vector<16xi32>,
    %get3A_86 = vector.shape_cast %get3A_85 : vector<16xi32> to vector<16xi32>
    %add3A_87 = arith.addi %add3A_80, %get3A_86 : vector<16xi32>
    %swap3A_88 = arith.constant 16 : index
    %swap3A_89 = tpu.vector_load %arg7[%swap3A_88] {strides = array<i32>} : memref<32xi32, #tpu.memory_space<vmem>>, vector<16xi32>,
    %swap3A_90 = vector.shape_cast %swap3A_89 : vector<16xi32> to vector<16xi32>
    %swap3A_91 = vector.shape_cast %add3A_87 : vector<16xi32> to vector<16xi32>
    tpu.vector_store %arg7[%swap3A_88], %swap3A_91 {strides = array<i32>} : memref<32xi32, #tpu.memory_space<vmem>>, vector<16xi32>,
    %get3A_92 = arith.constant 14 : index
    %get3A_93 = tpu.vector_load %arg7[%get3A_92] {strides = array<i32>} : memref<32xi32, #tpu.memory_space<vmem>>, vector<16xi32>,
    %get3A_94 = vector.shape_cast %get3A_93 : vector<16xi32> to vector<16xi32>
    %add3A_95 = arith.addi %add3A_87, %get3A_94 : vector<16xi32>
    %swap3A_96 = arith.constant 16 : index
    %swap3A_97 = tpu.vector_load %arg7[%swap3A_96] {strides = array<i32>} : memref<32xi32, #tpu.memory_space<vmem>>, vector<16xi32>,
    %swap3A_98 = vector.shape_cast %swap3A_97 : vector<16xi32> to vector<16xi32>
    %swap3A_99 = vector.shape_cast %add3A_95 : vector<16xi32> to vector<16xi32>
    tpu.vector_store %arg7[%swap3A_96], %swap3A_99 {strides = array<i32>} : memref<32xi32, #tpu.memory_space<vmem>>, vector<16xi32>,
    %get3A_100 = arith.constant 12 : index
    %get3A_101 = tpu.vector_load %arg7[%get3A_100] {strides = array<i32>} : memref<32xi32, #tpu.memory_space<vmem>>, vector<16xi32>,
    %get3A_102 = vector.shape_cast %get3A_101 : vector<16xi32> to vector<16xi32>
    %add3A_103 = arith.addi %add3A_95, %get3A_102 : vector<16xi32>
    %swap3A_104 = arith.constant 16 : index
    %swap3A_105 = tpu.vector_load %arg7[%swap3A_104] {strides = array<i32>} : memref<32xi32, #tpu.memory_space<vmem>>, vector<16xi32>,
    %swap3A_106 = vector.shape_cast %swap3A_105 : vector<16xi32> to vector<16xi32>
    %swap3A_107 = vector.shape_cast %add3A_103 : vector<16xi32> to vector<16xi32>
    tpu.vector_store %arg7[%swap3A_104], %swap3A_107 {strides = array<i32>} : memref<32xi32, #tpu.memory_space<vmem>>, vector<16xi32>,
    %get3A_108 = arith.constant 8 : index
    %get3A_109 = tpu.vector_load %arg7[%get3A_108] {strides = array<i32>} : memref<32xi32, #tpu.memory_space<vmem>>, vector<16xi32>,
    %get3A_110 = vector.shape_cast %get3A_109 : vector<16xi32> to vector<16xi32>
    %add3A_111 = arith.addi %add3A_103, %get3A_110 : vector<16xi32>
    %slice3A = vector.extract_strided_slice %add3A_111 {offsets = [15], sizes = [1], strides = [1]} : vector<16xi32> to vector<1xi32>
    %squeeze3A = vector.extract %slice3A[0] : i32 from vector<1xi32>
    %add3A_112 = arith.constant 0 : i32
    %add3A_113 = arith.addi %mul3A_32, %add3A_112 : i32
    %get3A_114 = arith.index_cast %add3A_113 : i32 to index
    %get3A_115 = tpu.vector_load %arg5[%get3A_114] {strides = array<i32>} : memref<2048xi32, #tpu.memory_space<vmem>>, vector<16xi32>,
    %get3A_116 = vector.shape_cast %get3A_115 : vector<16xi32> to vector<16xi32>
    %sub3A_117 = arith.constant 1 : i32
    %sub3A_118 = vector.broadcast %sub3A_117 : i32 to vector<16xi32>
    %sub3A_119 = arith.subi %get3A_116, %sub3A_118 : vector<16xi32>
    %abs3A = math.absi %sub3A_119 : vector<16xi32>
    %min3A = arith.constant 1 : i32
    %min3A_120 = vector.broadcast %min3A : i32 to vector<16xi32>
    %min3A_121 = arith.minsi %abs3A, %min3A_120 : vector<16xi32>
    %swap3A_122 = arith.constant 16 : index
    %swap3A_123 = tpu.vector_load %arg7[%swap3A_122] {strides = array<i32>} : memref<32xi32, #tpu.memory_space<vmem>>, vector<16xi32>,
    %swap3A_124 = vector.shape_cast %swap3A_123 : vector<16xi32> to vector<16xi32>
    %swap3A_125 = vector.shape_cast %min3A_121 : vector<16xi32> to vector<16xi32>
    tpu.vector_store %arg7[%swap3A_122], %swap3A_125 {strides = array<i32>} : memref<32xi32, #tpu.memory_space<vmem>>, vector<16xi32>,
    %get3A_126 = arith.constant 15 : index
    %get3A_127 = tpu.vector_load %arg7[%get3A_126] {strides = array<i32>} : memref<32xi32, #tpu.memory_space<vmem>>, vector<16xi32>,
    %get3A_128 = vector.shape_cast %get3A_127 : vector<16xi32> to vector<16xi32>
    %add3A_129 = arith.addi %min3A_121, %get3A_128 : vector<16xi32>
    %swap3A_130 = arith.constant 16 : index
    %swap3A_131 = tpu.vector_load %arg7[%swap3A_130] {strides = array<i32>} : memref<32xi32, #tpu.memory_space<vmem>>, vector<16xi32>,
    %swap3A_132 = vector.shape_cast %swap3A_131 : vector<16xi32> to vector<16xi32>
    %swap3A_133 = vector.shape_cast %add3A_129 : vector<16xi32> to vector<16xi32>
    tpu.vector_store %arg7[%swap3A_130], %swap3A_133 {strides = array<i32>} : memref<32xi32, #tpu.memory_space<vmem>>, vector<16xi32>,
    %get3A_134 = arith.constant 14 : index
    %get3A_135 = tpu.vector_load %arg7[%get3A_134] {strides = array<i32>} : memref<32xi32, #tpu.memory_space<vmem>>, vector<16xi32>,
    %get3A_136 = vector.shape_cast %get3A_135 : vector<16xi32> to vector<16xi32>
    %add3A_137 = arith.addi %add3A_129, %get3A_136 : vector<16xi32>
    %swap3A_138 = arith.constant 16 : index
    %swap3A_139 = tpu.vector_load %arg7[%swap3A_138] {strides = array<i32>} : memref<32xi32, #tpu.memory_space<vmem>>, vector<16xi32>,
    %swap3A_140 = vector.shape_cast %swap3A_139 : vector<16xi32> to vector<16xi32>
    %swap3A_141 = vector.shape_cast %add3A_137 : vector<16xi32> to vector<16xi32>
    tpu.vector_store %arg7[%swap3A_138], %swap3A_141 {strides = array<i32>} : memref<32xi32, #tpu.memory_space<vmem>>, vector<16xi32>,
    %get3A_142 = arith.constant 12 : index
    %get3A_143 = tpu.vector_load %arg7[%get3A_142] {strides = array<i32>} : memref<32xi32, #tpu.memory_space<vmem>>, vector<16xi32>,
    %get3A_144 = vector.shape_cast %get3A_143 : vector<16xi32> to vector<16xi32>
    %add3A_145 = arith.addi %add3A_137, %get3A_144 : vector<16xi32>
    %swap3A_146 = arith.constant 16 : index
    %swap3A_147 = tpu.vector_load %arg7[%swap3A_146] {strides = array<i32>} : memref<32xi32, #tpu.memory_space<vmem>>, vector<16xi32>,
    %swap3A_148 = vector.shape_cast %swap3A_147 : vector<16xi32> to vector<16xi32>
    %swap3A_149 = vector.shape_cast %add3A_145 : vector<16xi32> to vector<16xi32>
    tpu.vector_store %arg7[%swap3A_146], %swap3A_149 {strides = array<i32>} : memref<32xi32, #tpu.memory_space<vmem>>, vector<16xi32>,
    %get3A_150 = arith.constant 8 : index
    %get3A_151 = tpu.vector_load %arg7[%get3A_150] {strides = array<i32>} : memref<32xi32, #tpu.memory_space<vmem>>, vector<16xi32>,
    %get3A_152 = vector.shape_cast %get3A_151 : vector<16xi32> to vector<16xi32>
    %add3A_153 = arith.addi %add3A_145, %get3A_152 : vector<16xi32>
    %add3A_154 = vector.broadcast %squeeze3A : i32 to vector<16xi32>
    %add3A_155 = arith.addi %add3A_154, %add3A_153 : vector<16xi32>
    %mul3A_156 = arith.muli %add3A_155, %min3A_121 : vector<16xi32>
    %add3A_157 = arith.constant 1 : i32
    %add3A_158 = vector.broadcast %add3A_157 : i32 to vector<16xi32>
    %add3A_159 = arith.addi %mul3A_156, %add3A_158 : vector<16xi32>
    %swap3A_160 = arith.constant 0 : index
    %swap3A_161 = tpu.vector_load %arg6[%swap3A_160] {strides = array<i32>} : memref<256xi32, #tpu.memory_space<vmem>>, vector<16xi32>,
    %swap3A_162 = vector.shape_cast %swap3A_161 : vector<16xi32> to vector<16xi32>
    %swap3A_163 = vector.shape_cast %add3A_159 : vector<16xi32> to vector<16xi32>
    tpu.vector_store %arg6[%swap3A_160], %swap3A_163 {strides = array<i32>} : memref<256xi32, #tpu.memory_space<vmem>>, vector<16xi32>,
    %slice3A_164 = vector.extract_strided_slice %add3A_153 {offsets = [15], sizes = [1], strides = [1]} : vector<16xi32> to vector<1xi32>
    %squeeze3A_165 = vector.extract %slice3A_164[0] : i32 from vector<1xi32>
    %add3A_166 = arith.addi %squeeze3A, %squeeze3A_165 : i32
    %add3A_167 = arith.constant 16 : i32
    %add3A_168 = arith.addi %mul3A_32, %add3A_167 : i32
    %get3A_169 = arith.index_cast %add3A_168 : i32 to index
    %get3A_170 = tpu.vector_load %arg5[%get3A_169] {strides = array<i32>} : memref<2048xi32, #tpu.memory_space<vmem>>, vector<16xi32>,
    %get3A_171 = vector.shape_cast %get3A_170 : vector<16xi32> to vector<16xi32>
    %sub3A_172 = arith.constant 1 : i32
    %sub3A_173 = vector.broadcast %sub3A_172 : i32 to vector<16xi32>
    %sub3A_174 = arith.subi %get3A_171, %sub3A_173 : vector<16xi32>
    %abs3A_175 = math.absi %sub3A_174 : vector<16xi32>
    %min3A_176 = arith.constant 1 : i32
    %min3A_177 = vector.broadcast %min3A_176 : i32 to vector<16xi32>
    %min3A_178 = arith.minsi %abs3A_175, %min3A_177 : vector<16xi32>
    %swap3A_179 = arith.constant 16 : index
    %swap3A_180 = tpu.vector_load %arg7[%swap3A_179] {strides = array<i32>} : memref<32xi32, #tpu.memory_space<vmem>>, vector<16xi32>,
    %swap3A_181 = vector.shape_cast %swap3A_180 : vector<16xi32> to vector<16xi32>
    %swap3A_182 = vector.shape_cast %min3A_178 : vector<16xi32> to vector<16xi32>
    tpu.vector_store %arg7[%swap3A_179], %swap3A_182 {strides = array<i32>} : memref<32xi32, #tpu.memory_space<vmem>>, vector<16xi32>,
    %get3A_183 = arith.constant 15 : index
    %get3A_184 = tpu.vector_load %arg7[%get3A_183] {strides = array<i32>} : memref<32xi32, #tpu.memory_space<vmem>>, vector<16xi32>,
    %get3A_185 = vector.shape_cast %get3A_184 : vector<16xi32> to vector<16xi32>
    %add3A_186 = arith.addi %min3A_178, %get3A_185 : vector<16xi32>
    %swap3A_187 = arith.constant 16 : index
    %swap3A_188 = tpu.vector_load %arg7[%swap3A_187] {strides = array<i32>} : memref<32xi32, #tpu.memory_space<vmem>>, vector<16xi32>,
    %swap3A_189 = vector.shape_cast %swap3A_188 : vector<16xi32> to vector<16xi32>
    %swap3A_190 = vector.shape_cast %add3A_186 : vector<16xi32> to vector<16xi32>
    tpu.vector_store %arg7[%swap3A_187], %swap3A_190 {strides = array<i32>} : memref<32xi32, #tpu.memory_space<vmem>>, vector<16xi32>,
    %get3A_191 = arith.constant 14 : index
    %get3A_192 = tpu.vector_load %arg7[%get3A_191] {strides = array<i32>} : memref<32xi32, #tpu.memory_space<vmem>>, vector<16xi32>,
    %get3A_193 = vector.shape_cast %get3A_192 : vector<16xi32> to vector<16xi32>
    %add3A_194 = arith.addi %add3A_186, %get3A_193 : vector<16xi32>
    %swap3A_195 = arith.constant 16 : index
    %swap3A_196 = tpu.vector_load %arg7[%swap3A_195] {strides = array<i32>} : memref<32xi32, #tpu.memory_space<vmem>>, vector<16xi32>,
    %swap3A_197 = vector.shape_cast %swap3A_196 : vector<16xi32> to vector<16xi32>
    %swap3A_198 = vector.shape_cast %add3A_194 : vector<16xi32> to vector<16xi32>
    tpu.vector_store %arg7[%swap3A_195], %swap3A_198 {strides = array<i32>} : memref<32xi32, #tpu.memory_space<vmem>>, vector<16xi32>,
    %get3A_199 = arith.constant 12 : index
    %get3A_200 = tpu.vector_load %arg7[%get3A_199] {strides = array<i32>} : memref<32xi32, #tpu.memory_space<vmem>>, vector<16xi32>,
    %get3A_201 = vector.shape_cast %get3A_200 : vector<16xi32> to vector<16xi32>
    %add3A_202 = arith.addi %add3A_194, %get3A_201 : vector<16xi32>
    %swap3A_203 = arith.constant 16 : index
    %swap3A_204 = tpu.vector_load %arg7[%swap3A_203] {strides = array<i32>} : memref<32xi32, #tpu.memory_space<vmem>>, vector<16xi32>,
    %swap3A_205 = vector.shape_cast %swap3A_204 : vector<16xi32> to vector<16xi32>
    %swap3A_206 = vector.shape_cast %add3A_202 : vector<16xi32> to vector<16xi32>
    tpu.vector_store %arg7[%swap3A_203], %swap3A_206 {strides = array<i32>} : memref<32xi32, #tpu.memory_space<vmem>>, vector<16xi32>,
    %get3A_207 = arith.constant 8 : index
    %get3A_208 = tpu.vector_load %arg7[%get3A_207] {strides = array<i32>} : memref<32xi32, #tpu.memory_space<vmem>>, vector<16xi32>,
    %get3A_209 = vector.shape_cast %get3A_208 : vector<16xi32> to vector<16xi32>
    %add3A_210 = arith.addi %add3A_202, %get3A_209 : vector<16xi32>
    %add3A_211 = vector.broadcast %add3A_166 : i32 to vector<16xi32>
    %add3A_212 = arith.addi %add3A_211, %add3A_210 : vector<16xi32>
    %mul3A_213 = arith.muli %add3A_212, %min3A_178 : vector<16xi32>
    %add3A_214 = arith.constant 1 : i32
    %add3A_215 = vector.broadcast %add3A_214 : i32 to vector<16xi32>
    %add3A_216 = arith.addi %mul3A_213, %add3A_215 : vector<16xi32>
    %swap3A_217 = arith.constant 16 : index
    %swap3A_218 = tpu.vector_load %arg6[%swap3A_217] {strides = array<i32>} : memref<256xi32, #tpu.memory_space<vmem>>, vector<16xi32>,
    %swap3A_219 = vector.shape_cast %swap3A_218 : vector<16xi32> to vector<16xi32>
    %swap3A_220 = vector.shape_cast %add3A_216 : vector<16xi32> to vector<16xi32>
    tpu.vector_store %arg6[%swap3A_217], %swap3A_220 {strides = array<i32>} : memref<256xi32, #tpu.memory_space<vmem>>, vector<16xi32>,
    %slice3A_221 = vector.extract_strided_slice %add3A_210 {offsets = [15], sizes = [1], strides = [1]} : vector<16xi32> to vector<1xi32>
    %squeeze3A_222 = vector.extract %slice3A_221[0] : i32 from vector<1xi32>
    %add3A_223 = arith.addi %add3A_166, %squeeze3A_222 : i32
    %add3A_224 = arith.constant 32 : i32
    %add3A_225 = arith.addi %mul3A_32, %add3A_224 : i32
    %get3A_226 = arith.index_cast %add3A_225 : i32 to index
    %get3A_227 = tpu.vector_load %arg5[%get3A_226] {strides = array<i32>} : memref<2048xi32, #tpu.memory_space<vmem>>, vector<16xi32>,
    %get3A_228 = vector.shape_cast %get3A_227 : vector<16xi32> to vector<16xi32>
    %sub3A_229 = arith.constant 1 : i32
    %sub3A_230 = vector.broadcast %sub3A_229 : i32 to vector<16xi32>
    %sub3A_231 = arith.subi %get3A_228, %sub3A_230 : vector<16xi32>
    %abs3A_232 = math.absi %sub3A_231 : vector<16xi32>
    %min3A_233 = arith.constant 1 : i32
    %min3A_234 = vector.broadcast %min3A_233 : i32 to vector<16xi32>
    %min3A_235 = arith.minsi %abs3A_232, %min3A_234 : vector<16xi32>
    %swap3A_236 = arith.constant 16 : index
    %swap3A_237 = tpu.vector_load %arg7[%swap3A_236] {strides = array<i32>} : memref<32xi32, #tpu.memory_space<vmem>>, vector<16xi32>,
    %swap3A_238 = vector.shape_cast %swap3A_237 : vector<16xi32> to vector<16xi32>
    %swap3A_239 = vector.shape_cast %min3A_235 : vector<16xi32> to vector<16xi32>
    tpu.vector_store %arg7[%swap3A_236], %swap3A_239 {strides = array<i32>} : memref<32xi32, #tpu.memory_space<vmem>>, vector<16xi32>,
    %get3A_240 = arith.constant 15 : index
    %get3A_241 = tpu.vector_load %arg7[%get3A_240] {strides = array<i32>} : memref<32xi32, #tpu.memory_space<vmem>>, vector<16xi32>,
    %get3A_242 = vector.shape_cast %get3A_241 : vector<16xi32> to vector<16xi32>
    %add3A_243 = arith.addi %min3A_235, %get3A_242 : vector<16xi32>
    %swap3A_244 = arith.constant 16 : index
    %swap3A_245 = tpu.vector_load %arg7[%swap3A_244] {strides = array<i32>} : memref<32xi32, #tpu.memory_space<vmem>>, vector<16xi32>,
    %swap3A_246 = vector.shape_cast %swap3A_245 : vector<16xi32> to vector<16xi32>
    %swap3A_247 = vector.shape_cast %add3A_243 : vector<16xi32> to vector<16xi32>
    tpu.vector_store %arg7[%swap3A_244], %swap3A_247 {strides = array<i32>} : memref<32xi32, #tpu.memory_space<vmem>>, vector<16xi32>,
    %get3A_248 = arith.constant 14 : index
    %get3A_249 = tpu.vector_load %arg7[%get3A_248] {strides = array<i32>} : memref<32xi32, #tpu.memory_space<vmem>>, vector<16xi32>,
    %get3A_250 = vector.shape_cast %get3A_249 : vector<16xi32> to vector<16xi32>
    %add3A_251 = arith.addi %add3A_243, %get3A_250 : vector<16xi32>
    %swap3A_252 = arith.constant 16 : index
    %swap3A_253 = tpu.vector_load %arg7[%swap3A_252] {strides = array<i32>} : memref<32xi32, #tpu.memory_space<vmem>>, vector<16xi32>,
    %swap3A_254 = vector.shape_cast %swap3A_253 : vector<16xi32> to vector<16xi32>
    %swap3A_255 = vector.shape_cast %add3A_251 : vector<16xi32> to vector<16xi32>
    tpu.vector_store %arg7[%swap3A_252], %swap3A_255 {strides = array<i32>} : memref<32xi32, #tpu.memory_space<vmem>>, vector<16xi32>,
    %get3A_256 = arith.constant 12 : index
    %get3A_257 = tpu.vector_load %arg7[%get3A_256] {strides = array<i32>} : memref<32xi32, #tpu.memory_space<vmem>>, vector<16xi32>,
    %get3A_258 = vector.shape_cast %get3A_257 : vector<16xi32> to vector<16xi32>
    %add3A_259 = arith.addi %add3A_251, %get3A_258 : vector<16xi32>
    %swap3A_260 = arith.constant 16 : index
    %swap3A_261 = tpu.vector_load %arg7[%swap3A_260] {strides = array<i32>} : memref<32xi32, #tpu.memory_space<vmem>>, vector<16xi32>,
    %swap3A_262 = vector.shape_cast %swap3A_261 : vector<16xi32> to vector<16xi32>
    %swap3A_263 = vector.shape_cast %add3A_259 : vector<16xi32> to vector<16xi32>
    tpu.vector_store %arg7[%swap3A_260], %swap3A_263 {strides = array<i32>} : memref<32xi32, #tpu.memory_space<vmem>>, vector<16xi32>,
    %get3A_264 = arith.constant 8 : index
    %get3A_265 = tpu.vector_load %arg7[%get3A_264] {strides = array<i32>} : memref<32xi32, #tpu.memory_space<vmem>>, vector<16xi32>,
    %get3A_266 = vector.shape_cast %get3A_265 : vector<16xi32> to vector<16xi32>
    %add3A_267 = arith.addi %add3A_259, %get3A_266 : vector<16xi32>
    %add3A_268 = vector.broadcast %add3A_223 : i32 to vector<16xi32>
    %add3A_269 = arith.addi %add3A_268, %add3A_267 : vector<16xi32>
    %mul3A_270 = arith.muli %add3A_269, %min3A_235 : vector<16xi32>
    %add3A_271 = arith.constant 1 : i32
    %add3A_272 = vector.broadcast %add3A_271 : i32 to vector<16xi32>
    %add3A_273 = arith.addi %mul3A_270, %add3A_272 : vector<16xi32>
    %swap3A_274 = arith.constant 32 : index
    %swap3A_275 = tpu.vector_load %arg6[%swap3A_274] {strides = array<i32>} : memref<256xi32, #tpu.memory_space<vmem>>, vector<16xi32>,
    %swap3A_276 = vector.shape_cast %swap3A_275 : vector<16xi32> to vector<16xi32>
    %swap3A_277 = vector.shape_cast %add3A_273 : vector<16xi32> to vector<16xi32>
    tpu.vector_store %arg6[%swap3A_274], %swap3A_277 {strides = array<i32>} : memref<256xi32, #tpu.memory_space<vmem>>, vector<16xi32>,
    %slice3A_278 = vector.extract_strided_slice %add3A_267 {offsets = [15], sizes = [1], strides = [1]} : vector<16xi32> to vector<1xi32>
    %squeeze3A_279 = vector.extract %slice3A_278[0] : i32 from vector<1xi32>
    %add3A_280 = arith.addi %add3A_223, %squeeze3A_279 : i32
    %dma_start3A = arith.constant 0 : i32
    %dma_start3A_281 = arith.constant 0 : i32
    %dma_start3A_282 = tpu.memref_slice %arg8[%dma_start3A, %dma_start3A_281] : memref<48x1024xf32, #tpu.memory_space<vmem>> -> memref<48x1024xf32, #tpu.memory_space<vmem>>
    %dma_start3A_283 = arith.constant 0 : i32
    %dma_start3A_284 = tpu.memref_slice %arg6[%dma_start3A_283] : memref<256xi32, #tpu.memory_space<vmem>> -> memref<48xi32, #tpu.memory_space<vmem>>
    %dma_start3A_285 = arith.constant 0 : i32
    %dma_start3A_286 = arith.constant 0 : i32
    %dma_start3A_287 = tpu.memref_slice %arg3[%dma_start3A_285, %dma_start3A_286] : memref<2050x1024xf32, #tpu.memory_space<hbm>> -> memref<2050x1024xf32, #tpu.memory_space<hbm>>
    tpu.enqueue_indirect_dma source(%dma_start3A_287 : memref<2050x1024xf32, #tpu.memory_space<hbm>>) target(%dma_start3A_282 : memref<48x1024xf32, #tpu.memory_space<vmem>>) offsets(%dma_start3A_284 : memref<48xi32, #tpu.memory_space<vmem>>) semaphore(%arg10 : memref<!tpu.dma_semaphore, #tpu.memory_space<semaphore_mem>>)
    %add3A_288 = arith.constant 48 : i32
    %add3A_289 = arith.addi %mul3A_32, %add3A_288 : i32
    %get3A_290 = arith.index_cast %add3A_289 : i32 to index
    %get3A_291 = tpu.vector_load %arg5[%get3A_290] {strides = array<i32>} : memref<2048xi32, #tpu.memory_space<vmem>>, vector<16xi32>,
    %get3A_292 = vector.shape_cast %get3A_291 : vector<16xi32> to vector<16xi32>
    %sub3A_293 = arith.constant 1 : i32
    %sub3A_294 = vector.broadcast %sub3A_293 : i32 to vector<16xi32>
    %sub3A_295 = arith.subi %get3A_292, %sub3A_294 : vector<16xi32>
    %abs3A_296 = math.absi %sub3A_295 : vector<16xi32>
    %min3A_297 = arith.constant 1 : i32
    %min3A_298 = vector.broadcast %min3A_297 : i32 to vector<16xi32>
    %min3A_299 = arith.minsi %abs3A_296, %min3A_298 : vector<16xi32>
    %swap3A_300 = arith.constant 16 : index
    %swap3A_301 = tpu.vector_load %arg7[%swap3A_300] {strides = array<i32>} : memref<32xi32, #tpu.memory_space<vmem>>, vector<16xi32>,
    %swap3A_302 = vector.shape_cast %swap3A_301 : vector<16xi32> to vector<16xi32>
    %swap3A_303 = vector.shape_cast %min3A_299 : vector<16xi32> to vector<16xi32>
    tpu.vector_store %arg7[%swap3A_300], %swap3A_303 {strides = array<i32>} : memref<32xi32, #tpu.memory_space<vmem>>, vector<16xi32>,
    %get3A_304 = arith.constant 15 : index
    %get3A_305 = tpu.vector_load %arg7[%get3A_304] {strides = array<i32>} : memref<32xi32, #tpu.memory_space<vmem>>, vector<16xi32>,
    %get3A_306 = vector.shape_cast %get3A_305 : vector<16xi32> to vector<16xi32>
    %add3A_307 = arith.addi %min3A_299, %get3A_306 : vector<16xi32>
    %swap3A_308 = arith.constant 16 : index
    %swap3A_309 = tpu.vector_load %arg7[%swap3A_308] {strides = array<i32>} : memref<32xi32, #tpu.memory_space<vmem>>, vector<16xi32>,
    %swap3A_310 = vector.shape_cast %swap3A_309 : vector<16xi32> to vector<16xi32>
    %swap3A_311 = vector.shape_cast %add3A_307 : vector<16xi32> to vector<16xi32>
    tpu.vector_store %arg7[%swap3A_308], %swap3A_311 {strides = array<i32>} : memref<32xi32, #tpu.memory_space<vmem>>, vector<16xi32>,
    %get3A_312 = arith.constant 14 : index
    %get3A_313 = tpu.vector_load %arg7[%get3A_312] {strides = array<i32>} : memref<32xi32, #tpu.memory_space<vmem>>, vector<16xi32>,
    %get3A_314 = vector.shape_cast %get3A_313 : vector<16xi32> to vector<16xi32>
    %add3A_315 = arith.addi %add3A_307, %get3A_314 : vector<16xi32>
    %swap3A_316 = arith.constant 16 : index
    %swap3A_317 = tpu.vector_load %arg7[%swap3A_316] {strides = array<i32>} : memref<32xi32, #tpu.memory_space<vmem>>, vector<16xi32>,
    %swap3A_318 = vector.shape_cast %swap3A_317 : vector<16xi32> to vector<16xi32>
    %swap3A_319 = vector.shape_cast %add3A_315 : vector<16xi32> to vector<16xi32>
    tpu.vector_store %arg7[%swap3A_316], %swap3A_319 {strides = array<i32>} : memref<32xi32, #tpu.memory_space<vmem>>, vector<16xi32>,
    %get3A_320 = arith.constant 12 : index
    %get3A_321 = tpu.vector_load %arg7[%get3A_320] {strides = array<i32>} : memref<32xi32, #tpu.memory_space<vmem>>, vector<16xi32>,
    %get3A_322 = vector.shape_cast %get3A_321 : vector<16xi32> to vector<16xi32>
    %add3A_323 = arith.addi %add3A_315, %get3A_322 : vector<16xi32>
    %swap3A_324 = arith.constant 16 : index
    %swap3A_325 = tpu.vector_load %arg7[%swap3A_324] {strides = array<i32>} : memref<32xi32, #tpu.memory_space<vmem>>, vector<16xi32>,
    %swap3A_326 = vector.shape_cast %swap3A_325 : vector<16xi32> to vector<16xi32>
    %swap3A_327 = vector.shape_cast %add3A_323 : vector<16xi32> to vector<16xi32>
    tpu.vector_store %arg7[%swap3A_324], %swap3A_327 {strides = array<i32>} : memref<32xi32, #tpu.memory_space<vmem>>, vector<16xi32>,
    %get3A_328 = arith.constant 8 : index
    %get3A_329 = tpu.vector_load %arg7[%get3A_328] {strides = array<i32>} : memref<32xi32, #tpu.memory_space<vmem>>, vector<16xi32>,
    %get3A_330 = vector.shape_cast %get3A_329 : vector<16xi32> to vector<16xi32>
    %add3A_331 = arith.addi %add3A_323, %get3A_330 : vector<16xi32>
    %add3A_332 = vector.broadcast %add3A_280 : i32 to vector<16xi32>
    %add3A_333 = arith.addi %add3A_332, %add3A_331 : vector<16xi32>
    %mul3A_334 = arith.muli %add3A_333, %min3A_299 : vector<16xi32>
    %add3A_335 = arith.constant 1 : i32
    %add3A_336 = vector.broadcast %add3A_335 : i32 to vector<16xi32>
    %add3A_337 = arith.addi %mul3A_334, %add3A_336 : vector<16xi32>
    %swap3A_338 = arith.constant 48 : index
    %swap3A_339 = tpu.vector_load %arg6[%swap3A_338] {strides = array<i32>} : memref<256xi32, #tpu.memory_space<vmem>>, vector<16xi32>,
    %swap3A_340 = vector.shape_cast %swap3A_339 : vector<16xi32> to vector<16xi32>
    %swap3A_341 = vector.shape_cast %add3A_337 : vector<16xi32> to vector<16xi32>
    tpu.vector_store %arg6[%swap3A_338], %swap3A_341 {strides = array<i32>} : memref<256xi32, #tpu.memory_space<vmem>>, vector<16xi32>,
    %slice3A_342 = vector.extract_strided_slice %add3A_331 {offsets = [15], sizes = [1], strides = [1]} : vector<16xi32> to vector<1xi32>
    %squeeze3A_343 = vector.extract %slice3A_342[0] : i32 from vector<1xi32>
    %add3A_344 = arith.addi %add3A_280, %squeeze3A_343 : i32
    %add3A_345 = arith.constant 64 : i32
    %add3A_346 = arith.addi %mul3A_32, %add3A_345 : i32
    %get3A_347 = arith.index_cast %add3A_346 : i32 to index
    %get3A_348 = tpu.vector_load %arg5[%get3A_347] {strides = array<i32>} : memref<2048xi32, #tpu.memory_space<vmem>>, vector<16xi32>,
    %get3A_349 = vector.shape_cast %get3A_348 : vector<16xi32> to vector<16xi32>
    %sub3A_350 = arith.constant 1 : i32
    %sub3A_351 = vector.broadcast %sub3A_350 : i32 to vector<16xi32>
    %sub3A_352 = arith.subi %get3A_349, %sub3A_351 : vector<16xi32>
    %abs3A_353 = math.absi %sub3A_352 : vector<16xi32>
    %min3A_354 = arith.constant 1 : i32
    %min3A_355 = vector.broadcast %min3A_354 : i32 to vector<16xi32>
    %min3A_356 = arith.minsi %abs3A_353, %min3A_355 : vector<16xi32>
    %swap3A_357 = arith.constant 16 : index
    %swap3A_358 = tpu.vector_load %arg7[%swap3A_357] {strides = array<i32>} : memref<32xi32, #tpu.memory_space<vmem>>, vector<16xi32>,
    %swap3A_359 = vector.shape_cast %swap3A_358 : vector<16xi32> to vector<16xi32>
    %swap3A_360 = vector.shape_cast %min3A_356 : vector<16xi32> to vector<16xi32>
    tpu.vector_store %arg7[%swap3A_357], %swap3A_360 {strides = array<i32>} : memref<32xi32, #tpu.memory_space<vmem>>, vector<16xi32>,
    %get3A_361 = arith.constant 15 : index
    %get3A_362 = tpu.vector_load %arg7[%get3A_361] {strides = array<i32>} : memref<32xi32, #tpu.memory_space<vmem>>, vector<16xi32>,
    %get3A_363 = vector.shape_cast %get3A_362 : vector<16xi32> to vector<16xi32>
    %add3A_364 = arith.addi %min3A_356, %get3A_363 : vector<16xi32>
    %swap3A_365 = arith.constant 16 : index
    %swap3A_366 = tpu.vector_load %arg7[%swap3A_365] {strides = array<i32>} : memref<32xi32, #tpu.memory_space<vmem>>, vector<16xi32>,
    %swap3A_367 = vector.shape_cast %swap3A_366 : vector<16xi32> to vector<16xi32>
    %swap3A_368 = vector.shape_cast %add3A_364 : vector<16xi32> to vector<16xi32>
    tpu.vector_store %arg7[%swap3A_365], %swap3A_368 {strides = array<i32>} : memref<32xi32, #tpu.memory_space<vmem>>, vector<16xi32>,
    %get3A_369 = arith.constant 14 : index
    %get3A_370 = tpu.vector_load %arg7[%get3A_369] {strides = array<i32>} : memref<32xi32, #tpu.memory_space<vmem>>, vector<16xi32>,
    %get3A_371 = vector.shape_cast %get3A_370 : vector<16xi32> to vector<16xi32>
    %add3A_372 = arith.addi %add3A_364, %get3A_371 : vector<16xi32>
    %swap3A_373 = arith.constant 16 : index
    %swap3A_374 = tpu.vector_load %arg7[%swap3A_373] {strides = array<i32>} : memref<32xi32, #tpu.memory_space<vmem>>, vector<16xi32>,
    %swap3A_375 = vector.shape_cast %swap3A_374 : vector<16xi32> to vector<16xi32>
    %swap3A_376 = vector.shape_cast %add3A_372 : vector<16xi32> to vector<16xi32>
    tpu.vector_store %arg7[%swap3A_373], %swap3A_376 {strides = array<i32>} : memref<32xi32, #tpu.memory_space<vmem>>, vector<16xi32>,
    %get3A_377 = arith.constant 12 : index
    %get3A_378 = tpu.vector_load %arg7[%get3A_377] {strides = array<i32>} : memref<32xi32, #tpu.memory_space<vmem>>, vector<16xi32>,
    %get3A_379 = vector.shape_cast %get3A_378 : vector<16xi32> to vector<16xi32>
    %add3A_380 = arith.addi %add3A_372, %get3A_379 : vector<16xi32>
    %swap3A_381 = arith.constant 16 : index
    %swap3A_382 = tpu.vector_load %arg7[%swap3A_381] {strides = array<i32>} : memref<32xi32, #tpu.memory_space<vmem>>, vector<16xi32>,
    %swap3A_383 = vector.shape_cast %swap3A_382 : vector<16xi32> to vector<16xi32>
    %swap3A_384 = vector.shape_cast %add3A_380 : vector<16xi32> to vector<16xi32>
    tpu.vector_store %arg7[%swap3A_381], %swap3A_384 {strides = array<i32>} : memref<32xi32, #tpu.memory_space<vmem>>, vector<16xi32>,
    %get3A_385 = arith.constant 8 : index
    %get3A_386 = tpu.vector_load %arg7[%get3A_385] {strides = array<i32>} : memref<32xi32, #tpu.memory_space<vmem>>, vector<16xi32>,
    %get3A_387 = vector.shape_cast %get3A_386 : vector<16xi32> to vector<16xi32>
    %add3A_388 = arith.addi %add3A_380, %get3A_387 : vector<16xi32>
    %add3A_389 = vector.broadcast %add3A_344 : i32 to vector<16xi32>
    %add3A_390 = arith.addi %add3A_389, %add3A_388 : vector<16xi32>
    %mul3A_391 = arith.muli %add3A_390, %min3A_356 : vector<16xi32>
    %add3A_392 = arith.constant 1 : i32
    %add3A_393 = vector.broadcast %add3A_392 : i32 to vector<16xi32>
    %add3A_394 = arith.addi %mul3A_391, %add3A_393 : vector<16xi32>
    %swap3A_395 = arith.constant 64 : index
    %swap3A_396 = tpu.vector_load %arg6[%swap3A_395] {strides = array<i32>} : memref<256xi32, #tpu.memory_space<vmem>>, vector<16xi32>,
    %swap3A_397 = vector.shape_cast %swap3A_396 : vector<16xi32> to vector<16xi32>
    %swap3A_398 = vector.shape_cast %add3A_394 : vector<16xi32> to vector<16xi32>
    tpu.vector_store %arg6[%swap3A_395], %swap3A_398 {strides = array<i32>} : memref<256xi32, #tpu.memory_space<vmem>>, vector<16xi32>,
    %slice3A_399 = vector.extract_strided_slice %add3A_388 {offsets = [15], sizes = [1], strides = [1]} : vector<16xi32> to vector<1xi32>
    %squeeze3A_400 = vector.extract %slice3A_399[0] : i32 from vector<1xi32>
    %add3A_401 = arith.addi %add3A_344, %squeeze3A_400 : i32
    %add3A_402 = arith.constant 80 : i32
    %add3A_403 = arith.addi %mul3A_32, %add3A_402 : i32
    %get3A_404 = arith.index_cast %add3A_403 : i32 to index
    %get3A_405 = tpu.vector_load %arg5[%get3A_404] {strides = array<i32>} : memref<2048xi32, #tpu.memory_space<vmem>>, vector<16xi32>,
    %get3A_406 = vector.shape_cast %get3A_405 : vector<16xi32> to vector<16xi32>
    %sub3A_407 = arith.constant 1 : i32
    %sub3A_408 = vector.broadcast %sub3A_407 : i32 to vector<16xi32>
    %sub3A_409 = arith.subi %get3A_406, %sub3A_408 : vector<16xi32>
    %abs3A_410 = math.absi %sub3A_409 : vector<16xi32>
    %min3A_411 = arith.constant 1 : i32
    %min3A_412 = vector.broadcast %min3A_411 : i32 to vector<16xi32>
    %min3A_413 = arith.minsi %abs3A_410, %min3A_412 : vector<16xi32>
    %swap3A_414 = arith.constant 16 : index
    %swap3A_415 = tpu.vector_load %arg7[%swap3A_414] {strides = array<i32>} : memref<32xi32, #tpu.memory_space<vmem>>, vector<16xi32>,
    %swap3A_416 = vector.shape_cast %swap3A_415 : vector<16xi32> to vector<16xi32>
    %swap3A_417 = vector.shape_cast %min3A_413 : vector<16xi32> to vector<16xi32>
    tpu.vector_store %arg7[%swap3A_414], %swap3A_417 {strides = array<i32>} : memref<32xi32, #tpu.memory_space<vmem>>, vector<16xi32>,
    %get3A_418 = arith.constant 15 : index
    %get3A_419 = tpu.vector_load %arg7[%get3A_418] {strides = array<i32>} : memref<32xi32, #tpu.memory_space<vmem>>, vector<16xi32>,
    %get3A_420 = vector.shape_cast %get3A_419 : vector<16xi32> to vector<16xi32>
    %add3A_421 = arith.addi %min3A_413, %get3A_420 : vector<16xi32>
    %swap3A_422 = arith.constant 16 : index
    %swap3A_423 = tpu.vector_load %arg7[%swap3A_422] {strides = array<i32>} : memref<32xi32, #tpu.memory_space<vmem>>, vector<16xi32>,
    %swap3A_424 = vector.shape_cast %swap3A_423 : vector<16xi32> to vector<16xi32>
    %swap3A_425 = vector.shape_cast %add3A_421 : vector<16xi32> to vector<16xi32>
    tpu.vector_store %arg7[%swap3A_422], %swap3A_425 {strides = array<i32>} : memref<32xi32, #tpu.memory_space<vmem>>, vector<16xi32>,
    %get3A_426 = arith.constant 14 : index
    %get3A_427 = tpu.vector_load %arg7[%get3A_426] {strides = array<i32>} : memref<32xi32, #tpu.memory_space<vmem>>, vector<16xi32>,
    %get3A_428 = vector.shape_cast %get3A_427 : vector<16xi32> to vector<16xi32>
    %add3A_429 = arith.addi %add3A_421, %get3A_428 : vector<16xi32>
    %swap3A_430 = arith.constant 16 : index
    %swap3A_431 = tpu.vector_load %arg7[%swap3A_430] {strides = array<i32>} : memref<32xi32, #tpu.memory_space<vmem>>, vector<16xi32>,
    %swap3A_432 = vector.shape_cast %swap3A_431 : vector<16xi32> to vector<16xi32>
    %swap3A_433 = vector.shape_cast %add3A_429 : vector<16xi32> to vector<16xi32>
    tpu.vector_store %arg7[%swap3A_430], %swap3A_433 {strides = array<i32>} : memref<32xi32, #tpu.memory_space<vmem>>, vector<16xi32>,
    %get3A_434 = arith.constant 12 : index
    %get3A_435 = tpu.vector_load %arg7[%get3A_434] {strides = array<i32>} : memref<32xi32, #tpu.memory_space<vmem>>, vector<16xi32>,
    %get3A_436 = vector.shape_cast %get3A_435 : vector<16xi32> to vector<16xi32>
    %add3A_437 = arith.addi %add3A_429, %get3A_436 : vector<16xi32>
    %swap3A_438 = arith.constant 16 : index
    %swap3A_439 = tpu.vector_load %arg7[%swap3A_438] {strides = array<i32>} : memref<32xi32, #tpu.memory_space<vmem>>, vector<16xi32>,
    %swap3A_440 = vector.shape_cast %swap3A_439 : vector<16xi32> to vector<16xi32>
    %swap3A_441 = vector.shape_cast %add3A_437 : vector<16xi32> to vector<16xi32>
    tpu.vector_store %arg7[%swap3A_438], %swap3A_441 {strides = array<i32>} : memref<32xi32, #tpu.memory_space<vmem>>, vector<16xi32>,
    %get3A_442 = arith.constant 8 : index
    %get3A_443 = tpu.vector_load %arg7[%get3A_442] {strides = array<i32>} : memref<32xi32, #tpu.memory_space<vmem>>, vector<16xi32>,
    %get3A_444 = vector.shape_cast %get3A_443 : vector<16xi32> to vector<16xi32>
    %add3A_445 = arith.addi %add3A_437, %get3A_444 : vector<16xi32>
    %add3A_446 = vector.broadcast %add3A_401 : i32 to vector<16xi32>
    %add3A_447 = arith.addi %add3A_446, %add3A_445 : vector<16xi32>
    %mul3A_448 = arith.muli %add3A_447, %min3A_413 : vector<16xi32>
    %add3A_449 = arith.constant 1 : i32
    %add3A_450 = vector.broadcast %add3A_449 : i32 to vector<16xi32>
    %add3A_451 = arith.addi %mul3A_448, %add3A_450 : vector<16xi32>
    %swap3A_452 = arith.constant 80 : index
    %swap3A_453 = tpu.vector_load %arg6[%swap3A_452] {strides = array<i32>} : memref<256xi32, #tpu.memory_space<vmem>>, vector<16xi32>,
    %swap3A_454 = vector.shape_cast %swap3A_453 : vector<16xi32> to vector<16xi32>
    %swap3A_455 = vector.shape_cast %add3A_451 : vector<16xi32> to vector<16xi32>
    tpu.vector_store %arg6[%swap3A_452], %swap3A_455 {strides = array<i32>} : memref<256xi32, #tpu.memory_space<vmem>>, vector<16xi32>,
    %slice3A_456 = vector.extract_strided_slice %add3A_445 {offsets = [15], sizes = [1], strides = [1]} : vector<16xi32> to vector<1xi32>
    %squeeze3A_457 = vector.extract %slice3A_456[0] : i32 from vector<1xi32>
    %add3A_458 = arith.addi %add3A_401, %squeeze3A_457 : i32
    %dma_start3A_459 = arith.constant 0 : i32
    %dma_start3A_460 = arith.constant 0 : i32
    %dma_start3A_461 = tpu.memref_slice %arg9[%dma_start3A_459, %dma_start3A_460] : memref<48x1024xf32, #tpu.memory_space<vmem>> -> memref<48x1024xf32, #tpu.memory_space<vmem>>
    %dma_start3A_462 = arith.constant 48 : i32
    %dma_start3A_463 = tpu.memref_slice %arg6[%dma_start3A_462] : memref<256xi32, #tpu.memory_space<vmem>> -> memref<48xi32, #tpu.memory_space<vmem>>
    %dma_start3A_464 = arith.constant 0 : i32
    %dma_start3A_465 = arith.constant 0 : i32
    %dma_start3A_466 = tpu.memref_slice %arg3[%dma_start3A_464, %dma_start3A_465] : memref<2050x1024xf32, #tpu.memory_space<hbm>> -> memref<2050x1024xf32, #tpu.memory_space<hbm>>
    tpu.enqueue_indirect_dma source(%dma_start3A_466 : memref<2050x1024xf32, #tpu.memory_space<hbm>>) target(%dma_start3A_461 : memref<48x1024xf32, #tpu.memory_space<vmem>>) offsets(%dma_start3A_463 : memref<48xi32, #tpu.memory_space<vmem>>) semaphore(%arg11 : memref<!tpu.dma_semaphore, #tpu.memory_space<semaphore_mem>>)
    %dma_wait3A = arith.constant 0 : i32
    %dma_wait3A_467 = arith.constant 0 : i32
    %dma_wait3A_468 = tpu.memref_slice %arg8[%dma_wait3A, %dma_wait3A_467] : memref<48x1024xf32, #tpu.memory_space<vmem>> -> memref<48x1024xf32, #tpu.memory_space<vmem>>
    %dma_wait3A_469 = arith.constant 0 : i32
    %dma_wait3A_470 = tpu.memref_slice %arg6[%dma_wait3A_469] : memref<256xi32, #tpu.memory_space<vmem>> -> memref<48xi32, #tpu.memory_space<vmem>>
    %dma_wait3A_471 = arith.constant 0 : i32
    %dma_wait3A_472 = arith.constant 0 : i32
    %dma_wait3A_473 = tpu.memref_slice %arg3[%dma_wait3A_471, %dma_wait3A_472] : memref<2050x1024xf32, #tpu.memory_space<hbm>> -> memref<2050x1024xf32, #tpu.memory_space<hbm>>
    tpu.wait_indirect_dma semaphore(%arg10 : memref<!tpu.dma_semaphore, #tpu.memory_space<semaphore_mem>>) src(%dma_wait3A_473 : memref<2050x1024xf32, #tpu.memory_space<hbm>>) dst(%dma_wait3A_468 : memref<48x1024xf32, #tpu.memory_space<vmem>>)
    %add3A_474 = arith.constant 0 : i32
    %add3A_475 = arith.addi %add3A_35, %add3A_474 : i32
    %dma_start3A_476 = arith.constant 0 : i32
    %dma_start3A_477 = arith.constant 0 : i32
    %dma_start3A_478 = tpu.memref_slice %arg8[%dma_start3A_476, %dma_start3A_477] : memref<48x1024xf32, #tpu.memory_space<vmem>> -> memref<48x1024xf32, #tpu.memory_space<vmem>>
    %dma_start3A_479 = arith.constant 0 : i32
    %dma_start3A_480 = tpu.memref_slice %arg4[%add3A_475, %dma_start3A_479] : memref<8192x1024xf32, #tpu.memory_space<hbm>> -> memref<48x1024xf32, #tpu.memory_space<hbm>>
    %dma_start3A_481 = arith.constant 0 : i32
    %dma_start3A_482 = tpu.memref_slice %arg4[%add3A_475, %dma_start3A_481] : memref<8192x1024xf32, #tpu.memory_space<hbm>> -> memref<48x1024xf32, #tpu.memory_space<hbm>>
    %dma_start3A_483 = arith.constant 0 : i32
    %dma_start3A_484 = arith.constant 0 : i32
    %dma_start3A_485 = tpu.memref_slice %arg8[%dma_start3A_483, %dma_start3A_484] : memref<48x1024xf32, #tpu.memory_space<vmem>> -> memref<48x1024xf32, #tpu.memory_space<vmem>>
    tpu.enqueue_dma source(%dma_start3A_485 : memref<48x1024xf32, #tpu.memory_space<vmem>>) target(%dma_start3A_482 : memref<48x1024xf32, #tpu.memory_space<hbm>>) target_semaphore(%arg12 : memref<!tpu.dma_semaphore, #tpu.memory_space<semaphore_mem>>)
    %add3A_486 = arith.constant 96 : i32
    %add3A_487 = arith.addi %mul3A_32, %add3A_486 : i32
    %get3A_488 = arith.index_cast %add3A_487 : i32 to index
    %get3A_489 = tpu.vector_load %arg5[%get3A_488] {strides = array<i32>} : memref<2048xi32, #tpu.memory_space<vmem>>, vector<16xi32>,
    %get3A_490 = vector.shape_cast %get3A_489 : vector<16xi32> to vector<16xi32>
    %sub3A_491 = arith.constant 1 : i32
    %sub3A_492 = vector.broadcast %sub3A_491 : i32 to vector<16xi32>
    %sub3A_493 = arith.subi %get3A_490, %sub3A_492 : vector<16xi32>
    %abs3A_494 = math.absi %sub3A_493 : vector<16xi32>
    %min3A_495 = arith.constant 1 : i32
    %min3A_496 = vector.broadcast %min3A_495 : i32 to vector<16xi32>
    %min3A_497 = arith.minsi %abs3A_494, %min3A_496 : vector<16xi32>
    %swap3A_498 = arith.constant 16 : index
    %swap3A_499 = tpu.vector_load %arg7[%swap3A_498] {strides = array<i32>} : memref<32xi32, #tpu.memory_space<vmem>>, vector<16xi32>,
    %swap3A_500 = vector.shape_cast %swap3A_499 : vector<16xi32> to vector<16xi32>
    %swap3A_501 = vector.shape_cast %min3A_497 : vector<16xi32> to vector<16xi32>
    tpu.vector_store %arg7[%swap3A_498], %swap3A_501 {strides = array<i32>} : memref<32xi32, #tpu.memory_space<vmem>>, vector<16xi32>,
    %get3A_502 = arith.constant 15 : index
    %get3A_503 = tpu.vector_load %arg7[%get3A_502] {strides = array<i32>} : memref<32xi32, #tpu.memory_space<vmem>>, vector<16xi32>,
    %get3A_504 = vector.shape_cast %get3A_503 : vector<16xi32> to vector<16xi32>
    %add3A_505 = arith.addi %min3A_497, %get3A_504 : vector<16xi32>
    %swap3A_506 = arith.constant 16 : index
    %swap3A_507 = tpu.vector_load %arg7[%swap3A_506] {strides = array<i32>} : memref<32xi32, #tpu.memory_space<vmem>>, vector<16xi32>,
    %swap3A_508 = vector.shape_cast %swap3A_507 : vector<16xi32> to vector<16xi32>
    %swap3A_509 = vector.shape_cast %add3A_505 : vector<16xi32> to vector<16xi32>
    tpu.vector_store %arg7[%swap3A_506], %swap3A_509 {strides = array<i32>} : memref<32xi32, #tpu.memory_space<vmem>>, vector<16xi32>,
    %get3A_510 = arith.constant 14 : index
    %get3A_511 = tpu.vector_load %arg7[%get3A_510] {strides = array<i32>} : memref<32xi32, #tpu.memory_space<vmem>>, vector<16xi32>,
    %get3A_512 = vector.shape_cast %get3A_511 : vector<16xi32> to vector<16xi32>
    %add3A_513 = arith.addi %add3A_505, %get3A_512 : vector<16xi32>
    %swap3A_514 = arith.constant 16 : index
    %swap3A_515 = tpu.vector_load %arg7[%swap3A_514] {strides = array<i32>} : memref<32xi32, #tpu.memory_space<vmem>>, vector<16xi32>,
    %swap3A_516 = vector.shape_cast %swap3A_515 : vector<16xi32> to vector<16xi32>
    %swap3A_517 = vector.shape_cast %add3A_513 : vector<16xi32> to vector<16xi32>
    tpu.vector_store %arg7[%swap3A_514], %swap3A_517 {strides = array<i32>} : memref<32xi32, #tpu.memory_space<vmem>>, vector<16xi32>,
    %get3A_518 = arith.constant 12 : index
    %get3A_519 = tpu.vector_load %arg7[%get3A_518] {strides = array<i32>} : memref<32xi32, #tpu.memory_space<vmem>>, vector<16xi32>,
    %get3A_520 = vector.shape_cast %get3A_519 : vector<16xi32> to vector<16xi32>
    %add3A_521 = arith.addi %add3A_513, %get3A_520 : vector<16xi32>
    %swap3A_522 = arith.constant 16 : index
    %swap3A_523 = tpu.vector_load %arg7[%swap3A_522] {strides = array<i32>} : memref<32xi32, #tpu.memory_space<vmem>>, vector<16xi32>,
    %swap3A_524 = vector.shape_cast %swap3A_523 : vector<16xi32> to vector<16xi32>
    %swap3A_525 = vector.shape_cast %add3A_521 : vector<16xi32> to vector<16xi32>
    tpu.vector_store %arg7[%swap3A_522], %swap3A_525 {strides = array<i32>} : memref<32xi32, #tpu.memory_space<vmem>>, vector<16xi32>,
    %get3A_526 = arith.constant 8 : index
    %get3A_527 = tpu.vector_load %arg7[%get3A_526] {strides = array<i32>} : memref<32xi32, #tpu.memory_space<vmem>>, vector<16xi32>,
    %get3A_528 = vector.shape_cast %get3A_527 : vector<16xi32> to vector<16xi32>
    %add3A_529 = arith.addi %add3A_521, %get3A_528 : vector<16xi32>
    %add3A_530 = vector.broadcast %add3A_458 : i32 to vector<16xi32>
    %add3A_531 = arith.addi %add3A_530, %add3A_529 : vector<16xi32>
    %mul3A_532 = arith.muli %add3A_531, %min3A_497 : vector<16xi32>
    %add3A_533 = arith.constant 1 : i32
    %add3A_534 = vector.broadcast %add3A_533 : i32 to vector<16xi32>
    %add3A_535 = arith.addi %mul3A_532, %add3A_534 : vector<16xi32>
    %swap3A_536 = arith.constant 96 : index
    %swap3A_537 = tpu.vector_load %arg6[%swap3A_536] {strides = array<i32>} : memref<256xi32, #tpu.memory_space<vmem>>, vector<16xi32>,
    %swap3A_538 = vector.shape_cast %swap3A_537 : vector<16xi32> to vector<16xi32>
    %swap3A_539 = vector.shape_cast %add3A_535 : vector<16xi32> to vector<16xi32>
    tpu.vector_store %arg6[%swap3A_536], %swap3A_539 {strides = array<i32>} : memref<256xi32, #tpu.memory_space<vmem>>, vector<16xi32>,
    %slice3A_540 = vector.extract_strided_slice %add3A_529 {offsets = [15], sizes = [1], strides = [1]} : vector<16xi32> to vector<1xi32>
    %squeeze3A_541 = vector.extract %slice3A_540[0] : i32 from vector<1xi32>
    %add3A_542 = arith.addi %add3A_458, %squeeze3A_541 : i32
    %add3A_543 = arith.constant 112 : i32
    %add3A_544 = arith.addi %mul3A_32, %add3A_543 : i32
    %get3A_545 = arith.index_cast %add3A_544 : i32 to index
    %get3A_546 = tpu.vector_load %arg5[%get3A_545] {strides = array<i32>} : memref<2048xi32, #tpu.memory_space<vmem>>, vector<16xi32>,
    %get3A_547 = vector.shape_cast %get3A_546 : vector<16xi32> to vector<16xi32>
    %sub3A_548 = arith.constant 1 : i32
    %sub3A_549 = vector.broadcast %sub3A_548 : i32 to vector<16xi32>
    %sub3A_550 = arith.subi %get3A_547, %sub3A_549 : vector<16xi32>
    %abs3A_551 = math.absi %sub3A_550 : vector<16xi32>
    %min3A_552 = arith.constant 1 : i32
    %min3A_553 = vector.broadcast %min3A_552 : i32 to vector<16xi32>
    %min3A_554 = arith.minsi %abs3A_551, %min3A_553 : vector<16xi32>
    %swap3A_555 = arith.constant 16 : index
    %swap3A_556 = tpu.vector_load %arg7[%swap3A_555] {strides = array<i32>} : memref<32xi32, #tpu.memory_space<vmem>>, vector<16xi32>,
    %swap3A_557 = vector.shape_cast %swap3A_556 : vector<16xi32> to vector<16xi32>
    %swap3A_558 = vector.shape_cast %min3A_554 : vector<16xi32> to vector<16xi32>
    tpu.vector_store %arg7[%swap3A_555], %swap3A_558 {strides = array<i32>} : memref<32xi32, #tpu.memory_space<vmem>>, vector<16xi32>,
    %get3A_559 = arith.constant 15 : index
    %get3A_560 = tpu.vector_load %arg7[%get3A_559] {strides = array<i32>} : memref<32xi32, #tpu.memory_space<vmem>>, vector<16xi32>,
    %get3A_561 = vector.shape_cast %get3A_560 : vector<16xi32> to vector<16xi32>
    %add3A_562 = arith.addi %min3A_554, %get3A_561 : vector<16xi32>
    %swap3A_563 = arith.constant 16 : index
    %swap3A_564 = tpu.vector_load %arg7[%swap3A_563] {strides = array<i32>} : memref<32xi32, #tpu.memory_space<vmem>>, vector<16xi32>,
    %swap3A_565 = vector.shape_cast %swap3A_564 : vector<16xi32> to vector<16xi32>
    %swap3A_566 = vector.shape_cast %add3A_562 : vector<16xi32> to vector<16xi32>
    tpu.vector_store %arg7[%swap3A_563], %swap3A_566 {strides = array<i32>} : memref<32xi32, #tpu.memory_space<vmem>>, vector<16xi32>,
    %get3A_567 = arith.constant 14 : index
    %get3A_568 = tpu.vector_load %arg7[%get3A_567] {strides = array<i32>} : memref<32xi32, #tpu.memory_space<vmem>>, vector<16xi32>,
    %get3A_569 = vector.shape_cast %get3A_568 : vector<16xi32> to vector<16xi32>
    %add3A_570 = arith.addi %add3A_562, %get3A_569 : vector<16xi32>
    %swap3A_571 = arith.constant 16 : index
    %swap3A_572 = tpu.vector_load %arg7[%swap3A_571] {strides = array<i32>} : memref<32xi32, #tpu.memory_space<vmem>>, vector<16xi32>,
    %swap3A_573 = vector.shape_cast %swap3A_572 : vector<16xi32> to vector<16xi32>
    %swap3A_574 = vector.shape_cast %add3A_570 : vector<16xi32> to vector<16xi32>
    tpu.vector_store %arg7[%swap3A_571], %swap3A_574 {strides = array<i32>} : memref<32xi32, #tpu.memory_space<vmem>>, vector<16xi32>,
    %get3A_575 = arith.constant 12 : index
    %get3A_576 = tpu.vector_load %arg7[%get3A_575] {strides = array<i32>} : memref<32xi32, #tpu.memory_space<vmem>>, vector<16xi32>,
    %get3A_577 = vector.shape_cast %get3A_576 : vector<16xi32> to vector<16xi32>
    %add3A_578 = arith.addi %add3A_570, %get3A_577 : vector<16xi32>
    %swap3A_579 = arith.constant 16 : index
    %swap3A_580 = tpu.vector_load %arg7[%swap3A_579] {strides = array<i32>} : memref<32xi32, #tpu.memory_space<vmem>>, vector<16xi32>,
    %swap3A_581 = vector.shape_cast %swap3A_580 : vector<16xi32> to vector<16xi32>
    %swap3A_582 = vector.shape_cast %add3A_578 : vector<16xi32> to vector<16xi32>
    tpu.vector_store %arg7[%swap3A_579], %swap3A_582 {strides = array<i32>} : memref<32xi32, #tpu.memory_space<vmem>>, vector<16xi32>,
    %get3A_583 = arith.constant 8 : index
    %get3A_584 = tpu.vector_load %arg7[%get3A_583] {strides = array<i32>} : memref<32xi32, #tpu.memory_space<vmem>>, vector<16xi32>,
    %get3A_585 = vector.shape_cast %get3A_584 : vector<16xi32> to vector<16xi32>
    %add3A_586 = arith.addi %add3A_578, %get3A_585 : vector<16xi32>
    %add3A_587 = vector.broadcast %add3A_542 : i32 to vector<16xi32>
    %add3A_588 = arith.addi %add3A_587, %add3A_586 : vector<16xi32>
    %mul3A_589 = arith.muli %add3A_588, %min3A_554 : vector<16xi32>
    %add3A_590 = arith.constant 1 : i32
    %add3A_591 = vector.broadcast %add3A_590 : i32 to vector<16xi32>
    %add3A_592 = arith.addi %mul3A_589, %add3A_591 : vector<16xi32>
    %swap3A_593 = arith.constant 112 : index
    %swap3A_594 = tpu.vector_load %arg6[%swap3A_593] {strides = array<i32>} : memref<256xi32, #tpu.memory_space<vmem>>, vector<16xi32>,
    %swap3A_595 = vector.shape_cast %swap3A_594 : vector<16xi32> to vector<16xi32>
    %swap3A_596 = vector.shape_cast %add3A_592 : vector<16xi32> to vector<16xi32>
    tpu.vector_store %arg6[%swap3A_593], %swap3A_596 {strides = array<i32>} : memref<256xi32, #tpu.memory_space<vmem>>, vector<16xi32>,
    %slice3A_597 = vector.extract_strided_slice %add3A_586 {offsets = [15], sizes = [1], strides = [1]} : vector<16xi32> to vector<1xi32>
    %squeeze3A_598 = vector.extract %slice3A_597[0] : i32 from vector<1xi32>
    %add3A_599 = arith.addi %add3A_542, %squeeze3A_598 : i32
    %add3A_600 = arith.constant 128 : i32
    %add3A_601 = arith.addi %mul3A_32, %add3A_600 : i32
    %get3A_602 = arith.index_cast %add3A_601 : i32 to index
    %get3A_603 = tpu.vector_load %arg5[%get3A_602] {strides = array<i32>} : memref<2048xi32, #tpu.memory_space<vmem>>, vector<16xi32>,
    %get3A_604 = vector.shape_cast %get3A_603 : vector<16xi32> to vector<16xi32>
    %sub3A_605 = arith.constant 1 : i32
    %sub3A_606 = vector.broadcast %sub3A_605 : i32 to vector<16xi32>
    %sub3A_607 = arith.subi %get3A_604, %sub3A_606 : vector<16xi32>
    %abs3A_608 = math.absi %sub3A_607 : vector<16xi32>
    %min3A_609 = arith.constant 1 : i32
    %min3A_610 = vector.broadcast %min3A_609 : i32 to vector<16xi32>
    %min3A_611 = arith.minsi %abs3A_608, %min3A_610 : vector<16xi32>
    %swap3A_612 = arith.constant 16 : index
    %swap3A_613 = tpu.vector_load %arg7[%swap3A_612] {strides = array<i32>} : memref<32xi32, #tpu.memory_space<vmem>>, vector<16xi32>,
    %swap3A_614 = vector.shape_cast %swap3A_613 : vector<16xi32> to vector<16xi32>
    %swap3A_615 = vector.shape_cast %min3A_611 : vector<16xi32> to vector<16xi32>
    tpu.vector_store %arg7[%swap3A_612], %swap3A_615 {strides = array<i32>} : memref<32xi32, #tpu.memory_space<vmem>>, vector<16xi32>,
    %get3A_616 = arith.constant 15 : index
    %get3A_617 = tpu.vector_load %arg7[%get3A_616] {strides = array<i32>} : memref<32xi32, #tpu.memory_space<vmem>>, vector<16xi32>,
    %get3A_618 = vector.shape_cast %get3A_617 : vector<16xi32> to vector<16xi32>
    %add3A_619 = arith.addi %min3A_611, %get3A_618 : vector<16xi32>
    %swap3A_620 = arith.constant 16 : index
    %swap3A_621 = tpu.vector_load %arg7[%swap3A_620] {strides = array<i32>} : memref<32xi32, #tpu.memory_space<vmem>>, vector<16xi32>,
    %swap3A_622 = vector.shape_cast %swap3A_621 : vector<16xi32> to vector<16xi32>
    %swap3A_623 = vector.shape_cast %add3A_619 : vector<16xi32> to vector<16xi32>
    tpu.vector_store %arg7[%swap3A_620], %swap3A_623 {strides = array<i32>} : memref<32xi32, #tpu.memory_space<vmem>>, vector<16xi32>,
    %get3A_624 = arith.constant 14 : index
    %get3A_625 = tpu.vector_load %arg7[%get3A_624] {strides = array<i32>} : memref<32xi32, #tpu.memory_space<vmem>>, vector<16xi32>,
    %get3A_626 = vector.shape_cast %get3A_625 : vector<16xi32> to vector<16xi32>
    %add3A_627 = arith.addi %add3A_619, %get3A_626 : vector<16xi32>
    %swap3A_628 = arith.constant 16 : index
    %swap3A_629 = tpu.vector_load %arg7[%swap3A_628] {strides = array<i32>} : memref<32xi32, #tpu.memory_space<vmem>>, vector<16xi32>,
    %swap3A_630 = vector.shape_cast %swap3A_629 : vector<16xi32> to vector<16xi32>
    %swap3A_631 = vector.shape_cast %add3A_627 : vector<16xi32> to vector<16xi32>
    tpu.vector_store %arg7[%swap3A_628], %swap3A_631 {strides = array<i32>} : memref<32xi32, #tpu.memory_space<vmem>>, vector<16xi32>,
    %get3A_632 = arith.constant 12 : index
    %get3A_633 = tpu.vector_load %arg7[%get3A_632] {strides = array<i32>} : memref<32xi32, #tpu.memory_space<vmem>>, vector<16xi32>,
    %get3A_634 = vector.shape_cast %get3A_633 : vector<16xi32> to vector<16xi32>
    %add3A_635 = arith.addi %add3A_627, %get3A_634 : vector<16xi32>
    %swap3A_636 = arith.constant 16 : index
    %swap3A_637 = tpu.vector_load %arg7[%swap3A_636] {strides = array<i32>} : memref<32xi32, #tpu.memory_space<vmem>>, vector<16xi32>,
    %swap3A_638 = vector.shape_cast %swap3A_637 : vector<16xi32> to vector<16xi32>
    %swap3A_639 = vector.shape_cast %add3A_635 : vector<16xi32> to vector<16xi32>
    tpu.vector_store %arg7[%swap3A_636], %swap3A_639 {strides = array<i32>} : memref<32xi32, #tpu.memory_space<vmem>>, vector<16xi32>,
    %get3A_640 = arith.constant 8 : index
    %get3A_641 = tpu.vector_load %arg7[%get3A_640] {strides = array<i32>} : memref<32xi32, #tpu.memory_space<vmem>>, vector<16xi32>,
    %get3A_642 = vector.shape_cast %get3A_641 : vector<16xi32> to vector<16xi32>
    %add3A_643 = arith.addi %add3A_635, %get3A_642 : vector<16xi32>
    %add3A_644 = vector.broadcast %add3A_599 : i32 to vector<16xi32>
    %add3A_645 = arith.addi %add3A_644, %add3A_643 : vector<16xi32>
    %mul3A_646 = arith.muli %add3A_645, %min3A_611 : vector<16xi32>
    %add3A_647 = arith.constant 1 : i32
    %add3A_648 = vector.broadcast %add3A_647 : i32 to vector<16xi32>
    %add3A_649 = arith.addi %mul3A_646, %add3A_648 : vector<16xi32>
    %swap3A_650 = arith.constant 128 : index
    %swap3A_651 = tpu.vector_load %arg6[%swap3A_650] {strides = array<i32>} : memref<256xi32, #tpu.memory_space<vmem>>, vector<16xi32>,
    %swap3A_652 = vector.shape_cast %swap3A_651 : vector<16xi32> to vector<16xi32>
    %swap3A_653 = vector.shape_cast %add3A_649 : vector<16xi32> to vector<16xi32>
    tpu.vector_store %arg6[%swap3A_650], %swap3A_653 {strides = array<i32>} : memref<256xi32, #tpu.memory_space<vmem>>, vector<16xi32>,
    %slice3A_654 = vector.extract_strided_slice %add3A_643 {offsets = [15], sizes = [1], strides = [1]} : vector<16xi32> to vector<1xi32>
    %squeeze3A_655 = vector.extract %slice3A_654[0] : i32 from vector<1xi32>
    %add3A_656 = arith.addi %add3A_599, %squeeze3A_655 : i32
    %dma_wait3A_657 = arith.constant 0 : i32
    %dma_wait3A_658 = arith.constant 0 : i32
    %dma_wait3A_659 = tpu.memref_slice %arg8[%dma_wait3A_657, %dma_wait3A_658] : memref<48x1024xf32, #tpu.memory_space<vmem>> -> memref<48x1024xf32, #tpu.memory_space<vmem>>
    %dma_wait3A_660 = arith.constant 0 : i32
    %dma_wait3A_661 = tpu.memref_slice %arg4[%add3A_475, %dma_wait3A_660] : memref<8192x1024xf32, #tpu.memory_space<hbm>> -> memref<48x1024xf32, #tpu.memory_space<hbm>>
    %dma_wait3A_662 = arith.constant 0 : i32
    %dma_wait3A_663 = tpu.memref_slice %arg4[%add3A_475, %dma_wait3A_662] : memref<8192x1024xf32, #tpu.memory_space<hbm>> -> memref<48x1024xf32, #tpu.memory_space<hbm>>
    %dma_wait3A_664 = arith.constant 0 : i32
    %dma_wait3A_665 = arith.constant 0 : i32
    %dma_wait3A_666 = tpu.memref_slice %arg8[%dma_wait3A_664, %dma_wait3A_665] : memref<48x1024xf32, #tpu.memory_space<vmem>> -> memref<48x1024xf32, #tpu.memory_space<vmem>>
    tpu.wait_dma2 semaphore(%arg12 : memref<!tpu.dma_semaphore, #tpu.memory_space<semaphore_mem>>) src(%dma_wait3A_666 : memref<48x1024xf32, #tpu.memory_space<vmem>>) dst(%dma_wait3A_663 : memref<48x1024xf32, #tpu.memory_space<hbm>>)
    %dma_start3A_667 = arith.constant 0 : i32
    %dma_start3A_668 = arith.constant 0 : i32
    %dma_start3A_669 = tpu.memref_slice %arg8[%dma_start3A_667, %dma_start3A_668] : memref<48x1024xf32, #tpu.memory_space<vmem>> -> memref<48x1024xf32, #tpu.memory_space<vmem>>
    %dma_start3A_670 = arith.constant 96 : i32
    %dma_start3A_671 = tpu.memref_slice %arg6[%dma_start3A_670] : memref<256xi32, #tpu.memory_space<vmem>> -> memref<48xi32, #tpu.memory_space<vmem>>
    %dma_start3A_672 = arith.constant 0 : i32
    %dma_start3A_673 = arith.constant 0 : i32
    %dma_start3A_674 = tpu.memref_slice %arg3[%dma_start3A_672, %dma_start3A_673] : memref<2050x1024xf32, #tpu.memory_space<hbm>> -> memref<2050x1024xf32, #tpu.memory_space<hbm>>
    tpu.enqueue_indirect_dma source(%dma_start3A_674 : memref<2050x1024xf32, #tpu.memory_space<hbm>>) target(%dma_start3A_669 : memref<48x1024xf32, #tpu.memory_space<vmem>>) offsets(%dma_start3A_671 : memref<48xi32, #tpu.memory_space<vmem>>) semaphore(%arg10 : memref<!tpu.dma_semaphore, #tpu.memory_space<semaphore_mem>>)
    %dma_wait3A_675 = arith.constant 0 : i32
    %dma_wait3A_676 = arith.constant 0 : i32
    %dma_wait3A_677 = tpu.memref_slice %arg9[%dma_wait3A_675, %dma_wait3A_676] : memref<48x1024xf32, #tpu.memory_space<vmem>> -> memref<48x1024xf32, #tpu.memory_space<vmem>>
    %dma_wait3A_678 = arith.constant 48 : i32
    %dma_wait3A_679 = tpu.memref_slice %arg6[%dma_wait3A_678] : memref<256xi32, #tpu.memory_space<vmem>> -> memref<48xi32, #tpu.memory_space<vmem>>
    %dma_wait3A_680 = arith.constant 0 : i32
    %dma_wait3A_681 = arith.constant 0 : i32
    %dma_wait3A_682 = tpu.memref_slice %arg3[%dma_wait3A_680, %dma_wait3A_681] : memref<2050x1024xf32, #tpu.memory_space<hbm>> -> memref<2050x1024xf32, #tpu.memory_space<hbm>>
    tpu.wait_indirect_dma semaphore(%arg11 : memref<!tpu.dma_semaphore, #tpu.memory_space<semaphore_mem>>) src(%dma_wait3A_682 : memref<2050x1024xf32, #tpu.memory_space<hbm>>) dst(%dma_wait3A_677 : memref<48x1024xf32, #tpu.memory_space<vmem>>)
    %add3A_683 = arith.constant 48 : i32
    %add3A_684 = arith.addi %add3A_35, %add3A_683 : i32
    %dma_start3A_685 = arith.constant 0 : i32
    %dma_start3A_686 = arith.constant 0 : i32
    %dma_start3A_687 = tpu.memref_slice %arg9[%dma_start3A_685, %dma_start3A_686] : memref<48x1024xf32, #tpu.memory_space<vmem>> -> memref<48x1024xf32, #tpu.memory_space<vmem>>
    %dma_start3A_688 = arith.constant 0 : i32
    %dma_start3A_689 = tpu.memref_slice %arg4[%add3A_684, %dma_start3A_688] : memref<8192x1024xf32, #tpu.memory_space<hbm>> -> memref<48x1024xf32, #tpu.memory_space<hbm>>
    %dma_start3A_690 = arith.constant 0 : i32
    %dma_start3A_691 = tpu.memref_slice %arg4[%add3A_684, %dma_start3A_690] : memref<8192x1024xf32, #tpu.memory_space<hbm>> -> memref<48x1024xf32, #tpu.memory_space<hbm>>
    %dma_start3A_692 = arith.constant 0 : i32
    %dma_start3A_693 = arith.constant 0 : i32
    %dma_start3A_694 = tpu.memref_slice %arg9[%dma_start3A_692, %dma_start3A_693] : memref<48x1024xf32, #tpu.memory_space<vmem>> -> memref<48x1024xf32, #tpu.memory_space<vmem>>
    tpu.enqueue_dma source(%dma_start3A_694 : memref<48x1024xf32, #tpu.memory_space<vmem>>) target(%dma_start3A_691 : memref<48x1024xf32, #tpu.memory_space<hbm>>) target_semaphore(%arg13 : memref<!tpu.dma_semaphore, #tpu.memory_space<semaphore_mem>>)
    %add3A_695 = arith.constant 144 : i32
    %add3A_696 = arith.addi %mul3A_32, %add3A_695 : i32
    %get3A_697 = arith.index_cast %add3A_696 : i32 to index
    %get3A_698 = tpu.vector_load %arg5[%get3A_697] {strides = array<i32>} : memref<2048xi32, #tpu.memory_space<vmem>>, vector<16xi32>,
    %get3A_699 = vector.shape_cast %get3A_698 : vector<16xi32> to vector<16xi32>
    %sub3A_700 = arith.constant 1 : i32
    %sub3A_701 = vector.broadcast %sub3A_700 : i32 to vector<16xi32>
    %sub3A_702 = arith.subi %get3A_699, %sub3A_701 : vector<16xi32>
    %abs3A_703 = math.absi %sub3A_702 : vector<16xi32>
    %min3A_704 = arith.constant 1 : i32
    %min3A_705 = vector.broadcast %min3A_704 : i32 to vector<16xi32>
    %min3A_706 = arith.minsi %abs3A_703, %min3A_705 : vector<16xi32>
    %swap3A_707 = arith.constant 16 : index
    %swap3A_708 = tpu.vector_load %arg7[%swap3A_707] {strides = array<i32>} : memref<32xi32, #tpu.memory_space<vmem>>, vector<16xi32>,
    %swap3A_709 = vector.shape_cast %swap3A_708 : vector<16xi32> to vector<16xi32>
    %swap3A_710 = vector.shape_cast %min3A_706 : vector<16xi32> to vector<16xi32>
    tpu.vector_store %arg7[%swap3A_707], %swap3A_710 {strides = array<i32>} : memref<32xi32, #tpu.memory_space<vmem>>, vector<16xi32>,
    %get3A_711 = arith.constant 15 : index
    %get3A_712 = tpu.vector_load %arg7[%get3A_711] {strides = array<i32>} : memref<32xi32, #tpu.memory_space<vmem>>, vector<16xi32>,
    %get3A_713 = vector.shape_cast %get3A_712 : vector<16xi32> to vector<16xi32>
    %add3A_714 = arith.addi %min3A_706, %get3A_713 : vector<16xi32>
    %swap3A_715 = arith.constant 16 : index
    %swap3A_716 = tpu.vector_load %arg7[%swap3A_715] {strides = array<i32>} : memref<32xi32, #tpu.memory_space<vmem>>, vector<16xi32>,
    %swap3A_717 = vector.shape_cast %swap3A_716 : vector<16xi32> to vector<16xi32>
    %swap3A_718 = vector.shape_cast %add3A_714 : vector<16xi32> to vector<16xi32>
    tpu.vector_store %arg7[%swap3A_715], %swap3A_718 {strides = array<i32>} : memref<32xi32, #tpu.memory_space<vmem>>, vector<16xi32>,
    %get3A_719 = arith.constant 14 : index
    %get3A_720 = tpu.vector_load %arg7[%get3A_719] {strides = array<i32>} : memref<32xi32, #tpu.memory_space<vmem>>, vector<16xi32>,
    %get3A_721 = vector.shape_cast %get3A_720 : vector<16xi32> to vector<16xi32>
    %add3A_722 = arith.addi %add3A_714, %get3A_721 : vector<16xi32>
    %swap3A_723 = arith.constant 16 : index
    %swap3A_724 = tpu.vector_load %arg7[%swap3A_723] {strides = array<i32>} : memref<32xi32, #tpu.memory_space<vmem>>, vector<16xi32>,
    %swap3A_725 = vector.shape_cast %swap3A_724 : vector<16xi32> to vector<16xi32>
    %swap3A_726 = vector.shape_cast %add3A_722 : vector<16xi32> to vector<16xi32>
    tpu.vector_store %arg7[%swap3A_723], %swap3A_726 {strides = array<i32>} : memref<32xi32, #tpu.memory_space<vmem>>, vector<16xi32>,
    %get3A_727 = arith.constant 12 : index
    %get3A_728 = tpu.vector_load %arg7[%get3A_727] {strides = array<i32>} : memref<32xi32, #tpu.memory_space<vmem>>, vector<16xi32>,
    %get3A_729 = vector.shape_cast %get3A_728 : vector<16xi32> to vector<16xi32>
    %add3A_730 = arith.addi %add3A_722, %get3A_729 : vector<16xi32>
    %swap3A_731 = arith.constant 16 : index
    %swap3A_732 = tpu.vector_load %arg7[%swap3A_731] {strides = array<i32>} : memref<32xi32, #tpu.memory_space<vmem>>, vector<16xi32>,
    %swap3A_733 = vector.shape_cast %swap3A_732 : vector<16xi32> to vector<16xi32>
    %swap3A_734 = vector.shape_cast %add3A_730 : vector<16xi32> to vector<16xi32>
    tpu.vector_store %arg7[%swap3A_731], %swap3A_734 {strides = array<i32>} : memref<32xi32, #tpu.memory_space<vmem>>, vector<16xi32>,
    %get3A_735 = arith.constant 8 : index
    %get3A_736 = tpu.vector_load %arg7[%get3A_735] {strides = array<i32>} : memref<32xi32, #tpu.memory_space<vmem>>, vector<16xi32>,
    %get3A_737 = vector.shape_cast %get3A_736 : vector<16xi32> to vector<16xi32>
    %add3A_738 = arith.addi %add3A_730, %get3A_737 : vector<16xi32>
    %add3A_739 = vector.broadcast %add3A_656 : i32 to vector<16xi32>
    %add3A_740 = arith.addi %add3A_739, %add3A_738 : vector<16xi32>
    %mul3A_741 = arith.muli %add3A_740, %min3A_706 : vector<16xi32>
    %add3A_742 = arith.constant 1 : i32
    %add3A_743 = vector.broadcast %add3A_742 : i32 to vector<16xi32>
    %add3A_744 = arith.addi %mul3A_741, %add3A_743 : vector<16xi32>
    %swap3A_745 = arith.constant 144 : index
    %swap3A_746 = tpu.vector_load %arg6[%swap3A_745] {strides = array<i32>} : memref<256xi32, #tpu.memory_space<vmem>>, vector<16xi32>,
    %swap3A_747 = vector.shape_cast %swap3A_746 : vector<16xi32> to vector<16xi32>
    %swap3A_748 = vector.shape_cast %add3A_744 : vector<16xi32> to vector<16xi32>
    tpu.vector_store %arg6[%swap3A_745], %swap3A_748 {strides = array<i32>} : memref<256xi32, #tpu.memory_space<vmem>>, vector<16xi32>,
    %slice3A_749 = vector.extract_strided_slice %add3A_738 {offsets = [15], sizes = [1], strides = [1]} : vector<16xi32> to vector<1xi32>
    %squeeze3A_750 = vector.extract %slice3A_749[0] : i32 from vector<1xi32>
    %add3A_751 = arith.addi %add3A_656, %squeeze3A_750 : i32
    %add3A_752 = arith.constant 160 : i32
    %add3A_753 = arith.addi %mul3A_32, %add3A_752 : i32
    %get3A_754 = arith.index_cast %add3A_753 : i32 to index
    %get3A_755 = tpu.vector_load %arg5[%get3A_754] {strides = array<i32>} : memref<2048xi32, #tpu.memory_space<vmem>>, vector<16xi32>,
    %get3A_756 = vector.shape_cast %get3A_755 : vector<16xi32> to vector<16xi32>
    %sub3A_757 = arith.constant 1 : i32
    %sub3A_758 = vector.broadcast %sub3A_757 : i32 to vector<16xi32>
    %sub3A_759 = arith.subi %get3A_756, %sub3A_758 : vector<16xi32>
    %abs3A_760 = math.absi %sub3A_759 : vector<16xi32>
    %min3A_761 = arith.constant 1 : i32
    %min3A_762 = vector.broadcast %min3A_761 : i32 to vector<16xi32>
    %min3A_763 = arith.minsi %abs3A_760, %min3A_762 : vector<16xi32>
    %swap3A_764 = arith.constant 16 : index
    %swap3A_765 = tpu.vector_load %arg7[%swap3A_764] {strides = array<i32>} : memref<32xi32, #tpu.memory_space<vmem>>, vector<16xi32>,
    %swap3A_766 = vector.shape_cast %swap3A_765 : vector<16xi32> to vector<16xi32>
    %swap3A_767 = vector.shape_cast %min3A_763 : vector<16xi32> to vector<16xi32>
    tpu.vector_store %arg7[%swap3A_764], %swap3A_767 {strides = array<i32>} : memref<32xi32, #tpu.memory_space<vmem>>, vector<16xi32>,
    %get3A_768 = arith.constant 15 : index
    %get3A_769 = tpu.vector_load %arg7[%get3A_768] {strides = array<i32>} : memref<32xi32, #tpu.memory_space<vmem>>, vector<16xi32>,
    %get3A_770 = vector.shape_cast %get3A_769 : vector<16xi32> to vector<16xi32>
    %add3A_771 = arith.addi %min3A_763, %get3A_770 : vector<16xi32>
    %swap3A_772 = arith.constant 16 : index
    %swap3A_773 = tpu.vector_load %arg7[%swap3A_772] {strides = array<i32>} : memref<32xi32, #tpu.memory_space<vmem>>, vector<16xi32>,
    %swap3A_774 = vector.shape_cast %swap3A_773 : vector<16xi32> to vector<16xi32>
    %swap3A_775 = vector.shape_cast %add3A_771 : vector<16xi32> to vector<16xi32>
    tpu.vector_store %arg7[%swap3A_772], %swap3A_775 {strides = array<i32>} : memref<32xi32, #tpu.memory_space<vmem>>, vector<16xi32>,
    %get3A_776 = arith.constant 14 : index
    %get3A_777 = tpu.vector_load %arg7[%get3A_776] {strides = array<i32>} : memref<32xi32, #tpu.memory_space<vmem>>, vector<16xi32>,
    %get3A_778 = vector.shape_cast %get3A_777 : vector<16xi32> to vector<16xi32>
    %add3A_779 = arith.addi %add3A_771, %get3A_778 : vector<16xi32>
    %swap3A_780 = arith.constant 16 : index
    %swap3A_781 = tpu.vector_load %arg7[%swap3A_780] {strides = array<i32>} : memref<32xi32, #tpu.memory_space<vmem>>, vector<16xi32>,
    %swap3A_782 = vector.shape_cast %swap3A_781 : vector<16xi32> to vector<16xi32>
    %swap3A_783 = vector.shape_cast %add3A_779 : vector<16xi32> to vector<16xi32>
    tpu.vector_store %arg7[%swap3A_780], %swap3A_783 {strides = array<i32>} : memref<32xi32, #tpu.memory_space<vmem>>, vector<16xi32>,
    %get3A_784 = arith.constant 12 : index
    %get3A_785 = tpu.vector_load %arg7[%get3A_784] {strides = array<i32>} : memref<32xi32, #tpu.memory_space<vmem>>, vector<16xi32>,
    %get3A_786 = vector.shape_cast %get3A_785 : vector<16xi32> to vector<16xi32>
    %add3A_787 = arith.addi %add3A_779, %get3A_786 : vector<16xi32>
    %swap3A_788 = arith.constant 16 : index
    %swap3A_789 = tpu.vector_load %arg7[%swap3A_788] {strides = array<i32>} : memref<32xi32, #tpu.memory_space<vmem>>, vector<16xi32>,
    %swap3A_790 = vector.shape_cast %swap3A_789 : vector<16xi32> to vector<16xi32>
    %swap3A_791 = vector.shape_cast %add3A_787 : vector<16xi32> to vector<16xi32>
    tpu.vector_store %arg7[%swap3A_788], %swap3A_791 {strides = array<i32>} : memref<32xi32, #tpu.memory_space<vmem>>, vector<16xi32>,
    %get3A_792 = arith.constant 8 : index
    %get3A_793 = tpu.vector_load %arg7[%get3A_792] {strides = array<i32>} : memref<32xi32, #tpu.memory_space<vmem>>, vector<16xi32>,
    %get3A_794 = vector.shape_cast %get3A_793 : vector<16xi32> to vector<16xi32>
    %add3A_795 = arith.addi %add3A_787, %get3A_794 : vector<16xi32>
    %add3A_796 = vector.broadcast %add3A_751 : i32 to vector<16xi32>
    %add3A_797 = arith.addi %add3A_796, %add3A_795 : vector<16xi32>
    %mul3A_798 = arith.muli %add3A_797, %min3A_763 : vector<16xi32>
    %add3A_799 = arith.constant 1 : i32
    %add3A_800 = vector.broadcast %add3A_799 : i32 to vector<16xi32>
    %add3A_801 = arith.addi %mul3A_798, %add3A_800 : vector<16xi32>
    %swap3A_802 = arith.constant 160 : index
    %swap3A_803 = tpu.vector_load %arg6[%swap3A_802] {strides = array<i32>} : memref<256xi32, #tpu.memory_space<vmem>>, vector<16xi32>,
    %swap3A_804 = vector.shape_cast %swap3A_803 : vector<16xi32> to vector<16xi32>
    %swap3A_805 = vector.shape_cast %add3A_801 : vector<16xi32> to vector<16xi32>
    tpu.vector_store %arg6[%swap3A_802], %swap3A_805 {strides = array<i32>} : memref<256xi32, #tpu.memory_space<vmem>>, vector<16xi32>,
    %slice3A_806 = vector.extract_strided_slice %add3A_795 {offsets = [15], sizes = [1], strides = [1]} : vector<16xi32> to vector<1xi32>
    %squeeze3A_807 = vector.extract %slice3A_806[0] : i32 from vector<1xi32>
    %add3A_808 = arith.addi %add3A_751, %squeeze3A_807 : i32
    %add3A_809 = arith.constant 176 : i32
    %add3A_810 = arith.addi %mul3A_32, %add3A_809 : i32
    %get3A_811 = arith.index_cast %add3A_810 : i32 to index
    %get3A_812 = tpu.vector_load %arg5[%get3A_811] {strides = array<i32>} : memref<2048xi32, #tpu.memory_space<vmem>>, vector<16xi32>,
    %get3A_813 = vector.shape_cast %get3A_812 : vector<16xi32> to vector<16xi32>
    %sub3A_814 = arith.constant 1 : i32
    %sub3A_815 = vector.broadcast %sub3A_814 : i32 to vector<16xi32>
    %sub3A_816 = arith.subi %get3A_813, %sub3A_815 : vector<16xi32>
    %abs3A_817 = math.absi %sub3A_816 : vector<16xi32>
    %min3A_818 = arith.constant 1 : i32
    %min3A_819 = vector.broadcast %min3A_818 : i32 to vector<16xi32>
    %min3A_820 = arith.minsi %abs3A_817, %min3A_819 : vector<16xi32>
    %swap3A_821 = arith.constant 16 : index
    %swap3A_822 = tpu.vector_load %arg7[%swap3A_821] {strides = array<i32>} : memref<32xi32, #tpu.memory_space<vmem>>, vector<16xi32>,
    %swap3A_823 = vector.shape_cast %swap3A_822 : vector<16xi32> to vector<16xi32>
    %swap3A_824 = vector.shape_cast %min3A_820 : vector<16xi32> to vector<16xi32>
    tpu.vector_store %arg7[%swap3A_821], %swap3A_824 {strides = array<i32>} : memref<32xi32, #tpu.memory_space<vmem>>, vector<16xi32>,
    %get3A_825 = arith.constant 15 : index
    %get3A_826 = tpu.vector_load %arg7[%get3A_825] {strides = array<i32>} : memref<32xi32, #tpu.memory_space<vmem>>, vector<16xi32>,
    %get3A_827 = vector.shape_cast %get3A_826 : vector<16xi32> to vector<16xi32>
    %add3A_828 = arith.addi %min3A_820, %get3A_827 : vector<16xi32>
    %swap3A_829 = arith.constant 16 : index
    %swap3A_830 = tpu.vector_load %arg7[%swap3A_829] {strides = array<i32>} : memref<32xi32, #tpu.memory_space<vmem>>, vector<16xi32>,
    %swap3A_831 = vector.shape_cast %swap3A_830 : vector<16xi32> to vector<16xi32>
    %swap3A_832 = vector.shape_cast %add3A_828 : vector<16xi32> to vector<16xi32>
    tpu.vector_store %arg7[%swap3A_829], %swap3A_832 {strides = array<i32>} : memref<32xi32, #tpu.memory_space<vmem>>, vector<16xi32>,
    %get3A_833 = arith.constant 14 : index
    %get3A_834 = tpu.vector_load %arg7[%get3A_833] {strides = array<i32>} : memref<32xi32, #tpu.memory_space<vmem>>, vector<16xi32>,
    %get3A_835 = vector.shape_cast %get3A_834 : vector<16xi32> to vector<16xi32>
    %add3A_836 = arith.addi %add3A_828, %get3A_835 : vector<16xi32>
    %swap3A_837 = arith.constant 16 : index
    %swap3A_838 = tpu.vector_load %arg7[%swap3A_837] {strides = array<i32>} : memref<32xi32, #tpu.memory_space<vmem>>, vector<16xi32>,
    %swap3A_839 = vector.shape_cast %swap3A_838 : vector<16xi32> to vector<16xi32>
    %swap3A_840 = vector.shape_cast %add3A_836 : vector<16xi32> to vector<16xi32>
    tpu.vector_store %arg7[%swap3A_837], %swap3A_840 {strides = array<i32>} : memref<32xi32, #tpu.memory_space<vmem>>, vector<16xi32>,
    %get3A_841 = arith.constant 12 : index
    %get3A_842 = tpu.vector_load %arg7[%get3A_841] {strides = array<i32>} : memref<32xi32, #tpu.memory_space<vmem>>, vector<16xi32>,
    %get3A_843 = vector.shape_cast %get3A_842 : vector<16xi32> to vector<16xi32>
    %add3A_844 = arith.addi %add3A_836, %get3A_843 : vector<16xi32>
    %swap3A_845 = arith.constant 16 : index
    %swap3A_846 = tpu.vector_load %arg7[%swap3A_845] {strides = array<i32>} : memref<32xi32, #tpu.memory_space<vmem>>, vector<16xi32>,
    %swap3A_847 = vector.shape_cast %swap3A_846 : vector<16xi32> to vector<16xi32>
    %swap3A_848 = vector.shape_cast %add3A_844 : vector<16xi32> to vector<16xi32>
    tpu.vector_store %arg7[%swap3A_845], %swap3A_848 {strides = array<i32>} : memref<32xi32, #tpu.memory_space<vmem>>, vector<16xi32>,
    %get3A_849 = arith.constant 8 : index
    %get3A_850 = tpu.vector_load %arg7[%get3A_849] {strides = array<i32>} : memref<32xi32, #tpu.memory_space<vmem>>, vector<16xi32>,
    %get3A_851 = vector.shape_cast %get3A_850 : vector<16xi32> to vector<16xi32>
    %add3A_852 = arith.addi %add3A_844, %get3A_851 : vector<16xi32>
    %add3A_853 = vector.broadcast %add3A_808 : i32 to vector<16xi32>
    %add3A_854 = arith.addi %add3A_853, %add3A_852 : vector<16xi32>
    %mul3A_855 = arith.muli %add3A_854, %min3A_820 : vector<16xi32>
    %add3A_856 = arith.constant 1 : i32
    %add3A_857 = vector.broadcast %add3A_856 : i32 to vector<16xi32>
    %add3A_858 = arith.addi %mul3A_855, %add3A_857 : vector<16xi32>
    %swap3A_859 = arith.constant 176 : index
    %swap3A_860 = tpu.vector_load %arg6[%swap3A_859] {strides = array<i32>} : memref<256xi32, #tpu.memory_space<vmem>>, vector<16xi32>,
    %swap3A_861 = vector.shape_cast %swap3A_860 : vector<16xi32> to vector<16xi32>
    %swap3A_862 = vector.shape_cast %add3A_858 : vector<16xi32> to vector<16xi32>
    tpu.vector_store %arg6[%swap3A_859], %swap3A_862 {strides = array<i32>} : memref<256xi32, #tpu.memory_space<vmem>>, vector<16xi32>,
    %slice3A_863 = vector.extract_strided_slice %add3A_852 {offsets = [15], sizes = [1], strides = [1]} : vector<16xi32> to vector<1xi32>
    %squeeze3A_864 = vector.extract %slice3A_863[0] : i32 from vector<1xi32>
    %add3A_865 = arith.addi %add3A_808, %squeeze3A_864 : i32
    %dma_wait3A_866 = arith.constant 0 : i32
    %dma_wait3A_867 = arith.constant 0 : i32
    %dma_wait3A_868 = tpu.memref_slice %arg9[%dma_wait3A_866, %dma_wait3A_867] : memref<48x1024xf32, #tpu.memory_space<vmem>> -> memref<48x1024xf32, #tpu.memory_space<vmem>>
    %dma_wait3A_869 = arith.constant 0 : i32
    %dma_wait3A_870 = tpu.memref_slice %arg4[%add3A_684, %dma_wait3A_869] : memref<8192x1024xf32, #tpu.memory_space<hbm>> -> memref<48x1024xf32, #tpu.memory_space<hbm>>
    %dma_wait3A_871 = arith.constant 0 : i32
    %dma_wait3A_872 = tpu.memref_slice %arg4[%add3A_684, %dma_wait3A_871] : memref<8192x1024xf32, #tpu.memory_space<hbm>> -> memref<48x1024xf32, #tpu.memory_space<hbm>>
    %dma_wait3A_873 = arith.constant 0 : i32
    %dma_wait3A_874 = arith.constant 0 : i32
    %dma_wait3A_875 = tpu.memref_slice %arg9[%dma_wait3A_873, %dma_wait3A_874] : memref<48x1024xf32, #tpu.memory_space<vmem>> -> memref<48x1024xf32, #tpu.memory_space<vmem>>
    tpu.wait_dma2 semaphore(%arg13 : memref<!tpu.dma_semaphore, #tpu.memory_space<semaphore_mem>>) src(%dma_wait3A_875 : memref<48x1024xf32, #tpu.memory_space<vmem>>) dst(%dma_wait3A_872 : memref<48x1024xf32, #tpu.memory_space<hbm>>)
    %dma_start3A_876 = arith.constant 0 : i32
    %dma_start3A_877 = arith.constant 0 : i32
    %dma_start3A_878 = tpu.memref_slice %arg9[%dma_start3A_876, %dma_start3A_877] : memref<48x1024xf32, #tpu.memory_space<vmem>> -> memref<48x1024xf32, #tpu.memory_space<vmem>>
    %dma_start3A_879 = arith.constant 144 : i32
    %dma_start3A_880 = tpu.memref_slice %arg6[%dma_start3A_879] : memref<256xi32, #tpu.memory_space<vmem>> -> memref<48xi32, #tpu.memory_space<vmem>>
    %dma_start3A_881 = arith.constant 0 : i32
    %dma_start3A_882 = arith.constant 0 : i32
    %dma_start3A_883 = tpu.memref_slice %arg3[%dma_start3A_881, %dma_start3A_882] : memref<2050x1024xf32, #tpu.memory_space<hbm>> -> memref<2050x1024xf32, #tpu.memory_space<hbm>>
    tpu.enqueue_indirect_dma source(%dma_start3A_883 : memref<2050x1024xf32, #tpu.memory_space<hbm>>) target(%dma_start3A_878 : memref<48x1024xf32, #tpu.memory_space<vmem>>) offsets(%dma_start3A_880 : memref<48xi32, #tpu.memory_space<vmem>>) semaphore(%arg11 : memref<!tpu.dma_semaphore, #tpu.memory_space<semaphore_mem>>)
    %dma_wait3A_884 = arith.constant 0 : i32
    %dma_wait3A_885 = arith.constant 0 : i32
    %dma_wait3A_886 = tpu.memref_slice %arg8[%dma_wait3A_884, %dma_wait3A_885] : memref<48x1024xf32, #tpu.memory_space<vmem>> -> memref<48x1024xf32, #tpu.memory_space<vmem>>
    %dma_wait3A_887 = arith.constant 96 : i32
    %dma_wait3A_888 = tpu.memref_slice %arg6[%dma_wait3A_887] : memref<256xi32, #tpu.memory_space<vmem>> -> memref<48xi32, #tpu.memory_space<vmem>>
    %dma_wait3A_889 = arith.constant 0 : i32
    %dma_wait3A_890 = arith.constant 0 : i32
    %dma_wait3A_891 = tpu.memref_slice %arg3[%dma_wait3A_889, %dma_wait3A_890] : memref<2050x1024xf32, #tpu.memory_space<hbm>> -> memref<2050x1024xf32, #tpu.memory_space<hbm>>
    tpu.wait_indirect_dma semaphore(%arg10 : memref<!tpu.dma_semaphore, #tpu.memory_space<semaphore_mem>>) src(%dma_wait3A_891 : memref<2050x1024xf32, #tpu.memory_space<hbm>>) dst(%dma_wait3A_886 : memref<48x1024xf32, #tpu.memory_space<vmem>>)
    %add3A_892 = arith.constant 96 : i32
    %add3A_893 = arith.addi %add3A_35, %add3A_892 : i32
    %dma_start3A_894 = arith.constant 0 : i32
    %dma_start3A_895 = arith.constant 0 : i32
    %dma_start3A_896 = tpu.memref_slice %arg8[%dma_start3A_894, %dma_start3A_895] : memref<48x1024xf32, #tpu.memory_space<vmem>> -> memref<48x1024xf32, #tpu.memory_space<vmem>>
    %dma_start3A_897 = arith.constant 0 : i32
    %dma_start3A_898 = tpu.memref_slice %arg4[%add3A_893, %dma_start3A_897] : memref<8192x1024xf32, #tpu.memory_space<hbm>> -> memref<48x1024xf32, #tpu.memory_space<hbm>>
    %dma_start3A_899 = arith.constant 0 : i32
    %dma_start3A_900 = tpu.memref_slice %arg4[%add3A_893, %dma_start3A_899] : memref<8192x1024xf32, #tpu.memory_space<hbm>> -> memref<48x1024xf32, #tpu.memory_space<hbm>>
    %dma_start3A_901 = arith.constant 0 : i32
    %dma_start3A_902 = arith.constant 0 : i32
    %dma_start3A_903 = tpu.memref_slice %arg8[%dma_start3A_901, %dma_start3A_902] : memref<48x1024xf32, #tpu.memory_space<vmem>> -> memref<48x1024xf32, #tpu.memory_space<vmem>>
    tpu.enqueue_dma source(%dma_start3A_903 : memref<48x1024xf32, #tpu.memory_space<vmem>>) target(%dma_start3A_900 : memref<48x1024xf32, #tpu.memory_space<hbm>>) target_semaphore(%arg12 : memref<!tpu.dma_semaphore, #tpu.memory_space<semaphore_mem>>)
    %add3A_904 = arith.constant 192 : i32
    %add3A_905 = arith.addi %mul3A_32, %add3A_904 : i32
    %get3A_906 = arith.index_cast %add3A_905 : i32 to index
    %get3A_907 = tpu.vector_load %arg5[%get3A_906] {strides = array<i32>} : memref<2048xi32, #tpu.memory_space<vmem>>, vector<16xi32>,
    %get3A_908 = vector.shape_cast %get3A_907 : vector<16xi32> to vector<16xi32>
    %sub3A_909 = arith.constant 1 : i32
    %sub3A_910 = vector.broadcast %sub3A_909 : i32 to vector<16xi32>
    %sub3A_911 = arith.subi %get3A_908, %sub3A_910 : vector<16xi32>
    %abs3A_912 = math.absi %sub3A_911 : vector<16xi32>
    %min3A_913 = arith.constant 1 : i32
    %min3A_914 = vector.broadcast %min3A_913 : i32 to vector<16xi32>
    %min3A_915 = arith.minsi %abs3A_912, %min3A_914 : vector<16xi32>
    %swap3A_916 = arith.constant 16 : index
    %swap3A_917 = tpu.vector_load %arg7[%swap3A_916] {strides = array<i32>} : memref<32xi32, #tpu.memory_space<vmem>>, vector<16xi32>,
    %swap3A_918 = vector.shape_cast %swap3A_917 : vector<16xi32> to vector<16xi32>
    %swap3A_919 = vector.shape_cast %min3A_915 : vector<16xi32> to vector<16xi32>
    tpu.vector_store %arg7[%swap3A_916], %swap3A_919 {strides = array<i32>} : memref<32xi32, #tpu.memory_space<vmem>>, vector<16xi32>,
    %get3A_920 = arith.constant 15 : index
    %get3A_921 = tpu.vector_load %arg7[%get3A_920] {strides = array<i32>} : memref<32xi32, #tpu.memory_space<vmem>>, vector<16xi32>,
    %get3A_922 = vector.shape_cast %get3A_921 : vector<16xi32> to vector<16xi32>
    %add3A_923 = arith.addi %min3A_915, %get3A_922 : vector<16xi32>
    %swap3A_924 = arith.constant 16 : index
    %swap3A_925 = tpu.vector_load %arg7[%swap3A_924] {strides = array<i32>} : memref<32xi32, #tpu.memory_space<vmem>>, vector<16xi32>,
    %swap3A_926 = vector.shape_cast %swap3A_925 : vector<16xi32> to vector<16xi32>
    %swap3A_927 = vector.shape_cast %add3A_923 : vector<16xi32> to vector<16xi32>
    tpu.vector_store %arg7[%swap3A_924], %swap3A_927 {strides = array<i32>} : memref<32xi32, #tpu.memory_space<vmem>>, vector<16xi32>,
    %get3A_928 = arith.constant 14 : index
    %get3A_929 = tpu.vector_load %arg7[%get3A_928] {strides = array<i32>} : memref<32xi32, #tpu.memory_space<vmem>>, vector<16xi32>,
    %get3A_930 = vector.shape_cast %get3A_929 : vector<16xi32> to vector<16xi32>
    %add3A_931 = arith.addi %add3A_923, %get3A_930 : vector<16xi32>
    %swap3A_932 = arith.constant 16 : index
    %swap3A_933 = tpu.vector_load %arg7[%swap3A_932] {strides = array<i32>} : memref<32xi32, #tpu.memory_space<vmem>>, vector<16xi32>,
    %swap3A_934 = vector.shape_cast %swap3A_933 : vector<16xi32> to vector<16xi32>
    %swap3A_935 = vector.shape_cast %add3A_931 : vector<16xi32> to vector<16xi32>
    tpu.vector_store %arg7[%swap3A_932], %swap3A_935 {strides = array<i32>} : memref<32xi32, #tpu.memory_space<vmem>>, vector<16xi32>,
    %get3A_936 = arith.constant 12 : index
    %get3A_937 = tpu.vector_load %arg7[%get3A_936] {strides = array<i32>} : memref<32xi32, #tpu.memory_space<vmem>>, vector<16xi32>,
    %get3A_938 = vector.shape_cast %get3A_937 : vector<16xi32> to vector<16xi32>
    %add3A_939 = arith.addi %add3A_931, %get3A_938 : vector<16xi32>
    %swap3A_940 = arith.constant 16 : index
    %swap3A_941 = tpu.vector_load %arg7[%swap3A_940] {strides = array<i32>} : memref<32xi32, #tpu.memory_space<vmem>>, vector<16xi32>,
    %swap3A_942 = vector.shape_cast %swap3A_941 : vector<16xi32> to vector<16xi32>
    %swap3A_943 = vector.shape_cast %add3A_939 : vector<16xi32> to vector<16xi32>
    tpu.vector_store %arg7[%swap3A_940], %swap3A_943 {strides = array<i32>} : memref<32xi32, #tpu.memory_space<vmem>>, vector<16xi32>,
    %get3A_944 = arith.constant 8 : index
    %get3A_945 = tpu.vector_load %arg7[%get3A_944] {strides = array<i32>} : memref<32xi32, #tpu.memory_space<vmem>>, vector<16xi32>,
    %get3A_946 = vector.shape_cast %get3A_945 : vector<16xi32> to vector<16xi32>
    %add3A_947 = arith.addi %add3A_939, %get3A_946 : vector<16xi32>
    %add3A_948 = vector.broadcast %add3A_865 : i32 to vector<16xi32>
    %add3A_949 = arith.addi %add3A_948, %add3A_947 : vector<16xi32>
    %mul3A_950 = arith.muli %add3A_949, %min3A_915 : vector<16xi32>
    %add3A_951 = arith.constant 1 : i32
    %add3A_952 = vector.broadcast %add3A_951 : i32 to vector<16xi32>
    %add3A_953 = arith.addi %mul3A_950, %add3A_952 : vector<16xi32>
    %swap3A_954 = arith.constant 192 : index
    %swap3A_955 = tpu.vector_load %arg6[%swap3A_954] {strides = array<i32>} : memref<256xi32, #tpu.memory_space<vmem>>, vector<16xi32>,
    %swap3A_956 = vector.shape_cast %swap3A_955 : vector<16xi32> to vector<16xi32>
    %swap3A_957 = vector.shape_cast %add3A_953 : vector<16xi32> to vector<16xi32>
    tpu.vector_store %arg6[%swap3A_954], %swap3A_957 {strides = array<i32>} : memref<256xi32, #tpu.memory_space<vmem>>, vector<16xi32>,
    %slice3A_958 = vector.extract_strided_slice %add3A_947 {offsets = [15], sizes = [1], strides = [1]} : vector<16xi32> to vector<1xi32>
    %squeeze3A_959 = vector.extract %slice3A_958[0] : i32 from vector<1xi32>
    %add3A_960 = arith.addi %add3A_865, %squeeze3A_959 : i32
    %add3A_961 = arith.constant 208 : i32
    %add3A_962 = arith.addi %mul3A_32, %add3A_961 : i32
    %get3A_963 = arith.index_cast %add3A_962 : i32 to index
    %get3A_964 = tpu.vector_load %arg5[%get3A_963] {strides = array<i32>} : memref<2048xi32, #tpu.memory_space<vmem>>, vector<16xi32>,
    %get3A_965 = vector.shape_cast %get3A_964 : vector<16xi32> to vector<16xi32>
    %sub3A_966 = arith.constant 1 : i32
    %sub3A_967 = vector.broadcast %sub3A_966 : i32 to vector<16xi32>
    %sub3A_968 = arith.subi %get3A_965, %sub3A_967 : vector<16xi32>
    %abs3A_969 = math.absi %sub3A_968 : vector<16xi32>
    %min3A_970 = arith.constant 1 : i32
    %min3A_971 = vector.broadcast %min3A_970 : i32 to vector<16xi32>
    %min3A_972 = arith.minsi %abs3A_969, %min3A_971 : vector<16xi32>
    %swap3A_973 = arith.constant 16 : index
    %swap3A_974 = tpu.vector_load %arg7[%swap3A_973] {strides = array<i32>} : memref<32xi32, #tpu.memory_space<vmem>>, vector<16xi32>,
    %swap3A_975 = vector.shape_cast %swap3A_974 : vector<16xi32> to vector<16xi32>
    %swap3A_976 = vector.shape_cast %min3A_972 : vector<16xi32> to vector<16xi32>
    tpu.vector_store %arg7[%swap3A_973], %swap3A_976 {strides = array<i32>} : memref<32xi32, #tpu.memory_space<vmem>>, vector<16xi32>,
    %get3A_977 = arith.constant 15 : index
    %get3A_978 = tpu.vector_load %arg7[%get3A_977] {strides = array<i32>} : memref<32xi32, #tpu.memory_space<vmem>>, vector<16xi32>,
    %get3A_979 = vector.shape_cast %get3A_978 : vector<16xi32> to vector<16xi32>
    %add3A_980 = arith.addi %min3A_972, %get3A_979 : vector<16xi32>
    %swap3A_981 = arith.constant 16 : index
    %swap3A_982 = tpu.vector_load %arg7[%swap3A_981] {strides = array<i32>} : memref<32xi32, #tpu.memory_space<vmem>>, vector<16xi32>,
    %swap3A_983 = vector.shape_cast %swap3A_982 : vector<16xi32> to vector<16xi32>
    %swap3A_984 = vector.shape_cast %add3A_980 : vector<16xi32> to vector<16xi32>
    tpu.vector_store %arg7[%swap3A_981], %swap3A_984 {strides = array<i32>} : memref<32xi32, #tpu.memory_space<vmem>>, vector<16xi32>,
    %get3A_985 = arith.constant 14 : index
    %get3A_986 = tpu.vector_load %arg7[%get3A_985] {strides = array<i32>} : memref<32xi32, #tpu.memory_space<vmem>>, vector<16xi32>,
    %get3A_987 = vector.shape_cast %get3A_986 : vector<16xi32> to vector<16xi32>
    %add3A_988 = arith.addi %add3A_980, %get3A_987 : vector<16xi32>
    %swap3A_989 = arith.constant 16 : index
    %swap3A_990 = tpu.vector_load %arg7[%swap3A_989] {strides = array<i32>} : memref<32xi32, #tpu.memory_space<vmem>>, vector<16xi32>,
    %swap3A_991 = vector.shape_cast %swap3A_990 : vector<16xi32> to vector<16xi32>
    %swap3A_992 = vector.shape_cast %add3A_988 : vector<16xi32> to vector<16xi32>
    tpu.vector_store %arg7[%swap3A_989], %swap3A_992 {strides = array<i32>} : memref<32xi32, #tpu.memory_space<vmem>>, vector<16xi32>,
    %get3A_993 = arith.constant 12 : index
    %get3A_994 = tpu.vector_load %arg7[%get3A_993] {strides = array<i32>} : memref<32xi32, #tpu.memory_space<vmem>>, vector<16xi32>,
    %get3A_995 = vector.shape_cast %get3A_994 : vector<16xi32> to vector<16xi32>
    %add3A_996 = arith.addi %add3A_988, %get3A_995 : vector<16xi32>
    %swap3A_997 = arith.constant 16 : index
    %swap3A_998 = tpu.vector_load %arg7[%swap3A_997] {strides = array<i32>} : memref<32xi32, #tpu.memory_space<vmem>>, vector<16xi32>,
    %swap3A_999 = vector.shape_cast %swap3A_998 : vector<16xi32> to vector<16xi32>
    %swap3A_1000 = vector.shape_cast %add3A_996 : vector<16xi32> to vector<16xi32>
    tpu.vector_store %arg7[%swap3A_997], %swap3A_1000 {strides = array<i32>} : memref<32xi32, #tpu.memory_space<vmem>>, vector<16xi32>,
    %get3A_1001 = arith.constant 8 : index
    %get3A_1002 = tpu.vector_load %arg7[%get3A_1001] {strides = array<i32>} : memref<32xi32, #tpu.memory_space<vmem>>, vector<16xi32>,
    %get3A_1003 = vector.shape_cast %get3A_1002 : vector<16xi32> to vector<16xi32>
    %add3A_1004 = arith.addi %add3A_996, %get3A_1003 : vector<16xi32>
    %add3A_1005 = vector.broadcast %add3A_960 : i32 to vector<16xi32>
    %add3A_1006 = arith.addi %add3A_1005, %add3A_1004 : vector<16xi32>
    %mul3A_1007 = arith.muli %add3A_1006, %min3A_972 : vector<16xi32>
    %add3A_1008 = arith.constant 1 : i32
    %add3A_1009 = vector.broadcast %add3A_1008 : i32 to vector<16xi32>
    %add3A_1010 = arith.addi %mul3A_1007, %add3A_1009 : vector<16xi32>
    %swap3A_1011 = arith.constant 208 : index
    %swap3A_1012 = tpu.vector_load %arg6[%swap3A_1011] {strides = array<i32>} : memref<256xi32, #tpu.memory_space<vmem>>, vector<16xi32>,
    %swap3A_1013 = vector.shape_cast %swap3A_1012 : vector<16xi32> to vector<16xi32>
    %swap3A_1014 = vector.shape_cast %add3A_1010 : vector<16xi32> to vector<16xi32>
    tpu.vector_store %arg6[%swap3A_1011], %swap3A_1014 {strides = array<i32>} : memref<256xi32, #tpu.memory_space<vmem>>, vector<16xi32>,
    %slice3A_1015 = vector.extract_strided_slice %add3A_1004 {offsets = [15], sizes = [1], strides = [1]} : vector<16xi32> to vector<1xi32>
    %squeeze3A_1016 = vector.extract %slice3A_1015[0] : i32 from vector<1xi32>
    %add3A_1017 = arith.addi %add3A_960, %squeeze3A_1016 : i32
    %add3A_1018 = arith.constant 224 : i32
    %add3A_1019 = arith.addi %mul3A_32, %add3A_1018 : i32
    %get3A_1020 = arith.index_cast %add3A_1019 : i32 to index
    %get3A_1021 = tpu.vector_load %arg5[%get3A_1020] {strides = array<i32>} : memref<2048xi32, #tpu.memory_space<vmem>>, vector<16xi32>,
    %get3A_1022 = vector.shape_cast %get3A_1021 : vector<16xi32> to vector<16xi32>
    %sub3A_1023 = arith.constant 1 : i32
    %sub3A_1024 = vector.broadcast %sub3A_1023 : i32 to vector<16xi32>
    %sub3A_1025 = arith.subi %get3A_1022, %sub3A_1024 : vector<16xi32>
    %abs3A_1026 = math.absi %sub3A_1025 : vector<16xi32>
    %min3A_1027 = arith.constant 1 : i32
    %min3A_1028 = vector.broadcast %min3A_1027 : i32 to vector<16xi32>
    %min3A_1029 = arith.minsi %abs3A_1026, %min3A_1028 : vector<16xi32>
    %swap3A_1030 = arith.constant 16 : index
    %swap3A_1031 = tpu.vector_load %arg7[%swap3A_1030] {strides = array<i32>} : memref<32xi32, #tpu.memory_space<vmem>>, vector<16xi32>,
    %swap3A_1032 = vector.shape_cast %swap3A_1031 : vector<16xi32> to vector<16xi32>
    %swap3A_1033 = vector.shape_cast %min3A_1029 : vector<16xi32> to vector<16xi32>
    tpu.vector_store %arg7[%swap3A_1030], %swap3A_1033 {strides = array<i32>} : memref<32xi32, #tpu.memory_space<vmem>>, vector<16xi32>,
    %get3A_1034 = arith.constant 15 : index
    %get3A_1035 = tpu.vector_load %arg7[%get3A_1034] {strides = array<i32>} : memref<32xi32, #tpu.memory_space<vmem>>, vector<16xi32>,
    %get3A_1036 = vector.shape_cast %get3A_1035 : vector<16xi32> to vector<16xi32>
    %add3A_1037 = arith.addi %min3A_1029, %get3A_1036 : vector<16xi32>
    %swap3A_1038 = arith.constant 16 : index
    %swap3A_1039 = tpu.vector_load %arg7[%swap3A_1038] {strides = array<i32>} : memref<32xi32, #tpu.memory_space<vmem>>, vector<16xi32>,
    %swap3A_1040 = vector.shape_cast %swap3A_1039 : vector<16xi32> to vector<16xi32>
    %swap3A_1041 = vector.shape_cast %add3A_1037 : vector<16xi32> to vector<16xi32>
    tpu.vector_store %arg7[%swap3A_1038], %swap3A_1041 {strides = array<i32>} : memref<32xi32, #tpu.memory_space<vmem>>, vector<16xi32>,
    %get3A_1042 = arith.constant 14 : index
    %get3A_1043 = tpu.vector_load %arg7[%get3A_1042] {strides = array<i32>} : memref<32xi32, #tpu.memory_space<vmem>>, vector<16xi32>,
    %get3A_1044 = vector.shape_cast %get3A_1043 : vector<16xi32> to vector<16xi32>
    %add3A_1045 = arith.addi %add3A_1037, %get3A_1044 : vector<16xi32>
    %swap3A_1046 = arith.constant 16 : index
    %swap3A_1047 = tpu.vector_load %arg7[%swap3A_1046] {strides = array<i32>} : memref<32xi32, #tpu.memory_space<vmem>>, vector<16xi32>,
    %swap3A_1048 = vector.shape_cast %swap3A_1047 : vector<16xi32> to vector<16xi32>
    %swap3A_1049 = vector.shape_cast %add3A_1045 : vector<16xi32> to vector<16xi32>
    tpu.vector_store %arg7[%swap3A_1046], %swap3A_1049 {strides = array<i32>} : memref<32xi32, #tpu.memory_space<vmem>>, vector<16xi32>,
    %get3A_1050 = arith.constant 12 : index
    %get3A_1051 = tpu.vector_load %arg7[%get3A_1050] {strides = array<i32>} : memref<32xi32, #tpu.memory_space<vmem>>, vector<16xi32>,
    %get3A_1052 = vector.shape_cast %get3A_1051 : vector<16xi32> to vector<16xi32>
    %add3A_1053 = arith.addi %add3A_1045, %get3A_1052 : vector<16xi32>
    %swap3A_1054 = arith.constant 16 : index
    %swap3A_1055 = tpu.vector_load %arg7[%swap3A_1054] {strides = array<i32>} : memref<32xi32, #tpu.memory_space<vmem>>, vector<16xi32>,
    %swap3A_1056 = vector.shape_cast %swap3A_1055 : vector<16xi32> to vector<16xi32>
    %swap3A_1057 = vector.shape_cast %add3A_1053 : vector<16xi32> to vector<16xi32>
    tpu.vector_store %arg7[%swap3A_1054], %swap3A_1057 {strides = array<i32>} : memref<32xi32, #tpu.memory_space<vmem>>, vector<16xi32>,
    %get3A_1058 = arith.constant 8 : index
    %get3A_1059 = tpu.vector_load %arg7[%get3A_1058] {strides = array<i32>} : memref<32xi32, #tpu.memory_space<vmem>>, vector<16xi32>,
    %get3A_1060 = vector.shape_cast %get3A_1059 : vector<16xi32> to vector<16xi32>
    %add3A_1061 = arith.addi %add3A_1053, %get3A_1060 : vector<16xi32>
    %add3A_1062 = vector.broadcast %add3A_1017 : i32 to vector<16xi32>
    %add3A_1063 = arith.addi %add3A_1062, %add3A_1061 : vector<16xi32>
    %mul3A_1064 = arith.muli %add3A_1063, %min3A_1029 : vector<16xi32>
    %add3A_1065 = arith.constant 1 : i32
    %add3A_1066 = vector.broadcast %add3A_1065 : i32 to vector<16xi32>
    %add3A_1067 = arith.addi %mul3A_1064, %add3A_1066 : vector<16xi32>
    %swap3A_1068 = arith.constant 224 : index
    %swap3A_1069 = tpu.vector_load %arg6[%swap3A_1068] {strides = array<i32>} : memref<256xi32, #tpu.memory_space<vmem>>, vector<16xi32>,
    %swap3A_1070 = vector.shape_cast %swap3A_1069 : vector<16xi32> to vector<16xi32>
    %swap3A_1071 = vector.shape_cast %add3A_1067 : vector<16xi32> to vector<16xi32>
    tpu.vector_store %arg6[%swap3A_1068], %swap3A_1071 {strides = array<i32>} : memref<256xi32, #tpu.memory_space<vmem>>, vector<16xi32>,
    %slice3A_1072 = vector.extract_strided_slice %add3A_1061 {offsets = [15], sizes = [1], strides = [1]} : vector<16xi32> to vector<1xi32>
    %squeeze3A_1073 = vector.extract %slice3A_1072[0] : i32 from vector<1xi32>
    %add3A_1074 = arith.addi %add3A_1017, %squeeze3A_1073 : i32
    %dma_wait3A_1075 = arith.constant 0 : i32
    %dma_wait3A_1076 = arith.constant 0 : i32
    %dma_wait3A_1077 = tpu.memref_slice %arg8[%dma_wait3A_1075, %dma_wait3A_1076] : memref<48x1024xf32, #tpu.memory_space<vmem>> -> memref<48x1024xf32, #tpu.memory_space<vmem>>
    %dma_wait3A_1078 = arith.constant 0 : i32
    %dma_wait3A_1079 = tpu.memref_slice %arg4[%add3A_893, %dma_wait3A_1078] : memref<8192x1024xf32, #tpu.memory_space<hbm>> -> memref<48x1024xf32, #tpu.memory_space<hbm>>
    %dma_wait3A_1080 = arith.constant 0 : i32
    %dma_wait3A_1081 = tpu.memref_slice %arg4[%add3A_893, %dma_wait3A_1080] : memref<8192x1024xf32, #tpu.memory_space<hbm>> -> memref<48x1024xf32, #tpu.memory_space<hbm>>
    %dma_wait3A_1082 = arith.constant 0 : i32
    %dma_wait3A_1083 = arith.constant 0 : i32
    %dma_wait3A_1084 = tpu.memref_slice %arg8[%dma_wait3A_1082, %dma_wait3A_1083] : memref<48x1024xf32, #tpu.memory_space<vmem>> -> memref<48x1024xf32, #tpu.memory_space<vmem>>
    tpu.wait_dma2 semaphore(%arg12 : memref<!tpu.dma_semaphore, #tpu.memory_space<semaphore_mem>>) src(%dma_wait3A_1084 : memref<48x1024xf32, #tpu.memory_space<vmem>>) dst(%dma_wait3A_1081 : memref<48x1024xf32, #tpu.memory_space<hbm>>)
    %dma_start3A_1085 = arith.constant 0 : i32
    %dma_start3A_1086 = arith.constant 0 : i32
    %dma_start3A_1087 = tpu.memref_slice %arg8[%dma_start3A_1085, %dma_start3A_1086] : memref<48x1024xf32, #tpu.memory_space<vmem>> -> memref<48x1024xf32, #tpu.memory_space<vmem>>
    %dma_start3A_1088 = arith.constant 192 : i32
    %dma_start3A_1089 = tpu.memref_slice %arg6[%dma_start3A_1088] : memref<256xi32, #tpu.memory_space<vmem>> -> memref<48xi32, #tpu.memory_space<vmem>>
    %dma_start3A_1090 = arith.constant 0 : i32
    %dma_start3A_1091 = arith.constant 0 : i32
    %dma_start3A_1092 = tpu.memref_slice %arg3[%dma_start3A_1090, %dma_start3A_1091] : memref<2050x1024xf32, #tpu.memory_space<hbm>> -> memref<2050x1024xf32, #tpu.memory_space<hbm>>
    tpu.enqueue_indirect_dma source(%dma_start3A_1092 : memref<2050x1024xf32, #tpu.memory_space<hbm>>) target(%dma_start3A_1087 : memref<48x1024xf32, #tpu.memory_space<vmem>>) offsets(%dma_start3A_1089 : memref<48xi32, #tpu.memory_space<vmem>>) semaphore(%arg10 : memref<!tpu.dma_semaphore, #tpu.memory_space<semaphore_mem>>)
    %dma_wait3A_1093 = arith.constant 0 : i32
    %dma_wait3A_1094 = arith.constant 0 : i32
    %dma_wait3A_1095 = tpu.memref_slice %arg9[%dma_wait3A_1093, %dma_wait3A_1094] : memref<48x1024xf32, #tpu.memory_space<vmem>> -> memref<48x1024xf32, #tpu.memory_space<vmem>>
    %dma_wait3A_1096 = arith.constant 144 : i32
    %dma_wait3A_1097 = tpu.memref_slice %arg6[%dma_wait3A_1096] : memref<256xi32, #tpu.memory_space<vmem>> -> memref<48xi32, #tpu.memory_space<vmem>>
    %dma_wait3A_1098 = arith.constant 0 : i32
    %dma_wait3A_1099 = arith.constant 0 : i32
    %dma_wait3A_1100 = tpu.memref_slice %arg3[%dma_wait3A_1098, %dma_wait3A_1099] : memref<2050x1024xf32, #tpu.memory_space<hbm>> -> memref<2050x1024xf32, #tpu.memory_space<hbm>>
    tpu.wait_indirect_dma semaphore(%arg11 : memref<!tpu.dma_semaphore, #tpu.memory_space<semaphore_mem>>) src(%dma_wait3A_1100 : memref<2050x1024xf32, #tpu.memory_space<hbm>>) dst(%dma_wait3A_1095 : memref<48x1024xf32, #tpu.memory_space<vmem>>)
    %add3A_1101 = arith.constant 144 : i32
    %add3A_1102 = arith.addi %add3A_35, %add3A_1101 : i32
    %dma_start3A_1103 = arith.constant 0 : i32
    %dma_start3A_1104 = arith.constant 0 : i32
    %dma_start3A_1105 = tpu.memref_slice %arg9[%dma_start3A_1103, %dma_start3A_1104] : memref<48x1024xf32, #tpu.memory_space<vmem>> -> memref<48x1024xf32, #tpu.memory_space<vmem>>
    %dma_start3A_1106 = arith.constant 0 : i32
    %dma_start3A_1107 = tpu.memref_slice %arg4[%add3A_1102, %dma_start3A_1106] : memref<8192x1024xf32, #tpu.memory_space<hbm>> -> memref<48x1024xf32, #tpu.memory_space<hbm>>
    %dma_start3A_1108 = arith.constant 0 : i32
    %dma_start3A_1109 = tpu.memref_slice %arg4[%add3A_1102, %dma_start3A_1108] : memref<8192x1024xf32, #tpu.memory_space<hbm>> -> memref<48x1024xf32, #tpu.memory_space<hbm>>
    %dma_start3A_1110 = arith.constant 0 : i32
    %dma_start3A_1111 = arith.constant 0 : i32
    %dma_start3A_1112 = tpu.memref_slice %arg9[%dma_start3A_1110, %dma_start3A_1111] : memref<48x1024xf32, #tpu.memory_space<vmem>> -> memref<48x1024xf32, #tpu.memory_space<vmem>>
    tpu.enqueue_dma source(%dma_start3A_1112 : memref<48x1024xf32, #tpu.memory_space<vmem>>) target(%dma_start3A_1109 : memref<48x1024xf32, #tpu.memory_space<hbm>>) target_semaphore(%arg13 : memref<!tpu.dma_semaphore, #tpu.memory_space<semaphore_mem>>)
    %add3A_1113 = arith.constant 240 : i32
    %add3A_1114 = arith.addi %mul3A_32, %add3A_1113 : i32
    %get3A_1115 = arith.index_cast %add3A_1114 : i32 to index
    %get3A_1116 = tpu.vector_load %arg5[%get3A_1115] {strides = array<i32>} : memref<2048xi32, #tpu.memory_space<vmem>>, vector<16xi32>,
    %get3A_1117 = vector.shape_cast %get3A_1116 : vector<16xi32> to vector<16xi32>
    %sub3A_1118 = arith.constant 1 : i32
    %sub3A_1119 = vector.broadcast %sub3A_1118 : i32 to vector<16xi32>
    %sub3A_1120 = arith.subi %get3A_1117, %sub3A_1119 : vector<16xi32>
    %abs3A_1121 = math.absi %sub3A_1120 : vector<16xi32>
    %min3A_1122 = arith.constant 1 : i32
    %min3A_1123 = vector.broadcast %min3A_1122 : i32 to vector<16xi32>
    %min3A_1124 = arith.minsi %abs3A_1121, %min3A_1123 : vector<16xi32>
    %swap3A_1125 = arith.constant 16 : index
    %swap3A_1126 = tpu.vector_load %arg7[%swap3A_1125] {strides = array<i32>} : memref<32xi32, #tpu.memory_space<vmem>>, vector<16xi32>,
    %swap3A_1127 = vector.shape_cast %swap3A_1126 : vector<16xi32> to vector<16xi32>
    %swap3A_1128 = vector.shape_cast %min3A_1124 : vector<16xi32> to vector<16xi32>
    tpu.vector_store %arg7[%swap3A_1125], %swap3A_1128 {strides = array<i32>} : memref<32xi32, #tpu.memory_space<vmem>>, vector<16xi32>,
    %get3A_1129 = arith.constant 15 : index
    %get3A_1130 = tpu.vector_load %arg7[%get3A_1129] {strides = array<i32>} : memref<32xi32, #tpu.memory_space<vmem>>, vector<16xi32>,
    %get3A_1131 = vector.shape_cast %get3A_1130 : vector<16xi32> to vector<16xi32>
    %add3A_1132 = arith.addi %min3A_1124, %get3A_1131 : vector<16xi32>
    %swap3A_1133 = arith.constant 16 : index
    %swap3A_1134 = tpu.vector_load %arg7[%swap3A_1133] {strides = array<i32>} : memref<32xi32, #tpu.memory_space<vmem>>, vector<16xi32>,
    %swap3A_1135 = vector.shape_cast %swap3A_1134 : vector<16xi32> to vector<16xi32>
    %swap3A_1136 = vector.shape_cast %add3A_1132 : vector<16xi32> to vector<16xi32>
    tpu.vector_store %arg7[%swap3A_1133], %swap3A_1136 {strides = array<i32>} : memref<32xi32, #tpu.memory_space<vmem>>, vector<16xi32>,
    %get3A_1137 = arith.constant 14 : index
    %get3A_1138 = tpu.vector_load %arg7[%get3A_1137] {strides = array<i32>} : memref<32xi32, #tpu.memory_space<vmem>>, vector<16xi32>,
    %get3A_1139 = vector.shape_cast %get3A_1138 : vector<16xi32> to vector<16xi32>
    %add3A_1140 = arith.addi %add3A_1132, %get3A_1139 : vector<16xi32>
    %swap3A_1141 = arith.constant 16 : index
    %swap3A_1142 = tpu.vector_load %arg7[%swap3A_1141] {strides = array<i32>} : memref<32xi32, #tpu.memory_space<vmem>>, vector<16xi32>,
    %swap3A_1143 = vector.shape_cast %swap3A_1142 : vector<16xi32> to vector<16xi32>
    %swap3A_1144 = vector.shape_cast %add3A_1140 : vector<16xi32> to vector<16xi32>
    tpu.vector_store %arg7[%swap3A_1141], %swap3A_1144 {strides = array<i32>} : memref<32xi32, #tpu.memory_space<vmem>>, vector<16xi32>,
    %get3A_1145 = arith.constant 12 : index
    %get3A_1146 = tpu.vector_load %arg7[%get3A_1145] {strides = array<i32>} : memref<32xi32, #tpu.memory_space<vmem>>, vector<16xi32>,
    %get3A_1147 = vector.shape_cast %get3A_1146 : vector<16xi32> to vector<16xi32>
    %add3A_1148 = arith.addi %add3A_1140, %get3A_1147 : vector<16xi32>
    %swap3A_1149 = arith.constant 16 : index
    %swap3A_1150 = tpu.vector_load %arg7[%swap3A_1149] {strides = array<i32>} : memref<32xi32, #tpu.memory_space<vmem>>, vector<16xi32>,
    %swap3A_1151 = vector.shape_cast %swap3A_1150 : vector<16xi32> to vector<16xi32>
    %swap3A_1152 = vector.shape_cast %add3A_1148 : vector<16xi32> to vector<16xi32>
    tpu.vector_store %arg7[%swap3A_1149], %swap3A_1152 {strides = array<i32>} : memref<32xi32, #tpu.memory_space<vmem>>, vector<16xi32>,
    %get3A_1153 = arith.constant 8 : index
    %get3A_1154 = tpu.vector_load %arg7[%get3A_1153] {strides = array<i32>} : memref<32xi32, #tpu.memory_space<vmem>>, vector<16xi32>,
    %get3A_1155 = vector.shape_cast %get3A_1154 : vector<16xi32> to vector<16xi32>
    %add3A_1156 = arith.addi %add3A_1148, %get3A_1155 : vector<16xi32>
    %add3A_1157 = vector.broadcast %add3A_1074 : i32 to vector<16xi32>
    %add3A_1158 = arith.addi %add3A_1157, %add3A_1156 : vector<16xi32>
    %mul3A_1159 = arith.muli %add3A_1158, %min3A_1124 : vector<16xi32>
    %add3A_1160 = arith.constant 1 : i32
    %add3A_1161 = vector.broadcast %add3A_1160 : i32 to vector<16xi32>
    %add3A_1162 = arith.addi %mul3A_1159, %add3A_1161 : vector<16xi32>
    %swap3A_1163 = arith.constant 240 : index
    %swap3A_1164 = tpu.vector_load %arg6[%swap3A_1163] {strides = array<i32>} : memref<256xi32, #tpu.memory_space<vmem>>, vector<16xi32>,
    %swap3A_1165 = vector.shape_cast %swap3A_1164 : vector<16xi32> to vector<16xi32>
    %swap3A_1166 = vector.shape_cast %add3A_1162 : vector<16xi32> to vector<16xi32>
    tpu.vector_store %arg6[%swap3A_1163], %swap3A_1166 {strides = array<i32>} : memref<256xi32, #tpu.memory_space<vmem>>, vector<16xi32>,
    %slice3A_1167 = vector.extract_strided_slice %add3A_1156 {offsets = [15], sizes = [1], strides = [1]} : vector<16xi32> to vector<1xi32>
    %squeeze3A_1168 = vector.extract %slice3A_1167[0] : i32 from vector<1xi32>
    %add3A_1169 = arith.addi %add3A_1074, %squeeze3A_1168 : i32
    %dma_wait3A_1170 = arith.constant 0 : i32
    %dma_wait3A_1171 = arith.constant 0 : i32
    %dma_wait3A_1172 = tpu.memref_slice %arg9[%dma_wait3A_1170, %dma_wait3A_1171] : memref<48x1024xf32, #tpu.memory_space<vmem>> -> memref<48x1024xf32, #tpu.memory_space<vmem>>
    %dma_wait3A_1173 = arith.constant 0 : i32
    %dma_wait3A_1174 = tpu.memref_slice %arg4[%add3A_1102, %dma_wait3A_1173] : memref<8192x1024xf32, #tpu.memory_space<hbm>> -> memref<48x1024xf32, #tpu.memory_space<hbm>>
    %dma_wait3A_1175 = arith.constant 0 : i32
    %dma_wait3A_1176 = tpu.memref_slice %arg4[%add3A_1102, %dma_wait3A_1175] : memref<8192x1024xf32, #tpu.memory_space<hbm>> -> memref<48x1024xf32, #tpu.memory_space<hbm>>
    %dma_wait3A_1177 = arith.constant 0 : i32
    %dma_wait3A_1178 = arith.constant 0 : i32
    %dma_wait3A_1179 = tpu.memref_slice %arg9[%dma_wait3A_1177, %dma_wait3A_1178] : memref<48x1024xf32, #tpu.memory_space<vmem>> -> memref<48x1024xf32, #tpu.memory_space<vmem>>
    tpu.wait_dma2 semaphore(%arg13 : memref<!tpu.dma_semaphore, #tpu.memory_space<semaphore_mem>>) src(%dma_wait3A_1179 : memref<48x1024xf32, #tpu.memory_space<vmem>>) dst(%dma_wait3A_1176 : memref<48x1024xf32, #tpu.memory_space<hbm>>)
    %dma_start3A_1180 = arith.constant 0 : i32
    %dma_start3A_1181 = arith.constant 0 : i32
    %dma_start3A_1182 = tpu.memref_slice %arg9[%dma_start3A_1180, %dma_start3A_1181] : memref<48x1024xf32, #tpu.memory_space<vmem>> -> memref<16x1024xf32, #tpu.memory_space<vmem>>
    %dma_start3A_1183 = arith.constant 240 : i32
    %dma_start3A_1184 = tpu.memref_slice %arg6[%dma_start3A_1183] : memref<256xi32, #tpu.memory_space<vmem>> -> memref<16xi32, #tpu.memory_space<vmem>>
    %dma_start3A_1185 = arith.constant 0 : i32
    %dma_start3A_1186 = arith.constant 0 : i32
    %dma_start3A_1187 = tpu.memref_slice %arg3[%dma_start3A_1185, %dma_start3A_1186] : memref<2050x1024xf32, #tpu.memory_space<hbm>> -> memref<2050x1024xf32, #tpu.memory_space<hbm>>
    tpu.enqueue_indirect_dma source(%dma_start3A_1187 : memref<2050x1024xf32, #tpu.memory_space<hbm>>) target(%dma_start3A_1182 : memref<16x1024xf32, #tpu.memory_space<vmem>>) offsets(%dma_start3A_1184 : memref<16xi32, #tpu.memory_space<vmem>>) semaphore(%arg11 : memref<!tpu.dma_semaphore, #tpu.memory_space<semaphore_mem>>)
    %dma_wait3A_1188 = arith.constant 0 : i32
    %dma_wait3A_1189 = arith.constant 0 : i32
    %dma_wait3A_1190 = tpu.memref_slice %arg8[%dma_wait3A_1188, %dma_wait3A_1189] : memref<48x1024xf32, #tpu.memory_space<vmem>> -> memref<48x1024xf32, #tpu.memory_space<vmem>>
    %dma_wait3A_1191 = arith.constant 192 : i32
    %dma_wait3A_1192 = tpu.memref_slice %arg6[%dma_wait3A_1191] : memref<256xi32, #tpu.memory_space<vmem>> -> memref<48xi32, #tpu.memory_space<vmem>>
    %dma_wait3A_1193 = arith.constant 0 : i32
    %dma_wait3A_1194 = arith.constant 0 : i32
    %dma_wait3A_1195 = tpu.memref_slice %arg3[%dma_wait3A_1193, %dma_wait3A_1194] : memref<2050x1024xf32, #tpu.memory_space<hbm>> -> memref<2050x1024xf32, #tpu.memory_space<hbm>>
    tpu.wait_indirect_dma semaphore(%arg10 : memref<!tpu.dma_semaphore, #tpu.memory_space<semaphore_mem>>) src(%dma_wait3A_1195 : memref<2050x1024xf32, #tpu.memory_space<hbm>>) dst(%dma_wait3A_1190 : memref<48x1024xf32, #tpu.memory_space<vmem>>)
    %add3A_1196 = arith.constant 192 : i32
    %add3A_1197 = arith.addi %add3A_35, %add3A_1196 : i32
    %dma_start3A_1198 = arith.constant 0 : i32
    %dma_start3A_1199 = arith.constant 0 : i32
    %dma_start3A_1200 = tpu.memref_slice %arg8[%dma_start3A_1198, %dma_start3A_1199] : memref<48x1024xf32, #tpu.memory_space<vmem>> -> memref<48x1024xf32, #tpu.memory_space<vmem>>
    %dma_start3A_1201 = arith.constant 0 : i32
    %dma_start3A_1202 = tpu.memref_slice %arg4[%add3A_1197, %dma_start3A_1201] : memref<8192x1024xf32, #tpu.memory_space<hbm>> -> memref<48x1024xf32, #tpu.memory_space<hbm>>
    %dma_start3A_1203 = arith.constant 0 : i32
    %dma_start3A_1204 = tpu.memref_slice %arg4[%add3A_1197, %dma_start3A_1203] : memref<8192x1024xf32, #tpu.memory_space<hbm>> -> memref<48x1024xf32, #tpu.memory_space<hbm>>
    %dma_start3A_1205 = arith.constant 0 : i32
    %dma_start3A_1206 = arith.constant 0 : i32
    %dma_start3A_1207 = tpu.memref_slice %arg8[%dma_start3A_1205, %dma_start3A_1206] : memref<48x1024xf32, #tpu.memory_space<vmem>> -> memref<48x1024xf32, #tpu.memory_space<vmem>>
    tpu.enqueue_dma source(%dma_start3A_1207 : memref<48x1024xf32, #tpu.memory_space<vmem>>) target(%dma_start3A_1204 : memref<48x1024xf32, #tpu.memory_space<hbm>>) target_semaphore(%arg12 : memref<!tpu.dma_semaphore, #tpu.memory_space<semaphore_mem>>)
    %dma_wait3A_1208 = arith.constant 0 : i32
    %dma_wait3A_1209 = arith.constant 0 : i32
    %dma_wait3A_1210 = tpu.memref_slice %arg9[%dma_wait3A_1208, %dma_wait3A_1209] : memref<48x1024xf32, #tpu.memory_space<vmem>> -> memref<16x1024xf32, #tpu.memory_space<vmem>>
    %dma_wait3A_1211 = arith.constant 240 : i32
    %dma_wait3A_1212 = tpu.memref_slice %arg6[%dma_wait3A_1211] : memref<256xi32, #tpu.memory_space<vmem>> -> memref<16xi32, #tpu.memory_space<vmem>>
    %dma_wait3A_1213 = arith.constant 0 : i32
    %dma_wait3A_1214 = arith.constant 0 : i32
    %dma_wait3A_1215 = tpu.memref_slice %arg3[%dma_wait3A_1213, %dma_wait3A_1214] : memref<2050x1024xf32, #tpu.memory_space<hbm>> -> memref<2050x1024xf32, #tpu.memory_space<hbm>>
    tpu.wait_indirect_dma semaphore(%arg11 : memref<!tpu.dma_semaphore, #tpu.memory_space<semaphore_mem>>) src(%dma_wait3A_1215 : memref<2050x1024xf32, #tpu.memory_space<hbm>>) dst(%dma_wait3A_1210 : memref<16x1024xf32, #tpu.memory_space<vmem>>)
    %add3A_1216 = arith.constant 240 : i32
    %add3A_1217 = arith.addi %add3A_35, %add3A_1216 : i32
    %dma_start3A_1218 = arith.constant 0 : i32
    %dma_start3A_1219 = arith.constant 0 : i32
    %dma_start3A_1220 = tpu.memref_slice %arg9[%dma_start3A_1218, %dma_start3A_1219] : memref<48x1024xf32, #tpu.memory_space<vmem>> -> memref<16x1024xf32, #tpu.memory_space<vmem>>
    %dma_start3A_1221 = arith.constant 0 : i32
    %dma_start3A_1222 = tpu.memref_slice %arg4[%add3A_1217, %dma_start3A_1221] : memref<8192x1024xf32, #tpu.memory_space<hbm>> -> memref<16x1024xf32, #tpu.memory_space<hbm>>
    %dma_start3A_1223 = arith.constant 0 : i32
    %dma_start3A_1224 = tpu.memref_slice %arg4[%add3A_1217, %dma_start3A_1223] : memref<8192x1024xf32, #tpu.memory_space<hbm>> -> memref<16x1024xf32, #tpu.memory_space<hbm>>
    %dma_start3A_1225 = arith.constant 0 : i32
    %dma_start3A_1226 = arith.constant 0 : i32
    %dma_start3A_1227 = tpu.memref_slice %arg9[%dma_start3A_1225, %dma_start3A_1226] : memref<48x1024xf32, #tpu.memory_space<vmem>> -> memref<16x1024xf32, #tpu.memory_space<vmem>>
    tpu.enqueue_dma source(%dma_start3A_1227 : memref<16x1024xf32, #tpu.memory_space<vmem>>) target(%dma_start3A_1224 : memref<16x1024xf32, #tpu.memory_space<hbm>>) target_semaphore(%arg13 : memref<!tpu.dma_semaphore, #tpu.memory_space<semaphore_mem>>)
    %dma_wait3A_1228 = arith.constant 0 : i32
    %dma_wait3A_1229 = arith.constant 0 : i32
    %dma_wait3A_1230 = tpu.memref_slice %arg8[%dma_wait3A_1228, %dma_wait3A_1229] : memref<48x1024xf32, #tpu.memory_space<vmem>> -> memref<48x1024xf32, #tpu.memory_space<vmem>>
    %dma_wait3A_1231 = arith.constant 0 : i32
    %dma_wait3A_1232 = tpu.memref_slice %arg4[%add3A_1197, %dma_wait3A_1231] : memref<8192x1024xf32, #tpu.memory_space<hbm>> -> memref<48x1024xf32, #tpu.memory_space<hbm>>
    %dma_wait3A_1233 = arith.constant 0 : i32
    %dma_wait3A_1234 = tpu.memref_slice %arg4[%add3A_1197, %dma_wait3A_1233] : memref<8192x1024xf32, #tpu.memory_space<hbm>> -> memref<48x1024xf32, #tpu.memory_space<hbm>>
    %dma_wait3A_1235 = arith.constant 0 : i32
    %dma_wait3A_1236 = arith.constant 0 : i32
    %dma_wait3A_1237 = tpu.memref_slice %arg8[%dma_wait3A_1235, %dma_wait3A_1236] : memref<48x1024xf32, #tpu.memory_space<vmem>> -> memref<48x1024xf32, #tpu.memory_space<vmem>>
    tpu.wait_dma2 semaphore(%arg12 : memref<!tpu.dma_semaphore, #tpu.memory_space<semaphore_mem>>) src(%dma_wait3A_1237 : memref<48x1024xf32, #tpu.memory_space<vmem>>) dst(%dma_wait3A_1234 : memref<48x1024xf32, #tpu.memory_space<hbm>>)
    %dma_wait3A_1238 = arith.constant 0 : i32
    %dma_wait3A_1239 = arith.constant 0 : i32
    %dma_wait3A_1240 = tpu.memref_slice %arg9[%dma_wait3A_1238, %dma_wait3A_1239] : memref<48x1024xf32, #tpu.memory_space<vmem>> -> memref<16x1024xf32, #tpu.memory_space<vmem>>
    %dma_wait3A_1241 = arith.constant 0 : i32
    %dma_wait3A_1242 = tpu.memref_slice %arg4[%add3A_1217, %dma_wait3A_1241] : memref<8192x1024xf32, #tpu.memory_space<hbm>> -> memref<16x1024xf32, #tpu.memory_space<hbm>>
    %dma_wait3A_1243 = arith.constant 0 : i32
    %dma_wait3A_1244 = tpu.memref_slice %arg4[%add3A_1217, %dma_wait3A_1243] : memref<8192x1024xf32, #tpu.memory_space<hbm>> -> memref<16x1024xf32, #tpu.memory_space<hbm>>
    %dma_wait3A_1245 = arith.constant 0 : i32
    %dma_wait3A_1246 = arith.constant 0 : i32
    %dma_wait3A_1247 = tpu.memref_slice %arg9[%dma_wait3A_1245, %dma_wait3A_1246] : memref<48x1024xf32, #tpu.memory_space<vmem>> -> memref<16x1024xf32, #tpu.memory_space<vmem>>
    tpu.wait_dma2 semaphore(%arg13 : memref<!tpu.dma_semaphore, #tpu.memory_space<semaphore_mem>>) src(%dma_wait3A_1247 : memref<16x1024xf32, #tpu.memory_space<vmem>>) dst(%dma_wait3A_1244 : memref<16x1024xf32, #tpu.memory_space<hbm>>)
    return
  }
}

</mosaic_0001>

<sc_bundles>
// kernel: _lookup.3.cloned.1.call-start
scs
__scs_entry_jumppad:
0x0: {  	(pc) =	sbr.rel $0x88, $3  }
0x1: {  	(tag) =	ssettag $0x0;
	lr =	simm.s32 $0x1  }
0x2: {  	[smem:$0x3F9F] =	sst lr;
	_ =	strace $0xD0000000  }
0x3: {  	_ = 	snop  }
0x4: {  	_ = 	snop  }
0x5: {  	_ = 	snop  }
0x6: {  	_ = 	snop  }
0x7: {  	_ = 	snop  }
__scs_overlays_trampoline_lowered:
0x8: {  	[smem:$0x3FAE] =	sst s0  }
0x9: {  	[smem:$0x3FAF] =	sst s1  }
0xa: {  	[smem:$0x3FB0] =	sst s2  }
0xb: {  	[smem:$0x3FB1] =	sst s3  }
0xc: {  	[smem:$0x3FB2] =	sst s4  }
0xd: {  	[smem:$0x3FB3] =	sst s5  }
0xe: {  	[smem:$0x3FB4] =	sst s6  }
0xf: {  	[smem:$0x3FB5] =	sst s7  }
0x10: {  	[smem:$0x3FB6] =	sst s8  }
0x11: {  	[smem:$0x3FB7] =	sst s9;
	s0 =	simm.s32 @!p0 $0x0  }
0x12: {  	s1 =	sld [smem:$0x3F9D];
	s0 =	simm.s32 @p0 $0x1  }
0x13: {  	[smem:$0x3FB8] =	sst s0;
	s0 =	simm.s32 @!p1 $0x0  }
0x14: {  	s2 =	sld [smem:$0x3F9C];
	s0 =	simm.s32 @p1 $0x1  }
0x15: {  	[smem:$0x3FB9] =	sst s0;
	s0 =	simm.s32 @!p2 $0x0  }
0x16: {  	s3 =	sld [smem:$0x3FDB];
	s0 =	simm.s32 @p2 $0x1  }
0x17: {  	s4 =	simm.s32 $0x1BF5;
	[smem:$0x3FBB] =	sst s0  }
0x18: {  	s0 =	sld [smem:$0x3F9E];
	_ =	swait.ge [sflag:s4], $0x0  }
0x19: {  	s7 =	sld [smem:$0x3F9F]  }
0x1a: {  	s8 =	sadd.s32 $0xFFFFE003, lr  }
0x1b: {  	s9 =	sadd.s32 $0xFFFFFEF7, lr;
	s5 =	simm.s32 $0xFFFFFFFF;
	p2 =	slt.u32 s8, $0xFFFFF086  }
0x1c: {  	p1 =	slt.u32 s9, $0xF7A;
	s5 =	simm.s32 @!p2 $0x0  }
0x1d: {  	s5 =	simm.s32 @p1 $0x1;
	p0 =	seq.s32 s7, s2  }
0x1e: {  	s7 =	smul.u32 @!p0 $0xF7A, s2;
	p2 =	seq.s32 @!p0 s5, $0x0  }
0x1f: {  	s9 =	smul.u32 $0xF7A, s1;
	s8 =	simm.s32 @!p0 $0x1BF5;
	p2 =	por !p2, p0  }
0x20: {  	[sflag:s8] =	ssyncset.s32 @!p0 $0xFFFFF086;
	s6 =	sadd.s32 @!p0 s3, s7;
	s7 =	simm.s32 @!p0 $0x108  }
0x21: {  	s3 =	sadd.s32 s3, s9;
	s6 =	sadd.s32 @!p0 $0x88, s6;
	s7 =	simm.s32 @p2 $0x1082  }
0x22: {  	[simem:s7], [sflag:s8] =	dma.local @!p0 [hbm:s6], $0xF7A  }
0x23: {  	s9 =	sor.u32 $0xD0000000, s2;
	s6 =	simm.s32 $0x108;
	_ =	swait.ge @!p0 [sflag:s8], $0x0  }
0x24: {  	s3 =	sadd.s32 $0x88, s3;
	s6 =	simm.s32 @!p1 $0x1082;
	[sflag:s4] =	ssyncset.s32 $0xFFFFF086  }
0x25: {  	[simem:s6], [sflag:s4] =	dma.local [hbm:s3], $0xF7A  }
0x26: {  	[smem:$0x3F9F] =	sst s1;
	(tag) =	ssettag s2;
	_ =	strace s9  }
0x27: {  	s1 =	sld [smem:$0x3FAF]  }
0x28: {  	s2 =	sld [smem:$0x3FB0]  }
0x29: {  	s4 =	sld [smem:$0x3FB2]  }
0x2a: {  	p0 =	seq.s32 s5, $0x0;
	s5 =	sld [smem:$0x3FB3]  }
0x2b: {  	s6 =	sld [smem:$0x3FB4]  }
0x2c: {  	s7 =	sld [smem:$0x3FB5]  }
0x2d: {  	s3 =	simm.s32 $0x108;
	s8 =	sld [smem:$0x3FB6]  }
0x2e: {  	s3 =	simm.s32 @!p0 $0x1082;
	s9 =	sld [smem:$0x3FB7]  }
0x2f: {  	lr =	sadd.s32 s0, s3;
	s0 =	sld [smem:$0x3FAE]  }
0x30: {  	s3 =	sld [smem:$0x3FB1]  }
0x31: {  	[smem:$0x3FBA] =	sst s10  }
0x32: {  	s10 =	sld [smem:$0x3FB8];
	_ =	sdelay $0x3  }
0x33: {  	p0 =	seq.s32 s10, $0x1;
	s10 =	sld [smem:$0x3FBA];
	_ =	sdelay $0x3  }
0x34: {  	[smem:$0x3FBA] =	sst s10  }
0x35: {  	s10 =	sld [smem:$0x3FB9];
	_ =	sdelay $0x3  }
0x36: {  	p1 =	seq.s32 s10, $0x1;
	s10 =	sld [smem:$0x3FBA];
	_ =	sdelay $0x3  }
0x37: {  	[smem:$0x3FBA] =	sst s10  }
0x38: {  	s10 =	sld [smem:$0x3FBB]  }
0x39: {  	_ = 	snop;
	(pc) =	sbr.ind lr, $3  }
0x3a: {  	_ = 	snop  }
0x3b: {  	_ = 	snop  }
0x3c: {  	p2 =	seq.s32 s10, $0x1;
	s10 =	sld [smem:$0x3FBA]  }
0x3d: {  	_ =	shalt  }
0x3e: {  	_ =	shalt  }
0x3f: {  	_ =	shalt  }
0x40: {  	_ =	shalt  }
0x41: {  	_ =	shalt  }
0x42: {  	_ =	shalt  }
0x43: {  	_ =	shalt  }
0x44: {  	_ =	shalt  }
0x45: {  	_ =	shalt  }
0x46: {  	_ =	shalt  }
0x47: {  	_ =	shalt  }
0x48: {  	_ =	shalt  }
0x49: {  	_ =	shalt  }
0x4a: {  	_ =	shalt  }
0x4b: {  	_ =	shalt  }
0x4c: {  	_ =	shalt  }
0x4d: {  	_ =	shalt  }
0x4e: {  	_ =	shalt  }
0x4f: {  	_ =	shalt  }
0x50: {  	_ =	shalt  }
0x51: {  	_ =	shalt  }
0x52: {  	_ =	shalt  }
0x53: {  	_ =	shalt  }
0x54: {  	_ =	shalt  }
0x55: {  	_ =	shalt  }
0x56: {  	_ =	shalt  }
0x57: {  	_ =	shalt  }
0x58: {  	_ =	shalt  }
0x59: {  	_ =	shalt  }
0x5a: {  	_ =	shalt  }
0x5b: {  	_ =	shalt  }
0x5c: {  	_ =	shalt  }
0x5d: {  	_ =	shalt  }
0x5e: {  	_ =	shalt  }
0x5f: {  	_ =	shalt  }
0x60: {  	_ =	shalt  }
0x61: {  	_ =	shalt  }
0x62: {  	_ =	shalt  }
0x63: {  	_ =	shalt  }
0x64: {  	_ =	shalt  }
0x65: {  	_ =	shalt  }
0x66: {  	_ =	shalt  }
0x67: {  	_ =	shalt  }
0x68: {  	_ =	shalt  }
0x69: {  	_ =	shalt  }
0x6a: {  	_ =	shalt  }
0x6b: {  	_ =	shalt  }
0x6c: {  	_ =	shalt  }
0x6d: {  	_ =	shalt  }
0x6e: {  	_ =	shalt  }
0x6f: {  	_ =	shalt  }
0x70: {  	_ =	shalt  }
0x71: {  	_ =	shalt  }
0x72: {  	_ =	shalt  }
0x73: {  	_ =	shalt  }
0x74: {  	_ =	shalt  }
0x75: {  	_ =	shalt  }
0x76: {  	_ =	shalt  }
0x77: {  	_ =	shalt  }
0x78: {  	_ =	shalt  }
0x79: {  	_ =	shalt  }
0x7a: {  	_ =	shalt  }
0x7b: {  	_ =	shalt  }
0x7c: {  	_ =	shalt  }
0x7d: {  	_ =	shalt  }
0x7e: {  	_ =	shalt  }
0x7f: {  	_ =	shalt  }
0x80: {  	_ =	shalt  }
0x81: {  	_ =	shalt  }
0x82: {  	_ =	shalt  }
0x83: {  	_ =	shalt  }
0x84: {  	_ =	shalt  }
0x85: {  	_ =	shalt  }
0x86: {  	_ =	shalt  }
0x87: {  	_ =	shalt  }
.Lfunc_end0:
.L_simem_size_0:
called_computation_lowered:
.L_overlay_start_0:
0x88: {  	s2 =	sld [smem:$0x3FD9]  }
0x89: {  	s3 =	sld [smem:$0x3FFE];
	_ =	sdelay $0x1  }
0x8a: {  	s1 =	srdreg.scid  }
0x8b: {  	s0 =	sand.u32 $0x1, s1  }
0x8c: {  	s18 =	sshll.u32 s0, $0xA;
	s2 =	sadd.s32 s3, s2  }
0x8d: {  	s2 =	sadd.s32 s2, s18  }
0x8e: {  	[smem:$0x3FC6] =	sst s2  }
0x8f: {  	_ = 	snop  }
0x90: {  	s2 =	sld [smem:$0x3FC9]  }
0x91: {  	s19 =	sld [smem:$0x3FC8]  }
0x92: {  	s4 =	sld [smem:$0x3FD0];
	(tm) =	ssettm $0x1  }
0x93: {  	s5 =	sld [smem:$0x3FFB];
	_ =	sdelay $0x3  }
0x94: {  	_ =	strace s5  }
0x95: {  	s5 =	sld [smem:$0x3FFC];
	_ =	sdelay $0x3  }
0x96: {  	_ =	strace s5  }
0x97: {  	s5 =	sld [smem:$0x3FFD];
	_ =	sdelay $0x3  }
0x98: {  	_ =	strace s5  }
0x99: {  	_ =	strace $0x8FFFFFFF  }
0x9a: {  	s20 =	sld [smem:$0x3FDB];
	_ =	sdelay $0x1  }
0x9b: {  	s6 =	simm.s32 $_scs_section_size  }
0x9c: {  	s7 =	simm.s32 $_size__tile_overlayer_lowered;
	s8 =	simm.s32 $_tile_overlayer_lowered  }
0x9d: {  	s23 =	simm.s32 $0x1BFF;
	s22 =	sshll.u32 s8, $0x1;
	s5 =	sadd.s32 s6, s20  }
0x9e: {  	s9 =	simm.s32 $0x0;
	s21 =	sshll.u32 s7, $0x1;
	s7 =	sadd.s32 s22, s5  }
0x9f: {  	[timem:s9], [sflag:s23] =	dma.local [hbm:s7], s21  }
0xa0: {  	_ =	swait.ge [sflag:s23], s21  }
0xa1: {  	s6 =	ssub.s32 $0x0, s21;
	[sflag:s23] =	ssyncset.done $0x0  }
0xa2: {  	[sflag:s23] =	ssyncadd.s32 s6;
	_ =	sdelay $0x1  }
0xa3: {  	s24 =	simm.s32 $0x1B8B  }
0xa4: {  	_ =	swait.ge [sflag:s24], $0x1  }
0xa5: {  	[sflag:s24] =	ssyncset.done $0x0  }
0xa6: {  	s25 =	simm.s32 $0x1B8E;
	[sflag:s24] =	ssyncadd.s32 $0xFFFFFFFF  }
0xa7: {  	s26 =	simm.s32 $execute0_lowered;
	[smem:$0x3FD2] =	sst s25  }
0xa8: {  	s6 =	sshll.u32 s26, $0x1;
	_ =	strace $0x80000046;
	[dreg:$0x1] =	wrdreg $0xFFFFFFFF  }
0xa9: {  	s28 =	simm.s32 $_size_execute0_lowered;
	s5 =	sadd.s32 s5, s6;
	[dreg:$0x0] =	wrdreg $0x0  }
0xaa: {  	s6 =	sshll.u32 s28, $0x1;
	[dreg:$0x2] =	wrdreg s5  }
0xab: {  	[dreg:$0x3] =	wrdreg s6  }
0xac: {  	[dreg:$0x4] =	wrdreg $0xC0  }
0xad: {  	_ =	task [dreg:s9], $0x5FFFF  }
0xae: {  	[dreg:$0x1] =	wrdreg $0xFFFFFFFF  }
0xaf: {  	[dreg:$0x0] =	wrdreg $0x60  }
0xb0: {  	[dreg:$0x2] =	wrdreg s2  }
0xb1: {  	[dreg:$0x3] =	wrdreg s19  }
0xb2: {  	[dreg:$0x4] =	wrdreg s4  }
0xb3: {  	[dreg:$0x5] =	wrdreg $0x9  }
0xb4: {  	_ =	task.clear_ibuf [dreg:s9], $0x6FFFF;
	_ =	strace $0x90000046  }
0xb5: {  	s29 =	simm.s32 $0x9;
	_ =	strace $0x80000048  }
0xb6: {  	_ =	swait.ge [sflag:s29], $0x1  }
0xb7: {  	[sflag:s29] =	ssyncadd.s32 $0xFFFFFFFF  }
0xb8: {  	_ =	strace $0x90000048  }
0xb9: {  	_ =	sfence  }
0xba: {  	s30 =	sld [smem:$0x0];
	_ =	sdelay $0x2  }
0xbb: {  	s31 =	sshll.u32 s1, $0xD;
	s1 =	sshrl.u32 s1, $0x2  }
0xbc: {  	s3 =	sand.u32 $0x4000, s31;
	s1 =	sadd.s32 s1, s30  }
0xbd: {  	s0 =	sor.u32 s3, s0;
	s1 =	sshll.u32 s1, $0x11  }
0xbe: {  	s0 =	sor.u32 s1, s0  }
0xbf: {  	s0 =	sadd.s32 $0x8F2B, s0  }
0xc0: {  	[sflag:s0] =	ssyncadd.remote.s32 $0x1  }
0xc1: {  	_ =	sfence.sel $0xFFFF  }
0xc2: {  	[dreg:$0x0] =	wrdreg $0xFFFFFFFF;
	(pc) =	sbr.abs _section_cstart, $3  }
0xc3: {  	[dreg:$0x1] =	wrdreg $0xFFFFFFFF  }
0xc4: {  	_ =	task.clear_ibuf [dreg:s9], $0x2FFFF;
	_ =	strace $0x9FFFFFFF  }
0xc5: {  	(tm) =	ssettm $0x7FFFFFFF  }
tec
execute0_lowered:
.L_overlay_start_1:
0x0: {  	(tag) =	ssettag $0x1  }
0x1: {  	s0 =	rddreg [dreg:$0x0]  }
0x2: {  	s2 =	rddreg [dreg:$0x1]  }
0x3: {  	s1 =	rddreg [dreg:$0x2];
	s3 =	simm.s32 $0x0;
	s11 =	stileid.u32  }
0x4: {  	s4 =	srdreg.scid;
	s28 =	simm.s32 $0x3;
	s29 =	simm.s32 $0x2  }
0x5: {  	s30 =	simm.s32 $0x4;
	s31 =	simm.s32 $0x0;
	s13 =	simm.s32 $0x12980  }
0x6: {  	s14 =	simm.s32 $0x13180;
	s15 =	simm.s32 $0x13980;
	s16 =	simm.s32 $0x14180  }
0x7: {  	[smem:$0x7FF] =	sst s3;
	s5 =	sshll.u32 s11, $0x1;
	s9 =	sand.u32 $0x1, s4  }
0x8: {  	s6 =	sshll.u32 s11, $0x9;
	s8 =	sadd.s32 $0x300, s2;
	s22 =	sshll.u32 s11, $0x3  }
0x9: {  	s11 =	simm.s32 $0x11980;
	_ =	strace $0x80000047;
	s17 =	sand.u32 $0x6, s5  }
0xa: {  	s18 =	ssub.s32 $0x2, s9;
	s6 =	sand.u32 $0x1800, s6;
	s23 =	sshll.u32 s9, $0x2  }
0xb: {  	s10 =	sor.u32 s9, s17;
	s7 =	sshrl.u32 s18, $0x1;
	s17 =	simm.s32 $0x980  }
0xc: {  	s9 =	simm.s32 $0x10980;
	s4 =	sshll.u32 s10, $0x8;
	s5 =	ssub.s32 s18, s7  }
0xd: {  	s7 =	sadd.s32 $0x200, s2;
	p0 =	seq.s32 s10, $0x0;
	s10 =	simm.s32 $0x11180  }
0xe: {  	s18 =	simm.s32 $0x14980;
	s19 =	sor.u32 s6, s4;
	s6 =	sshrl.u32 s6, $0x3  }
0xf: {  	s26 =	smax.u32 s5, $0x1;
	s5 =	simm.s32 $0xC980;
	s0 =	sadd.s32 s0, s6  }
0x10: {  	s6 =	sadd.s32 $0x100, s2;
	s20 =	sshll.u32 s19, $0x7;
	[dreg:$0xb] =	wrdreg s26  }
0x11: {  	s26 =	simm.s32 $0x1;
	[dreg:$0x4] =	wrdreg s0;
	s12 =	sadd.s32 s1, s20  }
0x12: {  	s19 =	simm.s32 $0x15180;
	s0 =	sadd.s32 $0x1800, s12;
	[dreg:$0x5] =	wrdreg s12  }
0x13: {  	s20 =	simm.s32 $0x15980;
	s21 =	sadd.s32 $0x3000, s12;
	[dreg:$0x6] =	wrdreg s0  }
0x14: {  	s1 =	sadd.s32 $0x4800, s12;
	s24 =	sadd.s32 $0x6000, s12;
	[dreg:$0x7] =	wrdreg s21  }
.Ltmp0:
0x15: {  	s25 =	sadd.s32 $0x7800, s12;
	[dreg:$0x8] =	wrdreg s1;
	(pc) =	sbr.rel .LBB2_1-.Ltmp0, $4  }
0x16: {  	s12 =	simm.s32 $0x12180;
	s0 =	sand.u32 $0x18, s22;
	[dreg:$0x9] =	wrdreg s24  }
0x17: {  	v2 =	vlaneseq.u32;
	[dreg:$0xa] =	wrdreg s25;
	s21 =	simm.s32 $0x16180;
	s0 =	sor.u32 s23, s0  }
0x18: {  	vm0 =	vmmov $0xffff;
	v1 =	vshrl.u32 v2, $0x3;
	s22 =	simm.s32 $0x16980;
	s24 =	simm.s32 $0x17980;
	s0 =	smax.u32 s0, $0x1  }
0x19: {  	v0 =	vand.u32 $0x7, v2;
	v2 =	vor.u32 $0x8, v2;
	v1 =	vmul.u32 $0x8, v1;
	s25 =	simm.s32 $0x18180;
	s23 =	simm.s32 $0x17180;
	[dreg:$0xc] =	wrdreg s0  }
.LBB2_3:
0x1a: {  	v5 =	vimm.s32 $0x0  }
0x1b: {  	v6 =	vimm.s32 $0x0;
	v7 =	vimm.s32 $0x0;
	v8 =	vimm.s32 $0x0  }
.LBB2_7:
0x1c: {  	v16 =	vsub.s32 @p1 $0x0, v12  }
0x1d: {  	v15 =	vld [tilespmem:s0+$0xFFFFFFF0];
	v9 =	vmin.u32 @p1 v9, v11;
	v11 =	vnsel @p1 vm1, $0x1, v13;
	v10 =	vmin.u32 @p1 v10, v14  }
0x1e: {  	v54 =	vld [tilespmem:s0+$0x0];
	v4 =	vadd.s32 $0xFFFFFFFF, v4;
	v12 =	vmin.u32 @p1 v12, v16;
	v5 =	vadd.s32 @p1 v5, v11  }
0x1f: {  	v55 =	vld [tilespmem:s0+$0xFFFFFFE0];
	vm2 =	vlt.s32 @p1 v9, $0x1;
	vm3 =	vlt.s32 @p1 v10, $0x1;
	v57 =	vsub.s32 $0x0, v4  }
0x20: {  	vm1 =	vlt.s32 @p1 v12, $0x1;
	v9 =	vnsel @p1 vm2, $0x1, v9;
	v10 =	vnsel @p1 vm3, $0x1, v10  }
0x21: {  	v4 =	vmin.u32 v4, v57;
	v5 =	vpsel p1, v5, v3;
	v12 =	vnsel @p1 vm1, $0x1, v12  }
0x22: {  	v7 =	vadd.s32 @p1 v7, v9;
	v8 =	vadd.s32 @p1 v8, v10;
	vm1 =	vlt.s32 v4, $0x1  }
0x23: {  	v6 =	vadd.s32 @p1 v6, v12;
	v7 =	vpsel p1, v7, v3;
	v56 =	vadd.s32 $0xFFFFFFFF, v15  }
0x24: {  	v13 =	vadd.s32 $0xFFFFFFFF, v54;
	v11 =	vadd.s32 $0xFFFFFFFF, v55;
	v6 =	vpsel p1, v6, v3  }
0x25: {  	v3 =	vpsel p1, v8, v3;
	v58 =	vsub.s32 $0x0, v56;
	v60 =	vsub.s32 $0x0, v11  }
0x26: {  	v59 =	vsub.s32 $0x0, v13;
	v61 =	vmin.u32 v56, v58;
	v62 =	vmin.u32 v11, v60  }
0x27: {  	v63 =	vmin.u32 v13, v59;
	vm2 =	vlt.s32 v62, $0x1;
	vm3 =	vlt.s32 v61, $0x1  }
0x28: {  	v9 =	vnsel vm2, $0x1, v62;
	vm2 =	vlt.s32 v63, $0x1;
	v8 =	vnsel vm3, $0x1, v61  }
0x29: {  	v10 =	vnsel vm2, $0x1, v63;
	v6 =	vadd.s32 v6, v9;
	v7 =	vadd.s32 v7, v8  }
0x2a: {  	v4 =	vnsel vm1, $0x1, v4;
	v3 =	vadd.s32 v3, v10;
	v6 =	vadd.s32 v6, v7  }
0x2b: {  	v4 =	vadd.s32 v5, v4;
	v3 =	vadd.s32 v3, v6  }
0x2c: {  	v3 =	vadd.s32 v4, v3  }
.LBB2_8:
0x2d: {  	[tilespmem:$0x910] =	vst v3  }
0x2e: {  	v4 =	vld [tilespmem:$0x90F];
	_ =	sdelay $0x4  }
0x2f: {  	v3 =	vadd.s32 v3, v4  }
0x30: {  	[tilespmem:$0x910] =	vst v3  }
0x31: {  	v11 =	vld [tilespmem:$0x90E];
	_ =	sdelay $0x4  }
0x32: {  	v3 =	vadd.s32 v3, v11  }
0x33: {  	[tilespmem:$0x910] =	vst v3  }
0x34: {  	v12 =	vld [tilespmem:$0x90C];
	_ =	sdelay $0x4  }
0x35: {  	v3 =	vadd.s32 v3, v12  }
0x36: {  	[tilespmem:$0x910] =	vst v3  }
0x37: {  	v13 =	vld [tilespmem:s4+$0x0];
	_ =	sdelay $0x4  }
0x38: {  	v4 =	vadd.s32 $0xFFFFFFFF, v13  }
0x39: {  	v5 =	vsub.s32 $0x0, v4  }
0x3a: {  	v4 =	vmin.u32 v4, v5  }
0x3b: {  	vm1 =	vlt.s32 v4, $0x1  }
0x3c: {  	v4 =	vnsel vm1, $0x1, v4  }
0x3d: {  	v14 =	vld [tilespmem:$0x908];
	[tilespmem:$0x910] =	vst v4  }
0x3e: {  	v6 =	vld [tilespmem:$0x90F];
	_ =	sdelay $0x4  }
0x3f: {  	v6 =	vadd.s32 v6, v4  }
0x40: {  	[tilespmem:$0x910] =	vst v6  }
0x41: {  	v7 =	vld [tilespmem:$0x90E];
	_ =	sdelay $0x1  }
0x42: {  	(v2sf) =	vpush v3, $0xF  }
0x43: {  	(v2sf) =	vpush v14, $0xF;
	_ =	sdelay $0x1  }
0x44: {  	v3 =	vadd.s32 v7, v6  }
0x45: {  	[tilespmem:$0x910] =	vst v3  }
0x46: {  	v15 =	vld [tilespmem:$0x90C];
	_ =	sdelay $0x4  }
0x47: {  	v3 =	vadd.s32 v3, v15  }
0x48: {  	[tilespmem:$0x910] =	vst v3  }
0x49: {  	v16 =	vld [tilespmem:$0x908];
	_ =	sdelay $0x2  }
0x4a: {  	s0 =	spop (v2sf)  }
0x4b: {  	s1 =	spop (v2sf)  }
0x4c: {  	s0 =	sadd.s32 s0, s1;
	v3 =	vadd.s32 v3, v16  }
0x4d: {  	v5 =	vadd.s32 s0, v3  }
0x4e: {  	v4 =	vmul.u32 v4, v5;
	_ =	sdelay $0x1  }
0x4f: {  	v4 =	vadd.s32 $0x1, v4  }
0x50: {  	[tilespmem:$0x800] =	vst v4  }
0x51: {  	v4 =	vld [tilespmem:s4+$0x10];
	_ =	sdelay $0x4  }
0x52: {  	v4 =	vadd.s32 $0xFFFFFFFF, v4  }
0x53: {  	v17 =	vsub.s32 $0x0, v4  }
0x54: {  	v4 =	vmin.u32 v4, v17  }
0x55: {  	vm1 =	vlt.s32 v4, $0x1  }
0x56: {  	v4 =	vnsel vm1, $0x1, v4  }
0x57: {  	[tilespmem:$0x910] =	vst v4  }
0x58: {  	v18 =	vld [tilespmem:$0x90F];
	_ =	sdelay $0x4  }
0x59: {  	v5 =	vadd.s32 v18, v4  }
0x5a: {  	[tilespmem:$0x910] =	vst v5  }
0x5b: {  	v19 =	vld [tilespmem:$0x90E];
	_ =	sdelay $0x2  }
0x5c: {  	(v2sf) =	vpush v3, $0xF;
	_ =	sdelay $0x1  }
0x5d: {  	v3 =	vadd.s32 v19, v5  }
0x5e: {  	[tilespmem:$0x910] =	vst v3  }
0x5f: {  	v20 =	vld [tilespmem:$0x90C];
	_ =	sdelay $0x4  }
0x60: {  	v3 =	vadd.s32 v3, v20  }
0x61: {  	[tilespmem:$0x910] =	vst v3  }
0x62: {  	v21 =	vld [tilespmem:$0x908];
	_ =	sdelay $0x3  }
0x63: {  	s1 =	spop (v2sf)  }
0x64: {  	s0 =	sadd.s32 s0, s1;
	v3 =	vadd.s32 v3, v21  }
0x65: {  	v5 =	vadd.s32 s0, v3  }
0x66: {  	v4 =	vmul.u32 v4, v5;
	_ =	sdelay $0x1  }
0x67: {  	v4 =	vadd.s32 $0x1, v4  }
0x68: {  	[tilespmem:$0x810] =	vst v4  }
0x69: {  	v4 =	vld [tilespmem:s4+$0x20];
	_ =	sdelay $0x4  }
0x6a: {  	v4 =	vadd.s32 $0xFFFFFFFF, v4  }
0x6b: {  	v22 =	vsub.s32 $0x0, v4  }
0x6c: {  	v4 =	vmin.u32 v4, v22  }
0x6d: {  	vm1 =	vlt.s32 v4, $0x1  }
0x6e: {  	v4 =	vnsel vm1, $0x1, v4  }
0x6f: {  	[tilespmem:$0x910] =	vst v4  }
0x70: {  	v23 =	vld [tilespmem:$0x90F];
	_ =	sdelay $0x4  }
0x71: {  	v5 =	vadd.s32 v23, v4  }
0x72: {  	[tilespmem:$0x910] =	vst v5  }
0x73: {  	v24 =	vld [tilespmem:$0x90E];
	_ =	sdelay $0x2  }
0x74: {  	(v2sf) =	vpush v3, $0xF;
	_ =	sdelay $0x1  }
0x75: {  	v3 =	vadd.s32 v24, v5  }
0x76: {  	[tilespmem:$0x910] =	vst v3  }
0x77: {  	v25 =	vld [tilespmem:$0x90C];
	_ =	sdelay $0x2  }
0x78: {  	v26 =	vld [tilespmem:$0x800];
	_ =	sdelay $0x1  }
0x79: {  	v3 =	vadd.s32 v3, v25  }
0x7a: {  	[tilespmem:$0x910] =	vst v3  }
0x7b: {  	v27 =	vld [tilespmem:$0x908]  }
0x7c: {  	v28 =	vshll.u32 v26, $0x3  }
0x7d: {  	v6 =	vand.u32 $0x7, v26;
	v7 =	vand.u32 $0xFFFFFFC0, v28  }
0x7e: {  	v6 =	vor.u32 v6, v7  }
0x7f: {  	v7 =	vperm.xlane v6, v0;
	s1 =	spop (v2sf)  }
0x80: {  	s0 =	sadd.s32 s0, s1;
	v3 =	vadd.s32 v3, v27  }
0x81: {  	v7 =	vadd.s32 v1, v7;
	v5 =	vadd.s32 s0, v3  }
0x82: {  	v4 =	vmul.u32 v4, v5;
	_ =	sdelay $0x1  }
0x83: {  	v4 =	vadd.s32 $0x1, v4  }
0x84: {  	[tilespmem:$0x820] =	vst v4  }
0x85: {  	[tilespmem:s17], [sflag:$0x1] =	stream.indirect_vreg.gather [hbm4b:s2+s3], $0x80, v7, vm0, $0xb8;
	[tilespmem:$0x18980] =	vst v63  }
0x86: {  	v29 =	vperm.xlane v6, v2;
	s1 =	simm.s32 $0x1180  }
0x87: {  	[tilespmem:s1], [sflag:$0x1] =	stream.indirect_vreg.gather [hbm4b:s6+s3], $0x80, v7, vm0, $0xb8;
	[tilespmem:$0x18980] =	vst v63  }
0x88: {  	v4 =	vadd.s32 v1, v29;
	s1 =	simm.s32 $0x1980  }
0x89: {  	[tilespmem:s1], [sflag:$0x1] =	stream.indirect_vreg.gather [hbm4b:s7+s3], $0x80, v7, vm0, $0xb8;
	[tilespmem:$0x18980] =	vst v63  }
0x8a: {  	s1 =	simm.s32 $0x2180  }
0x8b: {  	[tilespmem:s1], [sflag:$0x1] =	stream.indirect_vreg.gather [hbm4b:s8+s3], $0x80, v7, vm0, $0xb8;
	[tilespmem:$0x18980] =	vst v63  }
0x8c: {  	s1 =	simm.s32 $0x2980  }
0x8d: {  	[tilespmem:s1], [sflag:$0x1] =	stream.indirect_vreg.gather [hbm4b:s2+s3], $0x80, v4, vm0, $0xb8;
	[tilespmem:$0x18980] =	vst v63  }
0x8e: {  	s1 =	simm.s32 $0x3180  }
0x8f: {  	[tilespmem:s1], [sflag:$0x1] =	stream.indirect_vreg.gather [hbm4b:s6+s3], $0x80, v4, vm0, $0xb8;
	[tilespmem:$0x18980] =	vst v63  }
0x90: {  	s1 =	simm.s32 $0x3980  }
0x91: {  	[tilespmem:s1], [sflag:$0x1] =	stream.indirect_vreg.gather [hbm4b:s7+s3], $0x80, v4, vm0, $0xb8;
	[tilespmem:$0x18980] =	vst v63  }
0x92: {  	s1 =	simm.s32 $0x4180  }
0x93: {  	[tilespmem:s1], [sflag:$0x1] =	stream.indirect_vreg.gather [hbm4b:s8+s3], $0x80, v4, vm0, $0xb8;
	[tilespmem:$0x18980] =	vst v63  }
0x94: {  	v4 =	vld [tilespmem:$0x810];
	_ =	sdelay $0x4  }
0x95: {  	v30 =	vshll.u32 v4, $0x3  }
0x96: {  	v4 =	vand.u32 $0x7, v4;
	v5 =	vand.u32 $0xFFFFFFC0, v30  }
0x97: {  	v4 =	vor.u32 v4, v5  }
0x98: {  	v5 =	vperm.xlane v4, v0;
	_ =	sdelay $0x1  }
0x99: {  	v5 =	vadd.s32 v1, v5;
	_ =	sdelay $0x3  }
0x9a: {  	s1 =	simm.s32 $0x4980  }
0x9b: {  	[tilespmem:s1], [sflag:$0x1] =	stream.indirect_vreg.gather [hbm4b:s2+s3], $0x80, v5, vm0, $0xb8;
	[tilespmem:$0x18980] =	vst v63  }
0x9c: {  	v4 =	vperm.xlane v4, v2;
	s1 =	simm.s32 $0x5180  }
0x9d: {  	[tilespmem:s1], [sflag:$0x1] =	stream.indirect_vreg.gather [hbm4b:s6+s3], $0x80, v5, vm0, $0xb8;
	[tilespmem:$0x18980] =	vst v63  }
0x9e: {  	v4 =	vadd.s32 v1, v4;
	s1 =	simm.s32 $0x5980  }
0x9f: {  	[tilespmem:s1], [sflag:$0x1] =	stream.indirect_vreg.gather [hbm4b:s7+s3], $0x80, v5, vm0, $0xb8;
	[tilespmem:$0x18980] =	vst v63  }
0xa0: {  	s1 =	simm.s32 $0x6180  }
0xa1: {  	[tilespmem:s1], [sflag:$0x1] =	stream.indirect_vreg.gather [hbm4b:s8+s3], $0x80, v5, vm0, $0xb8;
	[tilespmem:$0x18980] =	vst v63  }
0xa2: {  	s1 =	simm.s32 $0x6980  }
0xa3: {  	[tilespmem:s1], [sflag:$0x1] =	stream.indirect_vreg.gather [hbm4b:s2+s3], $0x80, v4, vm0, $0xb8;
	[tilespmem:$0x18980] =	vst v63  }
0xa4: {  	s1 =	simm.s32 $0x7180  }
0xa5: {  	[tilespmem:s1], [sflag:$0x1] =	stream.indirect_vreg.gather [hbm4b:s6+s3], $0x80, v4, vm0, $0xb8;
	[tilespmem:$0x18980] =	vst v63  }
0xa6: {  	s1 =	simm.s32 $0x7980  }
0xa7: {  	[tilespmem:s1], [sflag:$0x1] =	stream.indirect_vreg.gather [hbm4b:s7+s3], $0x80, v4, vm0, $0xb8;
	[tilespmem:$0x18980] =	vst v63  }
0xa8: {  	s1 =	simm.s32 $0x8180  }
0xa9: {  	[tilespmem:s1], [sflag:$0x1] =	stream.indirect_vreg.gather [hbm4b:s8+s3], $0x80, v4, vm0, $0xb8;
	[tilespmem:$0x18980] =	vst v63  }
0xaa: {  	v4 =	vld [tilespmem:$0x820];
	_ =	sdelay $0x4  }
0xab: {  	v31 =	vshll.u32 v4, $0x3  }
0xac: {  	v4 =	vand.u32 $0x7, v4;
	v5 =	vand.u32 $0xFFFFFFC0, v31  }
0xad: {  	v4 =	vor.u32 v4, v5  }
0xae: {  	v5 =	vperm.xlane v4, v0;
	_ =	sdelay $0x1  }
0xaf: {  	v5 =	vadd.s32 v1, v5;
	_ =	sdelay $0x3  }
0xb0: {  	s1 =	simm.s32 $0x8980  }
0xb1: {  	[tilespmem:s1], [sflag:$0x1] =	stream.indirect_vreg.gather [hbm4b:s2+s3], $0x80, v5, vm0, $0xb8;
	[tilespmem:$0x18980] =	vst v63  }
0xb2: {  	v4 =	vperm.xlane v4, v2;
	s1 =	simm.s32 $0x9180  }
0xb3: {  	[tilespmem:s1], [sflag:$0x1] =	stream.indirect_vreg.gather [hbm4b:s6+s3], $0x80, v5, vm0, $0xb8;
	[tilespmem:$0x18980] =	vst v63  }
0xb4: {  	v4 =	vadd.s32 v1, v4;
	s1 =	simm.s32 $0x9980  }
0xb5: {  	[tilespmem:s1], [sflag:$0x1] =	stream.indirect_vreg.gather [hbm4b:s7+s3], $0x80, v5, vm0, $0xb8;
	[tilespmem:$0x18980] =	vst v63  }
0xb6: {  	s1 =	simm.s32 $0xA180  }
0xb7: {  	[tilespmem:s1], [sflag:$0x1] =	stream.indirect_vreg.gather [hbm4b:s8+s3], $0x80, v5, vm0, $0xb8;
	[tilespmem:$0x18980] =	vst v63  }
0xb8: {  	s1 =	simm.s32 $0xA980  }
0xb9: {  	[tilespmem:s1], [sflag:$0x1] =	stream.indirect_vreg.gather [hbm4b:s2+s3], $0x80, v4, vm0, $0xb8;
	[tilespmem:$0x18980] =	vst v63  }
0xba: {  	s1 =	simm.s32 $0xB180  }
0xbb: {  	[tilespmem:s1], [sflag:$0x1] =	stream.indirect_vreg.gather [hbm4b:s6+s3], $0x80, v4, vm0, $0xb8;
	[tilespmem:$0x18980] =	vst v63  }
0xbc: {  	s1 =	simm.s32 $0xB980  }
0xbd: {  	[tilespmem:s1], [sflag:$0x1] =	stream.indirect_vreg.gather [hbm4b:s7+s3], $0x80, v4, vm0, $0xb8;
	[tilespmem:$0x18980] =	vst v63  }
0xbe: {  	s1 =	simm.s32 $0xC180  }
0xbf: {  	[tilespmem:s1], [sflag:$0x1] =	stream.indirect_vreg.gather [hbm4b:s8+s3], $0x80, v4, vm0, $0xb8;
	[tilespmem:$0x18980] =	vst v63  }
0xc0: {  	v4 =	vld [tilespmem:s4+$0x30];
	_ =	sdelay $0x4  }
0xc1: {  	v4 =	vadd.s32 $0xFFFFFFFF, v4  }
0xc2: {  	v32 =	vsub.s32 $0x0, v4  }
0xc3: {  	v4 =	vmin.u32 v4, v32  }
0xc4: {  	vm1 =	vlt.s32 v4, $0x1  }
0xc5: {  	v4 =	vnsel vm1, $0x1, v4  }
0xc6: {  	[tilespmem:$0x910] =	vst v4  }
0xc7: {  	v33 =	vld [tilespmem:$0x90F];
	_ =	sdelay $0x4  }
0xc8: {  	v5 =	vadd.s32 v33, v4  }
0xc9: {  	[tilespmem:$0x910] =	vst v5  }
0xca: {  	v34 =	vld [tilespmem:$0x90E];
	_ =	sdelay $0x2  }
0xcb: {  	(v2sf) =	vpush v3, $0xF;
	_ =	sdelay $0x1  }
0xcc: {  	v3 =	vadd.s32 v34, v5  }
0xcd: {  	[tilespmem:$0x910] =	vst v3  }
0xce: {  	v35 =	vld [tilespmem:$0x90C];
	_ =	sdelay $0x4  }
0xcf: {  	v3 =	vadd.s32 v3, v35  }
0xd0: {  	[tilespmem:$0x910] =	vst v3  }
0xd1: {  	v36 =	vld [tilespmem:$0x908];
	_ =	sdelay $0x3  }
0xd2: {  	s1 =	spop (v2sf)  }
0xd3: {  	s0 =	sadd.s32 s0, s1;
	v3 =	vadd.s32 v3, v36  }
0xd4: {  	v5 =	vadd.s32 s0, v3  }
0xd5: {  	v4 =	vmul.u32 v4, v5;
	_ =	sdelay $0x1  }
0xd6: {  	v4 =	vadd.s32 $0x1, v4  }
0xd7: {  	[tilespmem:$0x830] =	vst v4  }
0xd8: {  	v4 =	vld [tilespmem:s4+$0x40];
	_ =	sdelay $0x4  }
0xd9: {  	v4 =	vadd.s32 $0xFFFFFFFF, v4  }
0xda: {  	v37 =	vsub.s32 $0x0, v4  }
0xdb: {  	v4 =	vmin.u32 v4, v37  }
0xdc: {  	vm1 =	vlt.s32 v4, $0x1  }
0xdd: {  	v4 =	vnsel vm1, $0x1, v4  }
0xde: {  	[tilespmem:$0x910] =	vst v4  }
0xdf: {  	v38 =	vld [tilespmem:$0x90F];
	_ =	sdelay $0x4  }
0xe0: {  	v5 =	vadd.s32 v38, v4  }
0xe1: {  	[tilespmem:$0x910] =	vst v5  }
0xe2: {  	v39 =	vld [tilespmem:$0x90E];
	_ =	sdelay $0x2  }
0xe3: {  	(v2sf) =	vpush v3, $0xF;
	_ =	sdelay $0x1  }
0xe4: {  	v3 =	vadd.s32 v39, v5  }
0xe5: {  	[tilespmem:$0x910] =	vst v3  }
0xe6: {  	v40 =	vld [tilespmem:$0x90C];
	_ =	sdelay $0x4  }
0xe7: {  	v3 =	vadd.s32 v3, v40  }
0xe8: {  	[tilespmem:$0x910] =	vst v3  }
0xe9: {  	v41 =	vld [tilespmem:$0x908];
	_ =	sdelay $0x3  }
0xea: {  	s1 =	spop (v2sf)  }
0xeb: {  	s0 =	sadd.s32 s0, s1;
	v3 =	vadd.s32 v3, v41  }
0xec: {  	v5 =	vadd.s32 s0, v3  }
0xed: {  	v4 =	vmul.u32 v4, v5;
	_ =	sdelay $0x1  }
0xee: {  	v4 =	vadd.s32 $0x1, v4  }
0xef: {  	[tilespmem:$0x840] =	vst v4  }
0xf0: {  	v4 =	vld [tilespmem:s4+$0x50];
	_ =	sdelay $0x4  }
0xf1: {  	v4 =	vadd.s32 $0xFFFFFFFF, v4  }
0xf2: {  	v42 =	vsub.s32 $0x0, v4  }
0xf3: {  	v4 =	vmin.u32 v4, v42  }
0xf4: {  	vm1 =	vlt.s32 v4, $0x1  }
0xf5: {  	v4 =	vnsel vm1, $0x1, v4  }
0xf6: {  	[tilespmem:$0x910] =	vst v4  }
0xf7: {  	v43 =	vld [tilespmem:$0x90F];
	_ =	sdelay $0x4  }
0xf8: {  	v5 =	vadd.s32 v43, v4  }
0xf9: {  	[tilespmem:$0x910] =	vst v5  }
0xfa: {  	v44 =	vld [tilespmem:$0x90E];
	_ =	sdelay $0x2  }
0xfb: {  	(v2sf) =	vpush v3, $0xF;
	_ =	sdelay $0x1  }
0xfc: {  	v3 =	vadd.s32 v44, v5  }
0xfd: {  	[tilespmem:$0x910] =	vst v3  }
0xfe: {  	v45 =	vld [tilespmem:$0x90C];
	_ =	sdelay $0x2  }
0xff: {  	v46 =	vld [tilespmem:$0x830];
	_ =	sdelay $0x1  }
0x100: {  	v3 =	vadd.s32 v3, v45  }
0x101: {  	[tilespmem:$0x910] =	vst v3  }
0x102: {  	v47 =	vld [tilespmem:$0x908]  }
0x103: {  	v48 =	vshll.u32 v46, $0x3  }
0x104: {  	v6 =	vand.u32 $0x7, v46;
	v7 =	vand.u32 $0xFFFFFFC0, v48  }
0x105: {  	v6 =	vor.u32 v6, v7  }
0x106: {  	v7 =	vperm.xlane v6, v0;
	s1 =	spop (v2sf)  }
0x107: {  	s0 =	sadd.s32 s0, s1;
	v3 =	vadd.s32 v3, v47  }
0x108: {  	v7 =	vadd.s32 v1, v7;
	v5 =	vadd.s32 s0, v3  }
0x109: {  	v4 =	vmul.u32 v4, v5;
	_ =	sdelay $0x1  }
0x10a: {  	v4 =	vadd.s32 $0x1, v4  }
0x10b: {  	[tilespmem:$0x850] =	vst v4  }
0x10c: {  	[tilespmem:s5], [sflag:$0x2] =	stream.indirect_vreg.gather [hbm4b:s2+s3], $0x80, v7, vm0, $0xb8;
	[tilespmem:$0x18980] =	vst v63  }
0x10d: {  	v49 =	vperm.xlane v6, v2;
	s1 =	simm.s32 $0xD180  }
0x10e: {  	[tilespmem:s1], [sflag:$0x2] =	stream.indirect_vreg.gather [hbm4b:s6+s3], $0x80, v7, vm0, $0xb8;
	[tilespmem:$0x18980] =	vst v63  }
0x10f: {  	v4 =	vadd.s32 v1, v49;
	s1 =	simm.s32 $0xD980  }
0x110: {  	[tilespmem:s1], [sflag:$0x2] =	stream.indirect_vreg.gather [hbm4b:s7+s3], $0x80, v7, vm0, $0xb8;
	[tilespmem:$0x18980] =	vst v63  }
0x111: {  	s1 =	simm.s32 $0xE180  }
0x112: {  	[tilespmem:s1], [sflag:$0x2] =	stream.indirect_vreg.gather [hbm4b:s8+s3], $0x80, v7, vm0, $0xb8;
	[tilespmem:$0x18980] =	vst v63  }
0x113: {  	s1 =	simm.s32 $0xE980  }
0x114: {  	[tilespmem:s1], [sflag:$0x2] =	stream.indirect_vreg.gather [hbm4b:s2+s3], $0x80, v4, vm0, $0xb8;
	[tilespmem:$0x18980] =	vst v63  }
0x115: {  	s1 =	simm.s32 $0xF180  }
0x116: {  	[tilespmem:s1], [sflag:$0x2] =	stream.indirect_vreg.gather [hbm4b:s6+s3], $0x80, v4, vm0, $0xb8;
	[tilespmem:$0x18980] =	vst v63  }
0x117: {  	s1 =	simm.s32 $0xF980  }
0x118: {  	[tilespmem:s1], [sflag:$0x2] =	stream.indirect_vreg.gather [hbm4b:s7+s3], $0x80, v4, vm0, $0xb8;
	[tilespmem:$0x18980] =	vst v63  }
0x119: {  	s1 =	simm.s32 $0x10180  }
0x11a: {  	[tilespmem:s1], [sflag:$0x2] =	stream.indirect_vreg.gather [hbm4b:s8+s3], $0x80, v4, vm0, $0xb8;
	[tilespmem:$0x18980] =	vst v63  }
0x11b: {  	v4 =	vld [tilespmem:$0x840];
	_ =	sdelay $0x4  }
0x11c: {  	v50 =	vshll.u32 v4, $0x3  }
0x11d: {  	v4 =	vand.u32 $0x7, v4;
	v5 =	vand.u32 $0xFFFFFFC0, v50  }
0x11e: {  	v4 =	vor.u32 v4, v5  }
0x11f: {  	v5 =	vperm.xlane v4, v0;
	_ =	sdelay $0x1  }
0x120: {  	v5 =	vadd.s32 v1, v5;
	_ =	sdelay $0x4  }
0x121: {  	[tilespmem:s9], [sflag:$0x2] =	stream.indirect_vreg.gather [hbm4b:s2+s3], $0x80, v5, vm0, $0xb8;
	[tilespmem:$0x18980] =	vst v63  }
0x122: {  	v4 =	vperm.xlane v4, v2  }
0x123: {  	[tilespmem:s10], [sflag:$0x2] =	stream.indirect_vreg.gather [hbm4b:s6+s3], $0x80, v5, vm0, $0xb8;
	[tilespmem:$0x18980] =	vst v63  }
0x124: {  	v4 =	vadd.s32 v1, v4  }
0x125: {  	[tilespmem:s11], [sflag:$0x2] =	stream.indirect_vreg.gather [hbm4b:s7+s3], $0x80, v5, vm0, $0xb8;
	[tilespmem:$0x18980] =	vst v63  }
0x126: {  	_ = 	snop  }
0x127: {  	[tilespmem:s12], [sflag:$0x2] =	stream.indirect_vreg.gather [hbm4b:s8+s3], $0x80, v5, vm0, $0xb8;
	[tilespmem:$0x18980] =	vst v63  }
0x128: {  	_ = 	snop  }
0x129: {  	[tilespmem:s13], [sflag:$0x2] =	stream.indirect_vreg.gather [hbm4b:s2+s3], $0x80, v4, vm0, $0xb8;
	[tilespmem:$0x18980] =	vst v63  }
0x12a: {  	_ = 	snop  }
0x12b: {  	[tilespmem:s14], [sflag:$0x2] =	stream.indirect_vreg.gather [hbm4b:s6+s3], $0x80, v4, vm0, $0xb8;
	[tilespmem:$0x18980] =	vst v63  }
0x12c: {  	_ = 	snop  }
0x12d: {  	[tilespmem:s15], [sflag:$0x2] =	stream.indirect_vreg.gather [hbm4b:s7+s3], $0x80, v4, vm0, $0xb8;
	[tilespmem:$0x18980] =	vst v63  }
0x12e: {  	_ = 	snop  }
0x12f: {  	[tilespmem:s16], [sflag:$0x2] =	stream.indirect_vreg.gather [hbm4b:s8+s3], $0x80, v4, vm0, $0xb8;
	[tilespmem:$0x18980] =	vst v63  }
0x130: {  	v4 =	vld [tilespmem:$0x850];
	_ =	sdelay $0x4  }
0x131: {  	v51 =	vshll.u32 v4, $0x3  }
0x132: {  	v4 =	vand.u32 $0x7, v4;
	v5 =	vand.u32 $0xFFFFFFC0, v51  }
0x133: {  	v4 =	vor.u32 v4, v5  }
0x134: {  	v5 =	vperm.xlane v4, v0;
	_ =	sdelay $0x1  }
0x135: {  	v5 =	vadd.s32 v1, v5;
	_ =	sdelay $0x4  }
0x136: {  	[tilespmem:s18], [sflag:$0x2] =	stream.indirect_vreg.gather [hbm4b:s2+s3], $0x80, v5, vm0, $0xb8;
	[tilespmem:$0x18980] =	vst v63  }
0x137: {  	v4 =	vperm.xlane v4, v2  }
0x138: {  	[tilespmem:s19], [sflag:$0x2] =	stream.indirect_vreg.gather [hbm4b:s6+s3], $0x80, v5, vm0, $0xb8;
	[tilespmem:$0x18980] =	vst v63  }
0x139: {  	v4 =	vadd.s32 v1, v4  }
0x13a: {  	[tilespmem:s20], [sflag:$0x2] =	stream.indirect_vreg.gather [hbm4b:s7+s3], $0x80, v5, vm0, $0xb8;
	[tilespmem:$0x18980] =	vst v63  }
0x13b: {  	_ = 	snop  }
0x13c: {  	[tilespmem:s21], [sflag:$0x2] =	stream.indirect_vreg.gather [hbm4b:s8+s3], $0x80, v5, vm0, $0xb8;
	[tilespmem:$0x18980] =	vst v63  }
0x13d: {  	_ = 	snop  }
0x13e: {  	[tilespmem:s22], [sflag:$0x2] =	stream.indirect_vreg.gather [hbm4b:s2+s3], $0x80, v4, vm0, $0xb8;
	[tilespmem:$0x18980] =	vst v63  }
0x13f: {  	_ = 	snop  }
0x140: {  	[tilespmem:s23], [sflag:$0x2] =	stream.indirect_vreg.gather [hbm4b:s6+s3], $0x80, v4, vm0, $0xb8;
	[tilespmem:$0x18980] =	vst v63  }
0x141: {  	_ = 	snop  }
0x142: {  	[tilespmem:s24], [sflag:$0x2] =	stream.indirect_vreg.gather [hbm4b:s7+s3], $0x80, v4, vm0, $0xb8;
	[tilespmem:$0x18980] =	vst v63  }
0x143: {  	_ = 	snop  }
0x144: {  	[tilespmem:s25], [sflag:$0x2] =	stream.indirect_vreg.gather [hbm4b:s8+s3], $0x80, v4, vm0, $0xb8;
	[tilespmem:$0x18980] =	vst v63  }
0x145: {  	_ =	swait.ge [sflag:s26], $0xC000  }
0x146: {  	[sflag:s26] =	ssyncset.done $0x0  }
0x147: {  	s1 =	rddreg [dreg:$0x5];
	[sflag:s26] =	ssyncadd.s32 $0xFFFF4000  }
0x148: {  	[hbm4b:s1+s3] =	stream.linear.scatter [tilespmem:s17], [sflag:$0x3], $0xC000, $0x38;
	[tilespmem:$0x18980] =	vst v63  }
0x149: {  	v52 =	vld [tilespmem:s4+$0x60];
	_ =	sdelay $0x4  }
0x14a: {  	v4 =	vadd.s32 $0xFFFFFFFF, v52  }
0x14b: {  	v53 =	vsub.s32 $0x0, v4  }
0x14c: {  	v4 =	vmin.u32 v4, v53  }
0x14d: {  	vm1 =	vlt.s32 v4, $0x1  }
0x14e: {  	v4 =	vnsel vm1, $0x1, v4  }
0x14f: {  	[tilespmem:$0x910] =	vst v4  }
0x150: {  	v54 =	vld [tilespmem:$0x90F];
	_ =	sdelay $0x4  }
0x151: {  	v5 =	vadd.s32 v54, v4  }
0x152: {  	[tilespmem:$0x910] =	vst v5  }
0x153: {  	v55 =	vld [tilespmem:$0x90E];
	_ =	sdelay $0x2  }
0x154: {  	(v2sf) =	vpush v3, $0xF;
	_ =	sdelay $0x1  }
0x155: {  	v3 =	vadd.s32 v55, v5  }
0x156: {  	[tilespmem:$0x910] =	vst v3  }
0x157: {  	v56 =	vld [tilespmem:$0x90C];
	_ =	sdelay $0x4  }
0x158: {  	v3 =	vadd.s32 v3, v56  }
0x159: {  	[tilespmem:$0x910] =	vst v3  }
0x15a: {  	v57 =	vld [tilespmem:$0x908];
	_ =	sdelay $0x3  }
0x15b: {  	s1 =	spop (v2sf)  }
0x15c: {  	s0 =	sadd.s32 s0, s1;
	v3 =	vadd.s32 v3, v57  }
0x15d: {  	v5 =	vadd.s32 s0, v3  }
0x15e: {  	v4 =	vmul.u32 v4, v5;
	_ =	sdelay $0x1  }
0x15f: {  	v4 =	vadd.s32 $0x1, v4  }
0x160: {  	[tilespmem:$0x860] =	vst v4  }
0x161: {  	v4 =	vld [tilespmem:s4+$0x70];
	_ =	sdelay $0x4  }
0x162: {  	v4 =	vadd.s32 $0xFFFFFFFF, v4  }
0x163: {  	v58 =	vsub.s32 $0x0, v4  }
0x164: {  	v4 =	vmin.u32 v4, v58  }
0x165: {  	vm1 =	vlt.s32 v4, $0x1  }
0x166: {  	v4 =	vnsel vm1, $0x1, v4  }
0x167: {  	[tilespmem:$0x910] =	vst v4  }
0x168: {  	v59 =	vld [tilespmem:$0x90F];
	_ =	sdelay $0x4  }
0x169: {  	v5 =	vadd.s32 v59, v4  }
0x16a: {  	[tilespmem:$0x910] =	vst v5  }
0x16b: {  	v60 =	vld [tilespmem:$0x90E];
	_ =	sdelay $0x2  }
0x16c: {  	(v2sf) =	vpush v3, $0xF;
	_ =	sdelay $0x1  }
0x16d: {  	v3 =	vadd.s32 v60, v5  }
0x16e: {  	[tilespmem:$0x910] =	vst v3  }
0x16f: {  	v61 =	vld [tilespmem:$0x90C];
	_ =	sdelay $0x4  }
0x170: {  	v3 =	vadd.s32 v3, v61  }
0x171: {  	[tilespmem:$0x910] =	vst v3  }
0x172: {  	v62 =	vld [tilespmem:$0x908];
	_ =	sdelay $0x3  }
0x173: {  	s1 =	spop (v2sf)  }
0x174: {  	s0 =	sadd.s32 s0, s1;
	v3 =	vadd.s32 v3, v62  }
0x175: {  	v5 =	vadd.s32 s0, v3  }
0x176: {  	v4 =	vmul.u32 v4, v5;
	_ =	sdelay $0x1  }
0x177: {  	v4 =	vadd.s32 $0x1, v4  }
0x178: {  	[tilespmem:$0x870] =	vst v4  }
0x179: {  	v4 =	vld [tilespmem:s4+$0x80];
	_ =	sdelay $0x4  }
0x17a: {  	v4 =	vadd.s32 $0xFFFFFFFF, v4  }
0x17b: {  	v63 =	vsub.s32 $0x0, v4  }
0x17c: {  	v4 =	vmin.u32 v4, v63  }
0x17d: {  	vm1 =	vlt.s32 v4, $0x1  }
0x17e: {  	v4 =	vnsel vm1, $0x1, v4  }
0x17f: {  	[tilespmem:$0x910] =	vst v4  }
0x180: {  	v8 =	vld [tilespmem:$0x90F];
	_ =	sdelay $0x4  }
0x181: {  	v5 =	vadd.s32 v8, v4  }
0x182: {  	[tilespmem:$0x910] =	vst v5  }
0x183: {  	v9 =	vld [tilespmem:$0x90E];
	_ =	sdelay $0x2  }
0x184: {  	(v2sf) =	vpush v3, $0xF;
	_ =	sdelay $0x1  }
0x185: {  	v3 =	vadd.s32 v9, v5  }
0x186: {  	[tilespmem:$0x910] =	vst v3  }
0x187: {  	v10 =	vld [tilespmem:$0x90C];
	_ =	sdelay $0x4  }
0x188: {  	v3 =	vadd.s32 v3, v10  }
0x189: {  	[tilespmem:$0x910] =	vst v3  }
0x18a: {  	v11 =	vld [tilespmem:$0x908];
	_ =	sdelay $0x3  }
0x18b: {  	s1 =	spop (v2sf)  }
0x18c: {  	s0 =	sadd.s32 s0, s1;
	v3 =	vadd.s32 v3, v11  }
0x18d: {  	v5 =	vadd.s32 s0, v3  }
0x18e: {  	v4 =	vmul.u32 v4, v5;
	_ =	sdelay $0x1  }
0x18f: {  	v4 =	vadd.s32 $0x1, v4  }
0x190: {  	[tilespmem:$0x880] =	vst v4  }
0x191: {  	_ =	swait.ge [sflag:s28], $0xC000  }
0x192: {  	[sflag:s28] =	ssyncset.done $0x0  }
0x193: {  	[sflag:s28] =	ssyncadd.s32 $0xFFFF4000  }
0x194: {  	v12 =	vld [tilespmem:$0x860];
	_ =	sdelay $0x4  }
0x195: {  	v13 =	vshll.u32 v12, $0x3  }
0x196: {  	v4 =	vand.u32 $0x7, v12;
	v5 =	vand.u32 $0xFFFFFFC0, v13  }
0x197: {  	v4 =	vor.u32 v4, v5  }
0x198: {  	v5 =	vperm.xlane v4, v0;
	_ =	sdelay $0x1  }
0x199: {  	v5 =	vadd.s32 v1, v5;
	_ =	sdelay $0x4  }
0x19a: {  	[tilespmem:s17], [sflag:$0x1] =	stream.indirect_vreg.gather [hbm4b:s2+s3], $0x80, v5, vm0, $0xb8;
	[tilespmem:$0x18980] =	vst v63  }
0x19b: {  	s1 =	simm.s32 $0x1180;
	v4 =	vperm.xlane v4, v2  }
0x19c: {  	[tilespmem:s1], [sflag:$0x1] =	stream.indirect_vreg.gather [hbm4b:s6+s3], $0x80, v5, vm0, $0xb8;
	[tilespmem:$0x18980] =	vst v63  }
0x19d: {  	v4 =	vadd.s32 v1, v4;
	s1 =	simm.s32 $0x1980  }
0x19e: {  	[tilespmem:s1], [sflag:$0x1] =	stream.indirect_vreg.gather [hbm4b:s7+s3], $0x80, v5, vm0, $0xb8;
	[tilespmem:$0x18980] =	vst v63  }
0x19f: {  	s1 =	simm.s32 $0x2180  }
0x1a0: {  	[tilespmem:s1], [sflag:$0x1] =	stream.indirect_vreg.gather [hbm4b:s8+s3], $0x80, v5, vm0, $0xb8;
	[tilespmem:$0x18980] =	vst v63  }
0x1a1: {  	s1 =	simm.s32 $0x2980  }
0x1a2: {  	[tilespmem:s1], [sflag:$0x1] =	stream.indirect_vreg.gather [hbm4b:s2+s3], $0x80, v4, vm0, $0xb8;
	[tilespmem:$0x18980] =	vst v63  }
0x1a3: {  	s1 =	simm.s32 $0x3180  }
0x1a4: {  	[tilespmem:s1], [sflag:$0x1] =	stream.indirect_vreg.gather [hbm4b:s6+s3], $0x80, v4, vm0, $0xb8;
	[tilespmem:$0x18980] =	vst v63  }
0x1a5: {  	s1 =	simm.s32 $0x3980  }
0x1a6: {  	[tilespmem:s1], [sflag:$0x1] =	stream.indirect_vreg.gather [hbm4b:s7+s3], $0x80, v4, vm0, $0xb8;
	[tilespmem:$0x18980] =	vst v63  }
0x1a7: {  	s1 =	simm.s32 $0x4180  }
0x1a8: {  	[tilespmem:s1], [sflag:$0x1] =	stream.indirect_vreg.gather [hbm4b:s8+s3], $0x80, v4, vm0, $0xb8;
	[tilespmem:$0x18980] =	vst v63  }
0x1a9: {  	v4 =	vld [tilespmem:$0x870];
	_ =	sdelay $0x4  }
0x1aa: {  	v14 =	vshll.u32 v4, $0x3  }
0x1ab: {  	v4 =	vand.u32 $0x7, v4;
	v5 =	vand.u32 $0xFFFFFFC0, v14  }
0x1ac: {  	v4 =	vor.u32 v4, v5  }
0x1ad: {  	v5 =	vperm.xlane v4, v0;
	_ =	sdelay $0x1  }
0x1ae: {  	v5 =	vadd.s32 v1, v5;
	_ =	sdelay $0x3  }
0x1af: {  	s1 =	simm.s32 $0x4980  }
0x1b0: {  	[tilespmem:s1], [sflag:$0x1] =	stream.indirect_vreg.gather [hbm4b:s2+s3], $0x80, v5, vm0, $0xb8;
	[tilespmem:$0x18980] =	vst v63  }
0x1b1: {  	v4 =	vperm.xlane v4, v2;
	s1 =	simm.s32 $0x5180  }
0x1b2: {  	[tilespmem:s1], [sflag:$0x1] =	stream.indirect_vreg.gather [hbm4b:s6+s3], $0x80, v5, vm0, $0xb8;
	[tilespmem:$0x18980] =	vst v63  }
0x1b3: {  	v4 =	vadd.s32 v1, v4;
	s1 =	simm.s32 $0x5980  }
0x1b4: {  	[tilespmem:s1], [sflag:$0x1] =	stream.indirect_vreg.gather [hbm4b:s7+s3], $0x80, v5, vm0, $0xb8;
	[tilespmem:$0x18980] =	vst v63  }
0x1b5: {  	s1 =	simm.s32 $0x6180  }
0x1b6: {  	[tilespmem:s1], [sflag:$0x1] =	stream.indirect_vreg.gather [hbm4b:s8+s3], $0x80, v5, vm0, $0xb8;
	[tilespmem:$0x18980] =	vst v63  }
0x1b7: {  	s1 =	simm.s32 $0x6980  }
0x1b8: {  	[tilespmem:s1], [sflag:$0x1] =	stream.indirect_vreg.gather [hbm4b:s2+s3], $0x80, v4, vm0, $0xb8;
	[tilespmem:$0x18980] =	vst v63  }
0x1b9: {  	s1 =	simm.s32 $0x7180  }
0x1ba: {  	[tilespmem:s1], [sflag:$0x1] =	stream.indirect_vreg.gather [hbm4b:s6+s3], $0x80, v4, vm0, $0xb8;
	[tilespmem:$0x18980] =	vst v63  }
0x1bb: {  	s1 =	simm.s32 $0x7980  }
0x1bc: {  	[tilespmem:s1], [sflag:$0x1] =	stream.indirect_vreg.gather [hbm4b:s7+s3], $0x80, v4, vm0, $0xb8;
	[tilespmem:$0x18980] =	vst v63  }
0x1bd: {  	s1 =	simm.s32 $0x8180  }
0x1be: {  	[tilespmem:s1], [sflag:$0x1] =	stream.indirect_vreg.gather [hbm4b:s8+s3], $0x80, v4, vm0, $0xb8;
	[tilespmem:$0x18980] =	vst v63  }
0x1bf: {  	v4 =	vld [tilespmem:$0x880];
	_ =	sdelay $0x4  }
0x1c0: {  	v15 =	vshll.u32 v4, $0x3  }
0x1c1: {  	v4 =	vand.u32 $0x7, v4;
	v5 =	vand.u32 $0xFFFFFFC0, v15  }
0x1c2: {  	v4 =	vor.u32 v4, v5  }
0x1c3: {  	v5 =	vperm.xlane v4, v0;
	_ =	sdelay $0x1  }
0x1c4: {  	v5 =	vadd.s32 v1, v5;
	_ =	sdelay $0x3  }
0x1c5: {  	s1 =	simm.s32 $0x8980  }
0x1c6: {  	[tilespmem:s1], [sflag:$0x1] =	stream.indirect_vreg.gather [hbm4b:s2+s3], $0x80, v5, vm0, $0xb8;
	[tilespmem:$0x18980] =	vst v63  }
0x1c7: {  	v4 =	vperm.xlane v4, v2;
	s1 =	simm.s32 $0x9180  }
0x1c8: {  	[tilespmem:s1], [sflag:$0x1] =	stream.indirect_vreg.gather [hbm4b:s6+s3], $0x80, v5, vm0, $0xb8;
	[tilespmem:$0x18980] =	vst v63  }
0x1c9: {  	v4 =	vadd.s32 v1, v4;
	s1 =	simm.s32 $0x9980  }
0x1ca: {  	[tilespmem:s1], [sflag:$0x1] =	stream.indirect_vreg.gather [hbm4b:s7+s3], $0x80, v5, vm0, $0xb8;
	[tilespmem:$0x18980] =	vst v63  }
0x1cb: {  	s1 =	simm.s32 $0xA180  }
0x1cc: {  	[tilespmem:s1], [sflag:$0x1] =	stream.indirect_vreg.gather [hbm4b:s8+s3], $0x80, v5, vm0, $0xb8;
	[tilespmem:$0x18980] =	vst v63  }
0x1cd: {  	s1 =	simm.s32 $0xA980  }
0x1ce: {  	[tilespmem:s1], [sflag:$0x1] =	stream.indirect_vreg.gather [hbm4b:s2+s3], $0x80, v4, vm0, $0xb8;
	[tilespmem:$0x18980] =	vst v63  }
0x1cf: {  	s1 =	simm.s32 $0xB180  }
0x1d0: {  	[tilespmem:s1], [sflag:$0x1] =	stream.indirect_vreg.gather [hbm4b:s6+s3], $0x80, v4, vm0, $0xb8;
	[tilespmem:$0x18980] =	vst v63  }
0x1d1: {  	s1 =	simm.s32 $0xB980  }
0x1d2: {  	[tilespmem:s1], [sflag:$0x1] =	stream.indirect_vreg.gather [hbm4b:s7+s3], $0x80, v4, vm0, $0xb8;
	[tilespmem:$0x18980] =	vst v63  }
0x1d3: {  	s1 =	simm.s32 $0xC180  }
0x1d4: {  	[tilespmem:s1], [sflag:$0x1] =	stream.indirect_vreg.gather [hbm4b:s8+s3], $0x80, v4, vm0, $0xb8;
	[tilespmem:$0x18980] =	vst v63  }
0x1d5: {  	_ =	swait.ge [sflag:s29], $0xC000  }
0x1d6: {  	[sflag:s29] =	ssyncset.done $0x0  }
0x1d7: {  	s1 =	rddreg [dreg:$0x6];
	[sflag:s29] =	ssyncadd.s32 $0xFFFF4000  }
0x1d8: {  	[hbm4b:s1+s3] =	stream.linear.scatter [tilespmem:s5], [sflag:$0x4], $0xC000, $0x38;
	[tilespmem:$0x18980] =	vst v63  }
0x1d9: {  	v16 =	vld [tilespmem:s4+$0x90];
	_ =	sdelay $0x4  }
0x1da: {  	v4 =	vadd.s32 $0xFFFFFFFF, v16  }
0x1db: {  	v17 =	vsub.s32 $0x0, v4  }
0x1dc: {  	v4 =	vmin.u32 v4, v17  }
0x1dd: {  	vm1 =	vlt.s32 v4, $0x1  }
0x1de: {  	v4 =	vnsel vm1, $0x1, v4  }
0x1df: {  	[tilespmem:$0x910] =	vst v4  }
0x1e0: {  	v18 =	vld [tilespmem:$0x90F];
	_ =	sdelay $0x4  }
0x1e1: {  	v5 =	vadd.s32 v18, v4  }
0x1e2: {  	[tilespmem:$0x910] =	vst v5  }
0x1e3: {  	v19 =	vld [tilespmem:$0x90E];
	_ =	sdelay $0x2  }
0x1e4: {  	(v2sf) =	vpush v3, $0xF;
	_ =	sdelay $0x1  }
0x1e5: {  	v3 =	vadd.s32 v19, v5  }
0x1e6: {  	[tilespmem:$0x910] =	vst v3  }
0x1e7: {  	v20 =	vld [tilespmem:$0x90C];
	_ =	sdelay $0x4  }
0x1e8: {  	v3 =	vadd.s32 v3, v20  }
0x1e9: {  	[tilespmem:$0x910] =	vst v3  }
0x1ea: {  	v21 =	vld [tilespmem:$0x908];
	_ =	sdelay $0x3  }
0x1eb: {  	s1 =	spop (v2sf)  }
0x1ec: {  	s0 =	sadd.s32 s0, s1;
	v3 =	vadd.s32 v3, v21  }
0x1ed: {  	v5 =	vadd.s32 s0, v3  }
0x1ee: {  	v4 =	vmul.u32 v4, v5;
	_ =	sdelay $0x1  }
0x1ef: {  	v4 =	vadd.s32 $0x1, v4  }
0x1f0: {  	[tilespmem:$0x890] =	vst v4  }
0x1f1: {  	v4 =	vld [tilespmem:s4+$0xA0];
	_ =	sdelay $0x4  }
0x1f2: {  	v4 =	vadd.s32 $0xFFFFFFFF, v4  }
0x1f3: {  	v22 =	vsub.s32 $0x0, v4  }
0x1f4: {  	v4 =	vmin.u32 v4, v22  }
0x1f5: {  	vm1 =	vlt.s32 v4, $0x1  }
0x1f6: {  	v4 =	vnsel vm1, $0x1, v4  }
0x1f7: {  	[tilespmem:$0x910] =	vst v4  }
0x1f8: {  	v23 =	vld [tilespmem:$0x90F];
	_ =	sdelay $0x4  }
0x1f9: {  	v5 =	vadd.s32 v23, v4  }
0x1fa: {  	[tilespmem:$0x910] =	vst v5  }
0x1fb: {  	v24 =	vld [tilespmem:$0x90E];
	_ =	sdelay $0x2  }
0x1fc: {  	(v2sf) =	vpush v3, $0xF;
	_ =	sdelay $0x1  }
0x1fd: {  	v3 =	vadd.s32 v24, v5  }
0x1fe: {  	[tilespmem:$0x910] =	vst v3  }
0x1ff: {  	v25 =	vld [tilespmem:$0x90C];
	_ =	sdelay $0x4  }
0x200: {  	v3 =	vadd.s32 v3, v25  }
0x201: {  	[tilespmem:$0x910] =	vst v3  }
0x202: {  	v26 =	vld [tilespmem:$0x908];
	_ =	sdelay $0x3  }
0x203: {  	s1 =	spop (v2sf)  }
0x204: {  	s0 =	sadd.s32 s0, s1;
	v3 =	vadd.s32 v3, v26  }
0x205: {  	v5 =	vadd.s32 s0, v3  }
0x206: {  	v4 =	vmul.u32 v4, v5;
	_ =	sdelay $0x1  }
0x207: {  	v4 =	vadd.s32 $0x1, v4  }
0x208: {  	[tilespmem:$0x8A0] =	vst v4  }
0x209: {  	v4 =	vld [tilespmem:s4+$0xB0];
	_ =	sdelay $0x4  }
0x20a: {  	v4 =	vadd.s32 $0xFFFFFFFF, v4  }
0x20b: {  	v27 =	vsub.s32 $0x0, v4  }
0x20c: {  	v4 =	vmin.u32 v4, v27  }
0x20d: {  	vm1 =	vlt.s32 v4, $0x1  }
0x20e: {  	v4 =	vnsel vm1, $0x1, v4  }
0x20f: {  	[tilespmem:$0x910] =	vst v4  }
0x210: {  	v28 =	vld [tilespmem:$0x90F];
	_ =	sdelay $0x4  }
0x211: {  	v5 =	vadd.s32 v28, v4  }
0x212: {  	[tilespmem:$0x910] =	vst v5  }
0x213: {  	v29 =	vld [tilespmem:$0x90E];
	_ =	sdelay $0x2  }
0x214: {  	(v2sf) =	vpush v3, $0xF;
	_ =	sdelay $0x1  }
0x215: {  	v3 =	vadd.s32 v29, v5  }
0x216: {  	[tilespmem:$0x910] =	vst v3  }
0x217: {  	v30 =	vld [tilespmem:$0x90C];
	_ =	sdelay $0x4  }
0x218: {  	v3 =	vadd.s32 v3, v30  }
0x219: {  	[tilespmem:$0x910] =	vst v3  }
0x21a: {  	v31 =	vld [tilespmem:$0x908];
	_ =	sdelay $0x3  }
0x21b: {  	s1 =	spop (v2sf)  }
0x21c: {  	s0 =	sadd.s32 s0, s1;
	v3 =	vadd.s32 v3, v31  }
0x21d: {  	v5 =	vadd.s32 s0, v3  }
0x21e: {  	v4 =	vmul.u32 v4, v5;
	_ =	sdelay $0x1  }
0x21f: {  	v4 =	vadd.s32 $0x1, v4  }
0x220: {  	[tilespmem:$0x8B0] =	vst v4  }
0x221: {  	_ =	swait.ge [sflag:s30], $0xC000  }
0x222: {  	[sflag:s30] =	ssyncset.done $0x0  }
0x223: {  	[sflag:s30] =	ssyncadd.s32 $0xFFFF4000  }
0x224: {  	v32 =	vld [tilespmem:$0x890];
	_ =	sdelay $0x4  }
0x225: {  	v33 =	vshll.u32 v32, $0x3  }
0x226: {  	v4 =	vand.u32 $0x7, v32;
	v5 =	vand.u32 $0xFFFFFFC0, v33  }
0x227: {  	v4 =	vor.u32 v4, v5  }
0x228: {  	v5 =	vperm.xlane v4, v0;
	_ =	sdelay $0x1  }
0x229: {  	v5 =	vadd.s32 v1, v5;
	_ =	sdelay $0x4  }
0x22a: {  	[tilespmem:s5], [sflag:$0x2] =	stream.indirect_vreg.gather [hbm4b:s2+s3], $0x80, v5, vm0, $0xb8;
	[tilespmem:$0x18980] =	vst v63  }
0x22b: {  	s1 =	simm.s32 $0xD180;
	v4 =	vperm.xlane v4, v2  }
0x22c: {  	[tilespmem:s1], [sflag:$0x2] =	stream.indirect_vreg.gather [hbm4b:s6+s3], $0x80, v5, vm0, $0xb8;
	[tilespmem:$0x18980] =	vst v63  }
0x22d: {  	v4 =	vadd.s32 v1, v4;
	s1 =	simm.s32 $0xD980  }
0x22e: {  	[tilespmem:s1], [sflag:$0x2] =	stream.indirect_vreg.gather [hbm4b:s7+s3], $0x80, v5, vm0, $0xb8;
	[tilespmem:$0x18980] =	vst v63  }
0x22f: {  	s1 =	simm.s32 $0xE180  }
0x230: {  	[tilespmem:s1], [sflag:$0x2] =	stream.indirect_vreg.gather [hbm4b:s8+s3], $0x80, v5, vm0, $0xb8;
	[tilespmem:$0x18980] =	vst v63  }
0x231: {  	s1 =	simm.s32 $0xE980  }
0x232: {  	[tilespmem:s1], [sflag:$0x2] =	stream.indirect_vreg.gather [hbm4b:s2+s3], $0x80, v4, vm0, $0xb8;
	[tilespmem:$0x18980] =	vst v63  }
0x233: {  	s1 =	simm.s32 $0xF180  }
0x234: {  	[tilespmem:s1], [sflag:$0x2] =	stream.indirect_vreg.gather [hbm4b:s6+s3], $0x80, v4, vm0, $0xb8;
	[tilespmem:$0x18980] =	vst v63  }
0x235: {  	s1 =	simm.s32 $0xF980  }
0x236: {  	[tilespmem:s1], [sflag:$0x2] =	stream.indirect_vreg.gather [hbm4b:s7+s3], $0x80, v4, vm0, $0xb8;
	[tilespmem:$0x18980] =	vst v63  }
0x237: {  	s1 =	simm.s32 $0x10180  }
0x238: {  	[tilespmem:s1], [sflag:$0x2] =	stream.indirect_vreg.gather [hbm4b:s8+s3], $0x80, v4, vm0, $0xb8;
	[tilespmem:$0x18980] =	vst v63  }
0x239: {  	v4 =	vld [tilespmem:$0x8A0];
	_ =	sdelay $0x4  }
0x23a: {  	v34 =	vshll.u32 v4, $0x3  }
0x23b: {  	v4 =	vand.u32 $0x7, v4;
	v5 =	vand.u32 $0xFFFFFFC0, v34  }
0x23c: {  	v4 =	vor.u32 v4, v5  }
0x23d: {  	v5 =	vperm.xlane v4, v0;
	_ =	sdelay $0x1  }
0x23e: {  	v5 =	vadd.s32 v1, v5;
	_ =	sdelay $0x4  }
0x23f: {  	[tilespmem:s9], [sflag:$0x2] =	stream.indirect_vreg.gather [hbm4b:s2+s3], $0x80, v5, vm0, $0xb8;
	[tilespmem:$0x18980] =	vst v63  }
0x240: {  	v4 =	vperm.xlane v4, v2  }
0x241: {  	[tilespmem:s10], [sflag:$0x2] =	stream.indirect_vreg.gather [hbm4b:s6+s3], $0x80, v5, vm0, $0xb8;
	[tilespmem:$0x18980] =	vst v63  }
0x242: {  	v4 =	vadd.s32 v1, v4  }
0x243: {  	[tilespmem:s11], [sflag:$0x2] =	stream.indirect_vreg.gather [hbm4b:s7+s3], $0x80, v5, vm0, $0xb8;
	[tilespmem:$0x18980] =	vst v63  }
0x244: {  	_ = 	snop  }
0x245: {  	[tilespmem:s12], [sflag:$0x2] =	stream.indirect_vreg.gather [hbm4b:s8+s3], $0x80, v5, vm0, $0xb8;
	[tilespmem:$0x18980] =	vst v63  }
0x246: {  	_ = 	snop  }
0x247: {  	[tilespmem:s13], [sflag:$0x2] =	stream.indirect_vreg.gather [hbm4b:s2+s3], $0x80, v4, vm0, $0xb8;
	[tilespmem:$0x18980] =	vst v63  }
0x248: {  	_ = 	snop  }
0x249: {  	[tilespmem:s14], [sflag:$0x2] =	stream.indirect_vreg.gather [hbm4b:s6+s3], $0x80, v4, vm0, $0xb8;
	[tilespmem:$0x18980] =	vst v63  }
0x24a: {  	_ = 	snop  }
0x24b: {  	[tilespmem:s15], [sflag:$0x2] =	stream.indirect_vreg.gather [hbm4b:s7+s3], $0x80, v4, vm0, $0xb8;
	[tilespmem:$0x18980] =	vst v63  }
0x24c: {  	_ = 	snop  }
0x24d: {  	[tilespmem:s16], [sflag:$0x2] =	stream.indirect_vreg.gather [hbm4b:s8+s3], $0x80, v4, vm0, $0xb8;
	[tilespmem:$0x18980] =	vst v63  }
0x24e: {  	v4 =	vld [tilespmem:$0x8B0];
	_ =	sdelay $0x4  }
0x24f: {  	v35 =	vshll.u32 v4, $0x3  }
0x250: {  	v4 =	vand.u32 $0x7, v4;
	v5 =	vand.u32 $0xFFFFFFC0, v35  }
0x251: {  	v4 =	vor.u32 v4, v5  }
0x252: {  	v5 =	vperm.xlane v4, v0;
	_ =	sdelay $0x1  }
0x253: {  	v5 =	vadd.s32 v1, v5;
	_ =	sdelay $0x4  }
0x254: {  	[tilespmem:s18], [sflag:$0x2] =	stream.indirect_vreg.gather [hbm4b:s2+s3], $0x80, v5, vm0, $0xb8;
	[tilespmem:$0x18980] =	vst v63  }
0x255: {  	v4 =	vperm.xlane v4, v2  }
0x256: {  	[tilespmem:s19], [sflag:$0x2] =	stream.indirect_vreg.gather [hbm4b:s6+s3], $0x80, v5, vm0, $0xb8;
	[tilespmem:$0x18980] =	vst v63  }
0x257: {  	v4 =	vadd.s32 v1, v4  }
0x258: {  	[tilespmem:s20], [sflag:$0x2] =	stream.indirect_vreg.gather [hbm4b:s7+s3], $0x80, v5, vm0, $0xb8;
	[tilespmem:$0x18980] =	vst v63  }
0x259: {  	_ = 	snop  }
0x25a: {  	[tilespmem:s21], [sflag:$0x2] =	stream.indirect_vreg.gather [hbm4b:s8+s3], $0x80, v5, vm0, $0xb8;
	[tilespmem:$0x18980] =	vst v63  }
0x25b: {  	_ = 	snop  }
0x25c: {  	[tilespmem:s22], [sflag:$0x2] =	stream.indirect_vreg.gather [hbm4b:s2+s3], $0x80, v4, vm0, $0xb8;
	[tilespmem:$0x18980] =	vst v63  }
0x25d: {  	_ = 	snop  }
0x25e: {  	[tilespmem:s23], [sflag:$0x2] =	stream.indirect_vreg.gather [hbm4b:s6+s3], $0x80, v4, vm0, $0xb8;
	[tilespmem:$0x18980] =	vst v63  }
0x25f: {  	_ = 	snop  }
0x260: {  	[tilespmem:s24], [sflag:$0x2] =	stream.indirect_vreg.gather [hbm4b:s7+s3], $0x80, v4, vm0, $0xb8;
	[tilespmem:$0x18980] =	vst v63  }
0x261: {  	_ = 	snop  }
0x262: {  	[tilespmem:s25], [sflag:$0x2] =	stream.indirect_vreg.gather [hbm4b:s8+s3], $0x80, v4, vm0, $0xb8;
	[tilespmem:$0x18980] =	vst v63  }
0x263: {  	_ =	swait.ge [sflag:s26], $0xC000  }
0x264: {  	[sflag:s26] =	ssyncset.done $0x0  }
0x265: {  	s1 =	rddreg [dreg:$0x7];
	[sflag:s26] =	ssyncadd.s32 $0xFFFF4000  }
0x266: {  	[hbm4b:s1+s3] =	stream.linear.scatter [tilespmem:s17], [sflag:$0x3], $0xC000, $0x38;
	[tilespmem:$0x18980] =	vst v63  }
0x267: {  	v36 =	vld [tilespmem:s4+$0xC0];
	_ =	sdelay $0x4  }
0x268: {  	v4 =	vadd.s32 $0xFFFFFFFF, v36  }
0x269: {  	v37 =	vsub.s32 $0x0, v4  }
0x26a: {  	v4 =	vmin.u32 v4, v37  }
0x26b: {  	vm1 =	vlt.s32 v4, $0x1  }
0x26c: {  	v4 =	vnsel vm1, $0x1, v4  }
0x26d: {  	[tilespmem:$0x910] =	vst v4  }
0x26e: {  	v38 =	vld [tilespmem:$0x90F];
	_ =	sdelay $0x4  }
0x26f: {  	v5 =	vadd.s32 v38, v4  }
0x270: {  	[tilespmem:$0x910] =	vst v5  }
0x271: {  	v39 =	vld [tilespmem:$0x90E];
	_ =	sdelay $0x2  }
0x272: {  	(v2sf) =	vpush v3, $0xF;
	_ =	sdelay $0x1  }
0x273: {  	v3 =	vadd.s32 v39, v5  }
0x274: {  	[tilespmem:$0x910] =	vst v3  }
0x275: {  	v40 =	vld [tilespmem:$0x90C];
	_ =	sdelay $0x4  }
0x276: {  	v3 =	vadd.s32 v3, v40  }
0x277: {  	[tilespmem:$0x910] =	vst v3  }
0x278: {  	v41 =	vld [tilespmem:$0x908];
	_ =	sdelay $0x3  }
0x279: {  	s1 =	spop (v2sf)  }
0x27a: {  	s0 =	sadd.s32 s0, s1;
	v3 =	vadd.s32 v3, v41  }
0x27b: {  	v5 =	vadd.s32 s0, v3  }
0x27c: {  	v4 =	vmul.u32 v4, v5;
	_ =	sdelay $0x1  }
0x27d: {  	v4 =	vadd.s32 $0x1, v4  }
0x27e: {  	[tilespmem:$0x8C0] =	vst v4  }
0x27f: {  	v4 =	vld [tilespmem:s4+$0xD0];
	_ =	sdelay $0x4  }
0x280: {  	v4 =	vadd.s32 $0xFFFFFFFF, v4  }
0x281: {  	v42 =	vsub.s32 $0x0, v4  }
0x282: {  	v4 =	vmin.u32 v4, v42  }
0x283: {  	vm1 =	vlt.s32 v4, $0x1  }
0x284: {  	v4 =	vnsel vm1, $0x1, v4  }
0x285: {  	[tilespmem:$0x910] =	vst v4  }
0x286: {  	v43 =	vld [tilespmem:$0x90F];
	_ =	sdelay $0x4  }
0x287: {  	v5 =	vadd.s32 v43, v4  }
0x288: {  	[tilespmem:$0x910] =	vst v5  }
0x289: {  	v44 =	vld [tilespmem:$0x90E];
	_ =	sdelay $0x2  }
0x28a: {  	(v2sf) =	vpush v3, $0xF;
	_ =	sdelay $0x1  }
0x28b: {  	v3 =	vadd.s32 v44, v5  }
0x28c: {  	[tilespmem:$0x910] =	vst v3  }
0x28d: {  	v45 =	vld [tilespmem:$0x90C];
	_ =	sdelay $0x4  }
0x28e: {  	v3 =	vadd.s32 v3, v45  }
0x28f: {  	[tilespmem:$0x910] =	vst v3  }
0x290: {  	v46 =	vld [tilespmem:$0x908];
	_ =	sdelay $0x3  }
0x291: {  	s1 =	spop (v2sf)  }
0x292: {  	s0 =	sadd.s32 s0, s1;
	v3 =	vadd.s32 v3, v46  }
0x293: {  	v5 =	vadd.s32 s0, v3  }
0x294: {  	v4 =	vmul.u32 v4, v5;
	_ =	sdelay $0x1  }
0x295: {  	v4 =	vadd.s32 $0x1, v4  }
0x296: {  	[tilespmem:$0x8D0] =	vst v4  }
0x297: {  	v4 =	vld [tilespmem:s4+$0xE0];
	_ =	sdelay $0x4  }
0x298: {  	v4 =	vadd.s32 $0xFFFFFFFF, v4  }
0x299: {  	v47 =	vsub.s32 $0x0, v4  }
0x29a: {  	v4 =	vmin.u32 v4, v47  }
0x29b: {  	vm1 =	vlt.s32 v4, $0x1  }
0x29c: {  	v4 =	vnsel vm1, $0x1, v4  }
0x29d: {  	[tilespmem:$0x910] =	vst v4  }
0x29e: {  	v48 =	vld [tilespmem:$0x90F];
	_ =	sdelay $0x4  }
0x29f: {  	v5 =	vadd.s32 v48, v4  }
0x2a0: {  	[tilespmem:$0x910] =	vst v5  }
0x2a1: {  	v49 =	vld [tilespmem:$0x90E];
	_ =	sdelay $0x2  }
0x2a2: {  	(v2sf) =	vpush v3, $0xF;
	_ =	sdelay $0x1  }
0x2a3: {  	v3 =	vadd.s32 v49, v5  }
0x2a4: {  	[tilespmem:$0x910] =	vst v3  }
0x2a5: {  	v50 =	vld [tilespmem:$0x90C];
	_ =	sdelay $0x4  }
0x2a6: {  	v3 =	vadd.s32 v3, v50  }
0x2a7: {  	[tilespmem:$0x910] =	vst v3  }
0x2a8: {  	v51 =	vld [tilespmem:$0x908];
	_ =	sdelay $0x3  }
0x2a9: {  	s1 =	spop (v2sf)  }
0x2aa: {  	s0 =	sadd.s32 s0, s1;
	v3 =	vadd.s32 v3, v51  }
0x2ab: {  	v5 =	vadd.s32 s0, v3  }
0x2ac: {  	v4 =	vmul.u32 v4, v5;
	_ =	sdelay $0x1  }
0x2ad: {  	v4 =	vadd.s32 $0x1, v4  }
0x2ae: {  	[tilespmem:$0x8E0] =	vst v4  }
0x2af: {  	_ =	swait.ge [sflag:s28], $0xC000  }
0x2b0: {  	[sflag:s28] =	ssyncset.done $0x0  }
0x2b1: {  	[sflag:s28] =	ssyncadd.s32 $0xFFFF4000  }
0x2b2: {  	v52 =	vld [tilespmem:$0x8C0];
	_ =	sdelay $0x4  }
0x2b3: {  	v53 =	vshll.u32 v52, $0x3  }
0x2b4: {  	v4 =	vand.u32 $0x7, v52;
	v5 =	vand.u32 $0xFFFFFFC0, v53  }
0x2b5: {  	v4 =	vor.u32 v4, v5  }
0x2b6: {  	v5 =	vperm.xlane v4, v0;
	_ =	sdelay $0x1  }
0x2b7: {  	v5 =	vadd.s32 v1, v5;
	_ =	sdelay $0x4  }
0x2b8: {  	[tilespmem:s17], [sflag:$0x1] =	stream.indirect_vreg.gather [hbm4b:s2+s3], $0x80, v5, vm0, $0xb8;
	[tilespmem:$0x18980] =	vst v63  }
0x2b9: {  	s1 =	simm.s32 $0x1180;
	v4 =	vperm.xlane v4, v2  }
0x2ba: {  	[tilespmem:s1], [sflag:$0x1] =	stream.indirect_vreg.gather [hbm4b:s6+s3], $0x80, v5, vm0, $0xb8;
	[tilespmem:$0x18980] =	vst v63  }
0x2bb: {  	v4 =	vadd.s32 v1, v4;
	s1 =	simm.s32 $0x1980  }
0x2bc: {  	[tilespmem:s1], [sflag:$0x1] =	stream.indirect_vreg.gather [hbm4b:s7+s3], $0x80, v5, vm0, $0xb8;
	[tilespmem:$0x18980] =	vst v63  }
0x2bd: {  	s1 =	simm.s32 $0x2180  }
0x2be: {  	[tilespmem:s1], [sflag:$0x1] =	stream.indirect_vreg.gather [hbm4b:s8+s3], $0x80, v5, vm0, $0xb8;
	[tilespmem:$0x18980] =	vst v63  }
0x2bf: {  	s1 =	simm.s32 $0x2980  }
0x2c0: {  	[tilespmem:s1], [sflag:$0x1] =	stream.indirect_vreg.gather [hbm4b:s2+s3], $0x80, v4, vm0, $0xb8;
	[tilespmem:$0x18980] =	vst v63  }
0x2c1: {  	s1 =	simm.s32 $0x3180  }
0x2c2: {  	[tilespmem:s1], [sflag:$0x1] =	stream.indirect_vreg.gather [hbm4b:s6+s3], $0x80, v4, vm0, $0xb8;
	[tilespmem:$0x18980] =	vst v63  }
0x2c3: {  	s1 =	simm.s32 $0x3980  }
0x2c4: {  	[tilespmem:s1], [sflag:$0x1] =	stream.indirect_vreg.gather [hbm4b:s7+s3], $0x80, v4, vm0, $0xb8;
	[tilespmem:$0x18980] =	vst v63  }
0x2c5: {  	s1 =	simm.s32 $0x4180  }
0x2c6: {  	[tilespmem:s1], [sflag:$0x1] =	stream.indirect_vreg.gather [hbm4b:s8+s3], $0x80, v4, vm0, $0xb8;
	[tilespmem:$0x18980] =	vst v63  }
0x2c7: {  	v4 =	vld [tilespmem:$0x8D0];
	_ =	sdelay $0x4  }
0x2c8: {  	v54 =	vshll.u32 v4, $0x3  }
0x2c9: {  	v4 =	vand.u32 $0x7, v4;
	v5 =	vand.u32 $0xFFFFFFC0, v54  }
0x2ca: {  	v4 =	vor.u32 v4, v5  }
0x2cb: {  	v5 =	vperm.xlane v4, v0;
	_ =	sdelay $0x1  }
0x2cc: {  	v5 =	vadd.s32 v1, v5;
	_ =	sdelay $0x3  }
0x2cd: {  	s1 =	simm.s32 $0x4980  }
0x2ce: {  	[tilespmem:s1], [sflag:$0x1] =	stream.indirect_vreg.gather [hbm4b:s2+s3], $0x80, v5, vm0, $0xb8;
	[tilespmem:$0x18980] =	vst v63  }
0x2cf: {  	v4 =	vperm.xlane v4, v2;
	s1 =	simm.s32 $0x5180  }
0x2d0: {  	[tilespmem:s1], [sflag:$0x1] =	stream.indirect_vreg.gather [hbm4b:s6+s3], $0x80, v5, vm0, $0xb8;
	[tilespmem:$0x18980] =	vst v63  }
0x2d1: {  	v4 =	vadd.s32 v1, v4;
	s1 =	simm.s32 $0x5980  }
0x2d2: {  	[tilespmem:s1], [sflag:$0x1] =	stream.indirect_vreg.gather [hbm4b:s7+s3], $0x80, v5, vm0, $0xb8;
	[tilespmem:$0x18980] =	vst v63  }
0x2d3: {  	s1 =	simm.s32 $0x6180  }
0x2d4: {  	[tilespmem:s1], [sflag:$0x1] =	stream.indirect_vreg.gather [hbm4b:s8+s3], $0x80, v5, vm0, $0xb8;
	[tilespmem:$0x18980] =	vst v63  }
0x2d5: {  	s1 =	simm.s32 $0x6980  }
0x2d6: {  	[tilespmem:s1], [sflag:$0x1] =	stream.indirect_vreg.gather [hbm4b:s2+s3], $0x80, v4, vm0, $0xb8;
	[tilespmem:$0x18980] =	vst v63  }
0x2d7: {  	s1 =	simm.s32 $0x7180  }
0x2d8: {  	[tilespmem:s1], [sflag:$0x1] =	stream.indirect_vreg.gather [hbm4b:s6+s3], $0x80, v4, vm0, $0xb8;
	[tilespmem:$0x18980] =	vst v63  }
0x2d9: {  	s1 =	simm.s32 $0x7980  }
0x2da: {  	[tilespmem:s1], [sflag:$0x1] =	stream.indirect_vreg.gather [hbm4b:s7+s3], $0x80, v4, vm0, $0xb8;
	[tilespmem:$0x18980] =	vst v63  }
0x2db: {  	s1 =	simm.s32 $0x8180  }
0x2dc: {  	[tilespmem:s1], [sflag:$0x1] =	stream.indirect_vreg.gather [hbm4b:s8+s3], $0x80, v4, vm0, $0xb8;
	[tilespmem:$0x18980] =	vst v63  }
0x2dd: {  	v4 =	vld [tilespmem:$0x8E0];
	_ =	sdelay $0x4  }
0x2de: {  	v55 =	vshll.u32 v4, $0x3  }
0x2df: {  	v4 =	vand.u32 $0x7, v4;
	v5 =	vand.u32 $0xFFFFFFC0, v55  }
0x2e0: {  	v4 =	vor.u32 v4, v5  }
0x2e1: {  	v5 =	vperm.xlane v4, v0;
	_ =	sdelay $0x1  }
0x2e2: {  	v5 =	vadd.s32 v1, v5;
	_ =	sdelay $0x3  }
0x2e3: {  	s1 =	simm.s32 $0x8980  }
0x2e4: {  	[tilespmem:s1], [sflag:$0x1] =	stream.indirect_vreg.gather [hbm4b:s2+s3], $0x80, v5, vm0, $0xb8;
	[tilespmem:$0x18980] =	vst v63  }
0x2e5: {  	v4 =	vperm.xlane v4, v2;
	s1 =	simm.s32 $0x9180  }
0x2e6: {  	[tilespmem:s1], [sflag:$0x1] =	stream.indirect_vreg.gather [hbm4b:s6+s3], $0x80, v5, vm0, $0xb8;
	[tilespmem:$0x18980] =	vst v63  }
0x2e7: {  	v4 =	vadd.s32 v1, v4;
	s1 =	simm.s32 $0x9980  }
0x2e8: {  	[tilespmem:s1], [sflag:$0x1] =	stream.indirect_vreg.gather [hbm4b:s7+s3], $0x80, v5, vm0, $0xb8;
	[tilespmem:$0x18980] =	vst v63  }
0x2e9: {  	s1 =	simm.s32 $0xA180  }
0x2ea: {  	[tilespmem:s1], [sflag:$0x1] =	stream.indirect_vreg.gather [hbm4b:s8+s3], $0x80, v5, vm0, $0xb8;
	[tilespmem:$0x18980] =	vst v63  }
0x2eb: {  	s1 =	simm.s32 $0xA980  }
0x2ec: {  	[tilespmem:s1], [sflag:$0x1] =	stream.indirect_vreg.gather [hbm4b:s2+s3], $0x80, v4, vm0, $0xb8;
	[tilespmem:$0x18980] =	vst v63  }
0x2ed: {  	s1 =	simm.s32 $0xB180  }
0x2ee: {  	[tilespmem:s1], [sflag:$0x1] =	stream.indirect_vreg.gather [hbm4b:s6+s3], $0x80, v4, vm0, $0xb8;
	[tilespmem:$0x18980] =	vst v63  }
0x2ef: {  	s1 =	simm.s32 $0xB980  }
0x2f0: {  	[tilespmem:s1], [sflag:$0x1] =	stream.indirect_vreg.gather [hbm4b:s7+s3], $0x80, v4, vm0, $0xb8;
	[tilespmem:$0x18980] =	vst v63  }
0x2f1: {  	s1 =	simm.s32 $0xC180  }
0x2f2: {  	[tilespmem:s1], [sflag:$0x1] =	stream.indirect_vreg.gather [hbm4b:s8+s3], $0x80, v4, vm0, $0xb8;
	[tilespmem:$0x18980] =	vst v63  }
0x2f3: {  	_ =	swait.ge [sflag:s29], $0xC000  }
0x2f4: {  	[sflag:s29] =	ssyncset.done $0x0  }
0x2f5: {  	s1 =	rddreg [dreg:$0x8];
	[sflag:s29] =	ssyncadd.s32 $0xFFFF4000  }
0x2f6: {  	[hbm4b:s1+s3] =	stream.linear.scatter [tilespmem:s5], [sflag:$0x4], $0xC000, $0x38;
	[tilespmem:$0x18980] =	vst v63  }
0x2f7: {  	v56 =	vld [tilespmem:s4+$0xF0];
	_ =	sdelay $0x4  }
0x2f8: {  	v4 =	vadd.s32 $0xFFFFFFFF, v56  }
0x2f9: {  	v57 =	vsub.s32 $0x0, v4  }
0x2fa: {  	v4 =	vmin.u32 v4, v57  }
0x2fb: {  	vm1 =	vlt.s32 v4, $0x1  }
0x2fc: {  	v4 =	vnsel vm1, $0x1, v4  }
0x2fd: {  	[tilespmem:$0x910] =	vst v4  }
0x2fe: {  	v58 =	vld [tilespmem:$0x90F];
	_ =	sdelay $0x4  }
0x2ff: {  	v5 =	vadd.s32 v58, v4  }
0x300: {  	[tilespmem:$0x910] =	vst v5  }
0x301: {  	v59 =	vld [tilespmem:$0x90E]  }
0x302: {  	(v2sf) =	vpush v3, $0xF;
	_ =	sdelay $0x3  }
0x303: {  	v3 =	vadd.s32 v59, v5  }
0x304: {  	[tilespmem:$0x910] =	vst v3  }
0x305: {  	v60 =	vld [tilespmem:$0x90C];
	_ =	sdelay $0x4  }
0x306: {  	v3 =	vadd.s32 v3, v60  }
0x307: {  	[tilespmem:$0x910] =	vst v3  }
0x308: {  	v61 =	vld [tilespmem:$0x908];
	_ =	sdelay $0x1  }
0x309: {  	s1 =	spop (v2sf)  }
0x30a: {  	s0 =	sadd.s32 s0, s1  }
0x30b: {  	v3 =	vadd.s32 s0, v3  }
0x30c: {  	v3 =	vadd.s32 v61, v3  }
0x30d: {  	v3 =	vmul.u32 v4, v3;
	_ =	sdelay $0x1  }
0x30e: {  	v3 =	vadd.s32 $0x1, v3  }
0x30f: {  	v62 =	vshll.u32 v3, $0x3  }
0x310: {  	v63 =	vand.u32 $0x7, v3;
	v4 =	vand.u32 $0xFFFFFFC0, v62  }
0x311: {  	v4 =	vor.u32 v63, v4  }
0x312: {  	v5 =	vperm.xlane v4, v0;
	_ =	sdelay $0x1  }
0x313: {  	v5 =	vadd.s32 v1, v5  }
0x314: {  	[tilespmem:$0x8F0] =	vst v3  }
0x315: {  	_ =	swait.ge [sflag:s30], $0xC000  }
0x316: {  	[sflag:s30] =	ssyncset.done $0x0  }
0x317: {  	[sflag:s30] =	ssyncadd.s32 $0xFFFF4000  }
0x318: {  	[tilespmem:s5], [sflag:$0x2] =	stream.indirect_vreg.gather [hbm4b:s2+s3], $0x80, v5, vm0, $0xb8;
	[tilespmem:$0x18980] =	vst v63  }
0x319: {  	s1 =	simm.s32 $0xD180;
	v3 =	vperm.xlane v4, v2  }
0x31a: {  	[tilespmem:s1], [sflag:$0x2] =	stream.indirect_vreg.gather [hbm4b:s6+s3], $0x80, v5, vm0, $0xb8;
	[tilespmem:$0x18980] =	vst v63  }
0x31b: {  	v3 =	vadd.s32 v1, v3;
	s1 =	simm.s32 $0xD980  }
0x31c: {  	[tilespmem:s1], [sflag:$0x2] =	stream.indirect_vreg.gather [hbm4b:s7+s3], $0x80, v5, vm0, $0xb8;
	[tilespmem:$0x18980] =	vst v63  }
0x31d: {  	s1 =	simm.s32 $0xE180  }
0x31e: {  	[tilespmem:s1], [sflag:$0x2] =	stream.indirect_vreg.gather [hbm4b:s8+s3], $0x80, v5, vm0, $0xb8;
	[tilespmem:$0x18980] =	vst v63  }
0x31f: {  	s1 =	simm.s32 $0xE980  }
0x320: {  	[tilespmem:s1], [sflag:$0x2] =	stream.indirect_vreg.gather [hbm4b:s2+s3], $0x80, v3, vm0, $0xb8;
	[tilespmem:$0x18980] =	vst v63  }
0x321: {  	s1 =	simm.s32 $0xF180  }
0x322: {  	[tilespmem:s1], [sflag:$0x2] =	stream.indirect_vreg.gather [hbm4b:s6+s3], $0x80, v3, vm0, $0xb8;
	[tilespmem:$0x18980] =	vst v63  }
0x323: {  	s1 =	simm.s32 $0xF980  }
0x324: {  	[tilespmem:s1], [sflag:$0x2] =	stream.indirect_vreg.gather [hbm4b:s7+s3], $0x80, v3, vm0, $0xb8;
	[tilespmem:$0x18980] =	vst v63  }
0x325: {  	s1 =	simm.s32 $0x10180  }
0x326: {  	[tilespmem:s1], [sflag:$0x2] =	stream.indirect_vreg.gather [hbm4b:s8+s3], $0x80, v3, vm0, $0xb8;
	[tilespmem:$0x18980] =	vst v63  }
0x327: {  	_ =	swait.ge [sflag:s26], $0xC000  }
0x328: {  	[sflag:s26] =	ssyncset.done $0x0  }
0x329: {  	s1 =	rddreg [dreg:$0x9];
	[sflag:s26] =	ssyncadd.s32 $0xFFFF4000  }
0x32a: {  	[hbm4b:s1+s3] =	stream.linear.scatter [tilespmem:s17], [sflag:$0x3], $0xC000, $0x38;
	[tilespmem:$0x18980] =	vst v63  }
0x32b: {  	_ =	swait.ge [sflag:s29], $0x4000  }
0x32c: {  	[sflag:s29] =	ssyncset.done $0x0  }
0x32d: {  	s1 =	rddreg [dreg:$0xa];
	[sflag:s29] =	ssyncadd.s32 $0xFFFFC000  }
0x32e: {  	[hbm4b:s1+s3] =	stream.linear.scatter [tilespmem:s5], [sflag:$0x4], $0x4000, $0x38;
	[tilespmem:$0x18980] =	vst v63  }
0x32f: {  	_ =	swait.ge [sflag:s28], $0xC000  }
0x330: {  	[sflag:s28] =	ssyncset.done $0x0  }
0x331: {  	[sflag:s28] =	ssyncadd.s32 $0xFFFF4000  }
0x332: {  	_ =	swait.ge [sflag:s30], $0x4000  }
0x333: {  	s31 =	sadd.s32 $0x1, s31;
	s1 =	rddreg [dreg:$0xb]  }
0x334: {  	p1 =	sne.s32 s31, s1  }
.Ltmp1:
0x335: {  	_ = 	snop;
	(pc) =	sbr.rel @!p1 .LBB2_9-.Ltmp1, $3  }
0x336: {  	_ =	sdelay $0x1  }
0x337: {  	[sflag:s30] =	ssyncset.done $0x0  }
0x338: {  	[sflag:s30] =	ssyncadd.s32 $0xFFFFC000  }
.LBB2_1:
0x339: {  	s0 =	rddreg [dreg:$0x4]  }
0x33a: {  	[tilespmem:s3], [sflag:$0x5] =	stream.linear.gather [hbm4b:s0+s3], $0x800, $0x38;
	[tilespmem:$0x18980] =	vst v63  }
.Ltmp2:
0x33b: {  	s1 =	simm.s32 $0x5;
	(pc) =	sbr.rel @p0 .LBB2_8-.Ltmp2, $4  }
0x33c: {  	_ =	swait.ge [sflag:s1], $0x800  }
0x33d: {  	[sflag:s1] =	ssyncset.done $0x0  }
0x33e: {  	v3 =	vimm.s32 $0x0;
	[sflag:s1] =	ssyncadd.s32 $0xFFFFF800  }
0x33f: {  	s0 =	simm.s32 $0x20;
	[tilespmem:$0x900] =	vst v3  }
0x340: {  	s1 =	rddreg [dreg:$0xc]  }
0x341: {  	p2 =	sne.s32 s1, $0x1  }
.Ltmp3:
0x342: {  	_ = 	snop;
	(pc) =	sbr.rel @!p2 .LBB2_3-.Ltmp3, $3  }
0x343: {  	_ = 	snop  }
0x344: {  	v4 =	vld [tilespmem:s0+$0x10];
	_ =	sdelay $0x1  }
0x345: {  	p1 =	por $0x0, $0x0;
	s1 =	sadd.s32 $0xFFFFFFFF, s1  }
0x346: {  	v5 =	vld [tilespmem:s0+$0xFFFFFFF0]  }
0x347: {  	v6 =	vld [tilespmem:s0+$0x0]  }
0x348: {  	v7 =	vld [tilespmem:s0+$0xFFFFFFE0];
	_ =	sdelay $0x1  }
0x349: {  	p2 =	sne.s32 s1, $0x1  }
.Ltmp4:
0x34a: {  	v4 =	vadd.s32 $0xFFFFFFFF, v4;
	(pc) =	sbr.rel @!p2 .LBB2_5-.Ltmp4, $4  }
0x34b: {  	s0 =	sadd.s32 $0x40, s0;
	v8 =	vimm.s32 $0x0;
	v9 =	vadd.s32 $0xFFFFFFFF, v5;
	v5 =	vsub.s32 $0x0, v4  }
0x34c: {  	v10 =	vadd.s32 $0xFFFFFFFF, v6;
	v12 =	vadd.s32 $0xFFFFFFFF, v7;
	v13 =	vmin.u32 v4, v5;
	v4 =	vld [tilespmem:s0+$0x10]  }
0x34d: {  	v6 =	vimm.s32 $0x0;
	v7 =	vimm.s32 $0x0;
	v11 =	vsub.s32 $0x0, v9  }
0x34e: {  	s1 =	sadd.s32 $0xFFFFFFFF, s1;
	p1 =	por $0x1, $0x1;
	v14 =	vsub.s32 $0x0, v10;
	v5 =	vimm.s32 $0x0;
	vm1 =	vlt.s32 v13, $0x1  }
.LBB2_6:
0x34f: {  	p2 =	sne.s32 s1, $0x1;
	v15 =	vld [tilespmem:s0+$0xFFFFFFF0];
	v16 =	vsub.s32 $0x0, v12;
	v9 =	vmin.u32 v9, v11;
	v11 =	vnsel vm1, $0x1, v13  }
0x350: {  	v10 =	vmin.u32 v10, v14;
	v13 =	vld [tilespmem:s0+$0x0];
	v12 =	vmin.u32 v12, v16;
	v5 =	vadd.s32 v5, v11  }
0x351: {  	vm2 =	vlt.s32 v9, $0x1;
	vm3 =	vlt.s32 v10, $0x1;
	v14 =	vld [tilespmem:s0+$0xFFFFFFE0];
	vm1 =	vlt.s32 v12, $0x1  }
.Ltmp5:
0x352: {  	v9 =	vnsel vm2, $0x1, v9;
	v10 =	vnsel vm3, $0x1, v10;
	v11 =	vnsel vm1, $0x1, v12;
	(pc) =	sbr.rel @p2 .LBB2_6-.Ltmp5, $4  }
0x353: {  	v4 =	vadd.s32 $0xFFFFFFFF, v4;
	v7 =	vadd.s32 v7, v9;
	v6 =	vadd.s32 v6, v11  }
0x354: {  	v12 =	vsub.s32 $0x0, v4;
	v8 =	vadd.s32 v8, v10;
	v9 =	vadd.s32 $0xFFFFFFFF, v15  }
0x355: {  	s0 =	sadd.s32 $0x40, s0;
	v11 =	vsub.s32 $0x0, v9;
	v10 =	vadd.s32 $0xFFFFFFFF, v13;
	v13 =	vmin.u32 v4, v12  }
0x356: {  	s1 =	sadd.s32 $0xFFFFFFFF, s1;
	v4 =	vld [tilespmem:s0+$0x10];
	v12 =	vadd.s32 $0xFFFFFFFF, v14;
	v14 =	vsub.s32 $0x0, v10;
	vm1 =	vlt.s32 v13, $0x1  }
.Ltmp6:
0x357: {  	_ = 	snop;
	(pc) =	sbr.rel .LBB2_7-.Ltmp6, $1  }
0x358: {  	_ =	sdelay $0x3  }
.LBB2_5:
.Ltmp7:
0x359: {  	(pc) =	sbr.rel .LBB2_7-.Ltmp7, $3  }
0x35a: {  	_ =	sdelay $0x1  }
0x35b: {  	v5 =	vimm.s32 $0x0  }
0x35c: {  	v6 =	vimm.s32 $0x0;
	v7 =	vimm.s32 $0x0;
	v8 =	vimm.s32 $0x0  }
.LBB2_9:
0x35d: {  	_ =	sfence.sel $0x180000  }
0x35e: {  	[bflag:$0x0] =	sbarrier.arrive $0xFFFF  }
0x35f: {  	_ =	strace $0x90000047  }
0x360: {  	s0 =	stileid.u32;
	[bflag:$0x2] =	sbarrier.arrive $0xFFFF  }
0x361: {  	p0 =	sne.s32 s0, $0x0;
	s0 =	rddreg [dreg:$0x3]  }
0x362: {  	s0 =	sadd.s32 @!p0 $0x100000, s0  }
0x363: {  	[sflag:s0] =	ssyncadd.tile.s32 @!p0 $0x1;
	_ =	shalt  }
.Lfunc_end2:
_tile_overlayer_lowered:
.L_overlay_start_2:
0x364: {  	(tag) =	ssettag $0x2  }
0x365: {  	s0 =	rddreg [dreg:$0x0];
	s2 =	stileid.u32  }
0x366: {  	s1 =	rddreg [dreg:$0x1];
	p0 =	sne.s32 s2, $0x0  }
0x367: {  	s3 =	rddreg [dreg:$0x2];
	[bflag:$0x3] =	sbarrier.arrive $0xFFFF;
	s2 =	simm.s32 @!p0 $0x1C05  }
0x368: {  	[timem:s3], [sflag:s2] =	dma.local @!p0 [hbm:s0], s1  }
0x369: {  	s0 =	simm.s32 @!p0 $0x5  }
0x36a: {  	_ =	swait.ge @!p0 [sflag:s0], s1  }
0x36b: {  	s1 =	ssub.s32 @!p0 $0x0, s1;
	[sflag:s0] =	ssyncset.done @!p0 $0x0  }
0x36c: {  	[sflag:s0] =	ssyncadd.s32 @!p0 s1  }
0x36d: {  	[bflag:$0x3] =	sbarrier.arrive $0xFFFF  }
0x36e: {  	_ =	shalt  }

</sc_bundles>
